<compile_context>
chip_gen: v7x
topology: tpu7x:2x2x1
jax: 0.10.2.dev20260603
libtpu: 0.0.44.dev20260713+nightly
codegen_flags: <defaults>
</compile_context>

<pallas_src>
import jax
import jax.numpy as jnp
from jax import lax
from jax.experimental import pallas as pl
from jax.experimental.pallas import tpu as pltpu
from jax.experimental.pallas import tpu_sc as plsc

NC = 2
NS = 16
NW = NC * NS
LANES = 16
EB = 3200

F32 = jnp.float32
I32 = jnp.int32


def _mesh():
    return plsc.VectorSubcoreMesh(core_axis_name="c", subcore_axis_name="s",
                                  num_cores=NC, num_subcores=NS)


_SC_PARAMS = pltpu.CompilerParams(needs_layout_passes=False)


def _worker_ids():
    cid = lax.axis_index("c")
    sid = lax.axis_index("s")
    return cid, sid, cid * NS + sid


def _zero_spmem(acc, zbuf, sid, npad):
    stripe = npad // NS
    nvec = stripe // LANES

    def zb(i, _):
        zbuf[pl.ds(i * LANES, LANES)] = jnp.zeros((LANES,), F32)
        return 0

    lax.fori_loop(0, nvec, zb, 0)
    pltpu.sync_copy(zbuf, acc.at[pl.ds(sid * stripe, stripe)])


def _read_spmem(acc, obuf, out_hbm, cid, sid, npad):
    stripe = npad // NS
    pltpu.sync_copy(acc.at[pl.ds(sid * stripe, stripe)], obuf)
    pltpu.sync_copy(obuf, out_hbm.at[pl.ds(cid * npad + sid * stripe, stripe)])


def _block_loop(wid, nblocks, fn):
    lo, extra = nblocks // NW, nblocks % NW
    bstart = wid * lo + jnp.minimum(wid, extra)
    nb = lo + jnp.where(wid < extra, 1, 0)

    def step(b, _):
        fn(bstart + b)
        return 0

    lax.fori_loop(0, nb, step, 0)


def _p1_deg(eflat, n_edges, npad):
    nblocks = n_edges // EB

    def body(e_hbm, out_hbm, dbuf, ones, zbuf, acc):
        cid, sid, wid = _worker_ids()
        _zero_spmem(acc, zbuf, sid, npad)

        def fill_ones(k, _):
            ones[pl.ds(k * LANES, LANES)] = jnp.ones((LANES,), F32)
            return 0

        lax.fori_loop(0, EB // LANES, fill_ones, 0)
        plsc.subcore_barrier()

        def blk(bid):
            pltpu.sync_copy(e_hbm.at[pl.ds(n_edges + bid * EB, EB)], dbuf)
            pltpu.sync_copy(ones, acc.at[dbuf], add=True)

        _block_loop(wid, nblocks, blk)
        plsc.subcore_barrier()
        _read_spmem(acc, zbuf, out_hbm, cid, sid, npad)

    return pl.kernel(
        body,
        out_type=jax.ShapeDtypeStruct((NC * npad,), F32),
        mesh=_mesh(),
        compiler_params=_SC_PARAMS,
        scratch_types=[
            pltpu.VMEM((EB,), I32),
            pltpu.VMEM((EB,), F32),
            pltpu.VMEM((npad // NS,), F32),
            pltpu.VMEM_SHARED((npad,), F32),
        ],
    )(eflat)


def _p2_s1(eflat, dinv, t, n_edges, npad):
    nblocks = n_edges // EB

    def body(e_hbm, dinv_hbm, t_hbm, s1_hbm, norm_hbm,
             sbuf, dbuf, nbuf, vbuf, dinv_t, t_t, zbuf, acc, sem):
        cid, sid, wid = _worker_ids()
        _zero_spmem(acc, zbuf, sid, npad)
        ct = pltpu.async_copy(dinv_hbm, dinv_t, sem)
        ct2 = pltpu.async_copy(t_hbm, t_t, sem)
        ct.wait()
        ct2.wait()
        plsc.subcore_barrier()

        def blk(bid):
            c1 = pltpu.async_copy(e_hbm.at[pl.ds(bid * EB, EB)], sbuf, sem)
            c2 = pltpu.async_copy(e_hbm.at[pl.ds(n_edges + bid * EB, EB)],
                                  dbuf, sem)
            c1.wait()
            c2.wait()

            def grp(k):
                o = pl.ds(k * LANES, LANES)
                idx_s = sbuf[o]
                idx_d = dbuf[o]
                dv_s = plsc.load_gather(dinv_t, [idx_s])
                dv_d = plsc.load_gather(dinv_t, [idx_d])
                ts = plsc.load_gather(t_t, [idx_s])
                nbuf[o] = dv_s * dv_d
                vbuf[o] = ts * dv_d

            plsc.parallel_loop(0, EB // LANES, unroll=8)(grp)
            pltpu.sync_copy(vbuf, acc.at[dbuf], add=True)
            pltpu.sync_copy(nbuf, norm_hbm.at[pl.ds(bid * EB, EB)])

        _block_loop(wid, nblocks, blk)
        plsc.subcore_barrier()
        _read_spmem(acc, zbuf, s1_hbm, cid, sid, npad)

    return pl.kernel(
        body,
        out_type=(jax.ShapeDtypeStruct((NC * npad,), F32),
                  jax.ShapeDtypeStruct((n_edges,), F32)),
        mesh=_mesh(),
        compiler_params=_SC_PARAMS,
        scratch_types=[
            pltpu.VMEM((EB,), I32),
            pltpu.VMEM((EB,), I32),
            pltpu.VMEM((EB,), F32),
            pltpu.VMEM((EB,), F32),
            pltpu.VMEM((npad,), F32),
            pltpu.VMEM((npad,), F32),
            pltpu.VMEM((npad // NS,), F32),
            pltpu.VMEM_SHARED((npad,), F32),
            pltpu.SemaphoreType.DMA,
        ],
    )(eflat, dinv, t)


def _p3_ab(eflat, norm, s1, n_edges, npad):
    nblocks = n_edges // EB

    def body(e_hbm, norm_hbm, s1_hbm, a_hbm, b_hbm,
             sbuf, dbuf, nbuf, vabuf, vbbuf, s1_t, zbuf, acca, accb, sem):
        cid, sid, wid = _worker_ids()
        _zero_spmem(acca, zbuf, sid, npad)
        _zero_spmem(accb, zbuf, sid, npad)
        pltpu.sync_copy(s1_hbm, s1_t)
        plsc.subcore_barrier()

        def blk(bid):
            c1 = pltpu.async_copy(e_hbm.at[pl.ds(bid * EB, EB)], sbuf, sem)
            c2 = pltpu.async_copy(e_hbm.at[pl.ds(n_edges + bid * EB, EB)],
                                  dbuf, sem)
            c3 = pltpu.async_copy(norm_hbm.at[pl.ds(bid * EB, EB)], nbuf, sem)
            c1.wait()
            c2.wait()
            c3.wait()

            def grp(k):
                o = pl.ds(k * LANES, LANES)
                idx_s = sbuf[o]
                nm = nbuf[o]
                ss = plsc.load_gather(s1_t, [idx_s])
                zero = jnp.zeros((LANES,), F32)
                vabuf[o] = nm * jnp.maximum(ss, zero)
                vbbuf[o] = nm * jnp.minimum(ss, zero)

            plsc.parallel_loop(0, EB // LANES, unroll=8)(grp)
            pltpu.sync_copy(vabuf, acca.at[dbuf], add=True)
            pltpu.sync_copy(vbbuf, accb.at[dbuf], add=True)

        _block_loop(wid, nblocks, blk)
        plsc.subcore_barrier()
        _read_spmem(acca, zbuf, a_hbm, cid, sid, npad)
        _read_spmem(accb, zbuf, b_hbm, cid, sid, npad)

    return pl.kernel(
        body,
        out_type=(jax.ShapeDtypeStruct((NC * npad,), F32),
                  jax.ShapeDtypeStruct((NC * npad,), F32)),
        mesh=_mesh(),
        compiler_params=_SC_PARAMS,
        scratch_types=[
            pltpu.VMEM((EB,), I32),
            pltpu.VMEM((EB,), I32),
            pltpu.VMEM((EB,), F32),
            pltpu.VMEM((EB,), F32),
            pltpu.VMEM((EB,), F32),
            pltpu.VMEM((npad,), F32),
            pltpu.VMEM((npad // NS,), F32),
            pltpu.VMEM_SHARED((npad,), F32),
            pltpu.VMEM_SHARED((npad,), F32),
            pltpu.SemaphoreType.DMA,
        ],
    )(eflat, norm, s1)


def _p4_gather(eflat, a, b, n_edges, npad):
    nblocks = n_edges // EB

    def body(e_hbm, a_hbm, b_hbm, out_hbm,
             sbuf, dbuf, o0, o1, o2, o3, a_t, b_t, sem):
        cid, sid, wid = _worker_ids()
        ct = pltpu.async_copy(a_hbm, a_t, sem)
        ct2 = pltpu.async_copy(b_hbm, b_t, sem)
        ct.wait()
        ct2.wait()

        def blk(bid):
            c1 = pltpu.async_copy(e_hbm.at[pl.ds(bid * EB, EB)], sbuf, sem)
            c2 = pltpu.async_copy(e_hbm.at[pl.ds(n_edges + bid * EB, EB)],
                                  dbuf, sem)
            c1.wait()
            c2.wait()

            def grp(k):
                o = pl.ds(k * LANES, LANES)
                idx_s = sbuf[o]
                idx_d = dbuf[o]
                o0[o] = plsc.load_gather(a_t, [idx_s])
                o1[o] = plsc.load_gather(b_t, [idx_s])
                o2[o] = plsc.load_gather(a_t, [idx_d])
                o3[o] = plsc.load_gather(b_t, [idx_d])

            plsc.parallel_loop(0, EB // LANES, unroll=8)(grp)
            outs = [
                pltpu.async_copy(
                    ob, out_hbm.at[pl.ds(k * n_edges + bid * EB, EB)], sem)
                for k, ob in enumerate((o0, o1, o2, o3))]
            for c in outs:
                c.wait()

        _block_loop(wid, nblocks, blk)

    return pl.kernel(
        body,
        out_type=jax.ShapeDtypeStruct((4 * n_edges,), F32),
        mesh=_mesh(),
        compiler_params=_SC_PARAMS,
        scratch_types=[
            pltpu.VMEM((EB,), I32),
            pltpu.VMEM((EB,), I32),
            pltpu.VMEM((EB,), F32),
            pltpu.VMEM((EB,), F32),
            pltpu.VMEM((EB,), F32),
            pltpu.VMEM((EB,), F32),
            pltpu.VMEM((npad,), F32),
            pltpu.VMEM((npad,), F32),
            pltpu.SemaphoreType.DMA,
        ],
    )(eflat, a, b)


def _g1(degp, x2d):
    def body(dp_ref, x_ref, dinv_ref, t_ref):
        deg = dp_ref[0] + dp_ref[1] + 1.0
        dinv = lax.rsqrt(deg)
        dinv_ref[...] = dinv
        t_ref[...] = dinv * x_ref[...]

    shp = jax.ShapeDtypeStruct(x2d.shape, F32)
    return pl.pallas_call(body, out_shape=(shp, shp))(degp, x2d)


def _g2(s1p, dinv2d, t2d):
    def body(sp_ref, dinv_ref, t_ref, s1_ref):
        s1_ref[...] = sp_ref[0] + sp_ref[1] + dinv_ref[...] * t_ref[...]

    shp = jax.ShapeDtypeStruct(dinv2d.shape, F32)
    return pl.pallas_call(body, out_shape=shp)(s1p, dinv2d, t2d)


def _g3(ap, bp, s12d, dinv2d):
    def body(ap_ref, bp_ref, s1_ref, dinv_ref, a_ref, b_ref):
        s1 = s1_ref[...]
        d2 = dinv_ref[...] * dinv_ref[...]
        a_ref[...] = ap_ref[0] + ap_ref[1] + d2 * jnp.maximum(s1, 0.0)
        b_ref[...] = bp_ref[0] + bp_ref[1] + d2 * jnp.minimum(s1, 0.0)

    shp = jax.ShapeDtypeStruct(dinv2d.shape, F32)
    return pl.pallas_call(body, out_shape=(shp, shp))(ap, bp, s12d, dinv2d)


def _decode(ep4, W1, W2, b2, Wl, bl, e):
    BLK = 16000
    grid = (e // BLK,)

    def body(e_ref, w1_ref, w2_ref, b2_ref, wl_ref, bl_ref, out_ref):
        w1 = w1_ref[...]
        w2 = w2_ref[...]
        u = jnp.dot(jnp.maximum(w1, 0.0), w2,
                    preferred_element_type=F32)
        v = jnp.dot(jnp.minimum(w1, 0.0), w2,
                    preferred_element_type=F32)
        zero = jnp.zeros((1, 64), F32)
        ws = jnp.concatenate([u, v, zero, zero], axis=0)
        wd = jnp.concatenate([zero, zero, u, v], axis=0)
        b2c = b2_ref[...].reshape(-1, 1)

        ept = e_ref[...]
        zs = jnp.maximum(
            lax.dot_general(ws, ept, (((0,), (0,)), ((), ())),
                            preferred_element_type=F32) + b2c, 0.0)
        zd = jnp.maximum(
            lax.dot_general(wd, ept, (((0,), (0,)), ((), ())),
                            preferred_element_type=F32) + b2c, 0.0)
        rep = zs * zd
        logits = lax.dot_general(wl_ref[...], rep,
                                 (((0,), (0,)), ((), ())),
                                 preferred_element_type=F32)
        logits = logits + bl_ref[...].reshape(-1, 1)
        m = jnp.max(logits, axis=0, keepdims=True)
        ex = jnp.exp(logits - m)
        out_ref[...] = ex / jnp.sum(ex, axis=0, keepdims=True)

    return pl.pallas_call(
        body,
        grid=grid,
        in_specs=[
            pl.BlockSpec((4, BLK), lambda i: (0, i)),
            pl.BlockSpec((1, 128), lambda i: (0, 0)),
            pl.BlockSpec((128, 64), lambda i: (0, 0)),
            pl.BlockSpec((64,), lambda i: (0,)),
            pl.BlockSpec((64, 5), lambda i: (0, 0)),
            pl.BlockSpec((5,), lambda i: (0,)),
        ],
        out_specs=pl.BlockSpec((5, BLK), lambda i: (0, i)),
        out_shape=jax.ShapeDtypeStruct((5, e), F32),
    )(ep4.reshape(4, e), W1, W2, b2, Wl, bl)


def kernel(x, edge_index, W1, b1, W2, b2, Wl, bl):
    n = x.shape[0]
    e = edge_index.shape[1]
    npad = ((n + 2047) // 2048) * 2048

    eflat = edge_index.astype(I32).reshape(2 * e)

    xflat = jnp.pad(x[:, 0], (0, npad - n))
    x2d = xflat.reshape(-1, 128)

    degp = _p1_deg(eflat, e, npad)
    dinv2d, t2d = _g1(degp.reshape(NC, -1, 128), x2d)
    s1p, norm = _p2_s1(eflat, dinv2d.reshape(npad), t2d.reshape(npad),
                       e, npad)
    s12d = _g2(s1p.reshape(NC, -1, 128), dinv2d, t2d)
    ap, bp = _p3_ab(eflat, norm, s12d.reshape(npad), e, npad)
    a2d, b2d = _g3(ap.reshape(NC, -1, 128), bp.reshape(NC, -1, 128),
                   s12d, dinv2d)
    ep4 = _p4_gather(eflat, a2d.reshape(npad), b2d.reshape(npad), e, npad)
    return _decode(ep4, W1, W2, b2, Wl, bl, e).T

# --- scband reference (transcript-rebuilt; emitter-appended) ---
"""Pipeline reference for scband-gcnjoint-representation-71622874628514 (READ-ONLY COPY).

The authoritative reference and input builder live on the scoring server;
editing this copy changes nothing except your own understanding.
"""

import jax, jax.numpy as jnp
import numpy as np

N_NODES = 50000
N_EDGES = 800000


def glorot(key, shape):
    fan_in, fan_out = shape[0], shape[1]
    limit = float(np.sqrt(6.0 / (fan_in + fan_out)))
    return jax.random.uniform(key, shape, dtype=jnp.float32, minval=-limit, maxval=limit)


def setup_inputs(seed: int = 0) -> dict:
    key = jax.random.key(seed)
    ks = [jax.random.fold_in(key, i) for i in range(10)]
    x = jax.random.normal(ks[0], (N_NODES, 1), dtype=jnp.float32)
    edge_index = jax.random.randint(ks[1], (2, N_EDGES), 0, N_NODES, dtype=jnp.int64)
    W1 = glorot(ks[2], (1, 128))
    b1 = jnp.zeros((128,), dtype=jnp.float32)
    W2 = glorot(ks[3], (128, 64))
    b2 = jnp.zeros((64,), dtype=jnp.float32)
    Wl = glorot(ks[4], (64, 5))
    bl = jnp.zeros((5,), dtype=jnp.float32)
    return {"x": x, "edge_index": edge_index, "W1": W1, "b1": b1, "W2": W2, "b2": b2, "Wl": Wl, "bl": bl}


def gcn_conv(x, edge_index, W, b):
    # Faithful PyG GCNConv: add self-loops, sym-normalize, propagate, add bias
    n = x.shape[0]
    loop = jnp.arange(n, dtype=edge_index.dtype)
    src = jnp.concatenate([edge_index[0], loop])
    dst = jnp.concatenate([edge_index[1], loop])
    deg = jnp.zeros((n,), dtype=jnp.float32).at[dst].add(1.0)
    dinv = jnp.where(deg > 0, 1.0 / jnp.sqrt(deg), 0.0)
    norm = dinv[src] * dinv[dst]
    h = x @ W
    msg = h[src] * norm[:, None]
    out = jnp.zeros((n, h.shape[1]), dtype=jnp.float32).at[dst].add(msg)
    return out + b


def reference(x, edge_index, W1, b1, W2, b2, Wl, bl):
    # encode: two GCN layers with relu (module applies .relu() after each conv)
    z = jax.nn.relu(gcn_conv(x, edge_index, W1, b1))
    z = jax.nn.relu(gcn_conv(z, edge_index, W2, b2))
    # decode: hadamard of endpoint embeddings -> linear -> softmax
    rep = z[edge_index[0]] * z[edge_index[1]]
    logits = rep @ Wl + bl
    return jax.nn.softmax(logits, axis=-1)

if __name__ == "__main__":
    import jax
    _d = setup_inputs()
    print(jax.jit(kernel)(*tuple(_d.values())))

</pallas_src>

<mosaic_0001>
#map = affine_map<(d0, d1) -> (0)>
module attributes {stable_mosaic.version = 14 : i64} {
  func.func @body(%arg0: i32, %arg1: i32, %arg2: memref<1600000xi32, #tpu.memory_space<hbm>>, %arg3: memref<51200xf32, #tpu.memory_space<hbm>>, %arg4: memref<51200xf32, #tpu.memory_space<hbm>>, %arg5: memref<102400xf32, #tpu.memory_space<hbm>>, %arg6: memref<800000xf32, #tpu.memory_space<hbm>>, %arg7: memref<3200xi32, #tpu.memory_space<vmem>>, %arg8: memref<3200xi32, #tpu.memory_space<vmem>>, %arg9: memref<3200xf32, #tpu.memory_space<vmem>>, %arg10: memref<3200xf32, #tpu.memory_space<vmem>>, %arg11: memref<51200xf32, #tpu.memory_space<vmem>>, %arg12: memref<51200xf32, #tpu.memory_space<vmem>>, %arg13: memref<3200xf32, #tpu.memory_space<vmem>>, %arg14: memref<51200xf32, #tpu.memory_space<vmem_shared>>, %arg15: memref<!tpu.dma_semaphore, #tpu.memory_space<semaphore_mem>>) attributes {dimension_semantics = [#tpu.dimension_semantics<core_parallel>, #tpu.dimension_semantics<subcore_parallel>], iteration_bounds = array<i64: 2, 16>, scalar_prefetch = 0 : i64, scratch_operands = 9 : i64, tpu.core_type = #tpu.core_type<sc_vector_subcore>, window_params = [{transform_indices = #map}, {transform_indices = #map}, {transform_indices = #map}, {transform_indices = #map}, {transform_indices = #map}]} {
    %mul3A = arith.constant 16 : i32
    %mul3A_0 = arith.muli %arg0, %mul3A : i32
    %add3A = arith.addi %mul3A_0, %arg1 : i32
    %scan3A = arith.constant 0 : i32
    %scan3A_1 = arith.constant 0 : i32
    %scan3A_2 = arith.constant 200 : i32
    %scan3A_3 = arith.addi %scan3A_1, %scan3A_2 : i32
    %scan3A_4 = arith.constant 1 : i32
    %scan3A_5 = scf.for %scan3A_36 = %scan3A_1 to %scan3A_3 step %scan3A_4 iter_args(%scan3A_37 = %scan3A) -> (i32)  : i32 {
      %broadcast_in_dim3A = arith.constant 0.000000e+00 : f32
      %broadcast_in_dim3A_38 = vector.broadcast %broadcast_in_dim3A : f32 to vector<16xf32>
      %mul3A_39 = arith.constant 16 : i32
      %mul3A_40 = arith.muli %scan3A_36, %mul3A_39 : i32
      %swap3A = arith.index_cast %mul3A_40 : i32 to index
      %swap3A_41 = tpu.vector_load %arg13[%swap3A] {strides = array<i32>} : memref<3200xf32, #tpu.memory_space<vmem>>, vector<16xf32>,
      tpu.vector_store %arg13[%swap3A], %broadcast_in_dim3A_38 {strides = array<i32>} : memref<3200xf32, #tpu.memory_space<vmem>>, vector<16xf32>,
      %scan3A_42 = arith.constant 0 : i32
      scf.yield %scan3A_42 : i32
    }
    %scan3A_6 = arith.constant 200 : i32
    %mul3A_7 = arith.constant 3200 : i32
    %mul3A_8 = arith.muli %arg1, %mul3A_7 : i32
    "tpu.region"() ({
      %run_scoped3A = tpu.sem_alloc : memref<!tpu.dma_semaphore, #tpu.memory_space<semaphore_mem>>
      %dma_start3A = tpu.memref_slice %arg14[%mul3A_8] : memref<51200xf32, #tpu.memory_space<vmem_shared>> -> memref<3200xf32, #tpu.memory_space<vmem_shared>>
      %dma_start3A_36 = tpu.memref_slice %arg14[%mul3A_8] : memref<51200xf32, #tpu.memory_space<vmem_shared>> -> memref<3200xf32, #tpu.memory_space<vmem_shared>>
      tpu.enqueue_dma source(%arg13 : memref<3200xf32, #tpu.memory_space<vmem>>) target(%dma_start3A_36 : memref<3200xf32, #tpu.memory_space<vmem_shared>>) target_semaphore(%run_scoped3A : memref<!tpu.dma_semaphore, #tpu.memory_space<semaphore_mem>>)
      %dma_wait3A = tpu.memref_slice %arg14[%mul3A_8] : memref<51200xf32, #tpu.memory_space<vmem_shared>> -> memref<3200xf32, #tpu.memory_space<vmem_shared>>
      %dma_wait3A_37 = tpu.memref_slice %arg14[%mul3A_8] : memref<51200xf32, #tpu.memory_space<vmem_shared>> -> memref<3200xf32, #tpu.memory_space<vmem_shared>>
      tpu.wait_dma2 semaphore(%run_scoped3A : memref<!tpu.dma_semaphore, #tpu.memory_space<semaphore_mem>>) src(%arg13 : memref<3200xf32, #tpu.memory_space<vmem>>) dst(%dma_wait3A_37 : memref<3200xf32, #tpu.memory_space<vmem_shared>>)
      tpu.yield
    }) : () -> ()
    tpu.enqueue_dma source(%arg3 : memref<51200xf32, #tpu.memory_space<hbm>>) target(%arg11 : memref<51200xf32, #tpu.memory_space<vmem>>) target_semaphore(%arg15 : memref<!tpu.dma_semaphore, #tpu.memory_space<semaphore_mem>>)
    tpu.enqueue_dma source(%arg4 : memref<51200xf32, #tpu.memory_space<hbm>>) target(%arg12 : memref<51200xf32, #tpu.memory_space<vmem>>) target_semaphore(%arg15 : memref<!tpu.dma_semaphore, #tpu.memory_space<semaphore_mem>>)
    tpu.wait_dma2 semaphore(%arg15 : memref<!tpu.dma_semaphore, #tpu.memory_space<semaphore_mem>>) src(%arg3 : memref<51200xf32, #tpu.memory_space<hbm>>) dst(%arg11 : memref<51200xf32, #tpu.memory_space<vmem>>)
    tpu.wait_dma2 semaphore(%arg15 : memref<!tpu.dma_semaphore, #tpu.memory_space<semaphore_mem>>) src(%arg4 : memref<51200xf32, #tpu.memory_space<hbm>>) dst(%arg12 : memref<51200xf32, #tpu.memory_space<vmem>>)
    %barrier3A = arith.constant 0 : index
    tpu.barrier barrier_id(%barrier3A)
    %mul3A_9 = arith.constant 7 : i32
    %mul3A_10 = arith.muli %add3A, %mul3A_9 : i32
    %min3A = arith.constant 26 : i32
    %min3A_11 = arith.minsi %add3A, %min3A : i32
    %add3A_12 = arith.addi %mul3A_10, %min3A_11 : i32
    %lt3A = arith.constant 26 : i32
    %lt3A_13 = arith.cmpi slt, %add3A, %lt3A : i32
    %jit3A = arith.constant 1 : i32
    %jit3A_14 = arith.constant 0 : i32
    %select_n3A = arith.select %lt3A_13, %jit3A, %jit3A_14 : i32
    %add3A_15 = arith.constant 7 : i32
    %add3A_16 = arith.addi %add3A_15, %select_n3A : i32
    %while3A = arith.constant 0 : i32
    %while3A_17 = arith.constant 0 : i32
    %while3A_18 = arith.subi %add3A_16, %while3A : i32
    %while3A_19 = arith.addi %while3A, %while3A_18 : i32
    %while3A_20 = arith.constant 1 : i32
    %while3A_21 = arith.divsi %while3A_18, %while3A_20 : i32
    %while3A_22 = arith.muli %while3A_21, %while3A_20 : i32
    %while3A_23 = arith.addi %while3A, %while3A_22 : i32
    %while3A_24 = arith.constant 1 : i32
    %while3A_25 = scf.for %while3A_36 = %while3A to %while3A_23 step %while3A_24 iter_args(%while3A_37 = %while3A_17) -> (i32)  : i32 {
      %add3A_38 = arith.addi %add3A_12, %while3A_36 : i32
      %mul3A_39 = arith.constant 3200 : i32
      %mul3A_40 = arith.muli %add3A_38, %mul3A_39 : i32
      %dma_start3A = tpu.memref_slice %arg2[%mul3A_40] : memref<1600000xi32, #tpu.memory_space<hbm>> -> memref<3200xi32, #tpu.memory_space<hbm>>
      %dma_start3A_41 = tpu.memref_slice %arg2[%mul3A_40] : memref<1600000xi32, #tpu.memory_space<hbm>> -> memref<3200xi32, #tpu.memory_space<hbm>>
      tpu.enqueue_dma source(%dma_start3A_41 : memref<3200xi32, #tpu.memory_space<hbm>>) target(%arg7 : memref<3200xi32, #tpu.memory_space<vmem>>) target_semaphore(%arg15 : memref<!tpu.dma_semaphore, #tpu.memory_space<semaphore_mem>>)
      %mul3A_42 = arith.constant 3200 : i32
      %mul3A_43 = arith.muli %add3A_38, %mul3A_42 : i32
      %add3A_44 = arith.constant 800000 : i32
      %add3A_45 = arith.addi %add3A_44, %mul3A_43 : i32
      %dma_start3A_46 = tpu.memref_slice %arg2[%add3A_45] : memref<1600000xi32, #tpu.memory_space<hbm>> -> memref<3200xi32, #tpu.memory_space<hbm>>
      %dma_start3A_47 = tpu.memref_slice %arg2[%add3A_45] : memref<1600000xi32, #tpu.memory_space<hbm>> -> memref<3200xi32, #tpu.memory_space<hbm>>
      tpu.enqueue_dma source(%dma_start3A_47 : memref<3200xi32, #tpu.memory_space<hbm>>) target(%arg8 : memref<3200xi32, #tpu.memory_space<vmem>>) target_semaphore(%arg15 : memref<!tpu.dma_semaphore, #tpu.memory_space<semaphore_mem>>)
      %dma_wait3A = tpu.memref_slice %arg2[%mul3A_40] : memref<1600000xi32, #tpu.memory_space<hbm>> -> memref<3200xi32, #tpu.memory_space<hbm>>
      %dma_wait3A_48 = tpu.memref_slice %arg2[%mul3A_40] : memref<1600000xi32, #tpu.memory_space<hbm>> -> memref<3200xi32, #tpu.memory_space<hbm>>
      tpu.wait_dma2 semaphore(%arg15 : memref<!tpu.dma_semaphore, #tpu.memory_space<semaphore_mem>>) src(%dma_wait3A_48 : memref<3200xi32, #tpu.memory_space<hbm>>) dst(%arg7 : memref<3200xi32, #tpu.memory_space<vmem>>)
      %dma_wait3A_49 = tpu.memref_slice %arg2[%add3A_45] : memref<1600000xi32, #tpu.memory_space<hbm>> -> memref<3200xi32, #tpu.memory_space<hbm>>
      %dma_wait3A_50 = tpu.memref_slice %arg2[%add3A_45] : memref<1600000xi32, #tpu.memory_space<hbm>> -> memref<3200xi32, #tpu.memory_space<hbm>>
      tpu.wait_dma2 semaphore(%arg15 : memref<!tpu.dma_semaphore, #tpu.memory_space<semaphore_mem>>) src(%dma_wait3A_50 : memref<3200xi32, #tpu.memory_space<hbm>>) dst(%arg8 : memref<3200xi32, #tpu.memory_space<vmem>>)
      %parallel_loop3A = arith.constant 0 : i32
      %parallel_loop3A_51 = arith.constant 200 : i32
      %parallel_loop3A_52 = arith.constant 1 : i32
      scf.for %parallel_loop3A_56 = %parallel_loop3A to %parallel_loop3A_51 step %parallel_loop3A_52  : i32 {
        %parallel_loop3A_57 = arith.constant 16 : i32
        %parallel_loop3A_58 = arith.muli %parallel_loop3A_56, %parallel_loop3A_57 : i32
        %parallel_loop3A_59 = arith.index_cast %parallel_loop3A_58 : i32 to index
        %parallel_loop3A_60 = tpu.vector_load %arg7[%parallel_loop3A_59] {strides = array<i32>} : memref<3200xi32, #tpu.memory_space<vmem>>, vector<16xi32>,
        %parallel_loop3A_61 = arith.index_cast %parallel_loop3A_58 : i32 to index
        %parallel_loop3A_62 = tpu.vector_load %arg8[%parallel_loop3A_61] {strides = array<i32>} : memref<3200xi32, #tpu.memory_space<vmem>>, vector<16xi32>,
        %parallel_loop3A_63 = tpu.vector_load_idx %arg11[%parallel_loop3A_60] : memref<51200xf32, #tpu.memory_space<vmem>>[vector<16xi32>], vector<16xf32>,
        %parallel_loop3A_64 = tpu.vector_load_idx %arg11[%parallel_loop3A_62] : memref<51200xf32, #tpu.memory_space<vmem>>[vector<16xi32>], vector<16xf32>,
        %parallel_loop3A_65 = tpu.vector_load_idx %arg12[%parallel_loop3A_60] : memref<51200xf32, #tpu.memory_space<vmem>>[vector<16xi32>], vector<16xf32>,
        %parallel_loop3A_66 = arith.mulf %parallel_loop3A_63, %parallel_loop3A_64 : vector<16xf32>
        %parallel_loop3A_67 = arith.index_cast %parallel_loop3A_58 : i32 to index
        %parallel_loop3A_68 = tpu.vector_load %arg9[%parallel_loop3A_67] {strides = array<i32>} : memref<3200xf32, #tpu.memory_space<vmem>>, vector<16xf32>,
        tpu.vector_store %arg9[%parallel_loop3A_67], %parallel_loop3A_66 {strides = array<i32>} : memref<3200xf32, #tpu.memory_space<vmem>>, vector<16xf32>,
        %parallel_loop3A_69 = arith.mulf %parallel_loop3A_65, %parallel_loop3A_64 : vector<16xf32>
        %parallel_loop3A_70 = arith.index_cast %parallel_loop3A_58 : i32 to index
        %parallel_loop3A_71 = tpu.vector_load %arg10[%parallel_loop3A_70] {strides = array<i32>} : memref<3200xf32, #tpu.memory_space<vmem>>, vector<16xf32>,
        tpu.vector_store %arg10[%parallel_loop3A_70], %parallel_loop3A_69 {strides = array<i32>} : memref<3200xf32, #tpu.memory_space<vmem>>, vector<16xf32>,
      } {sc.loop_unroll_factor = 8 : i64, sc.parallel_access}
      "tpu.region"() ({
        %run_scoped3A = tpu.sem_alloc : memref<!tpu.dma_semaphore, #tpu.memory_space<semaphore_mem>>
        %dma_start3A_56 = arith.constant 0 : i32
        %dma_start3A_57 = tpu.memref_slice %arg14[%dma_start3A_56] : memref<51200xf32, #tpu.memory_space<vmem_shared>> -> memref<51200xf32, #tpu.memory_space<vmem_shared>>
        tpu.enqueue_indirect_dma source(%arg10 : memref<3200xf32, #tpu.memory_space<vmem>>) target(%dma_start3A_57 : memref<51200xf32, #tpu.memory_space<vmem_shared>>) offsets(%arg8 : memref<3200xi32, #tpu.memory_space<vmem>>) semaphore(%run_scoped3A : memref<!tpu.dma_semaphore, #tpu.memory_space<semaphore_mem>>) {add = true}
        %dma_wait3A_58 = arith.constant 0 : i32
        %dma_wait3A_59 = tpu.memref_slice %arg14[%dma_wait3A_58] : memref<51200xf32, #tpu.memory_space<vmem_shared>> -> memref<51200xf32, #tpu.memory_space<vmem_shared>>
        tpu.wait_indirect_dma semaphore(%run_scoped3A : memref<!tpu.dma_semaphore, #tpu.memory_space<semaphore_mem>>) src(%arg10 : memref<3200xf32, #tpu.memory_space<vmem>>) dst(%dma_wait3A_59 : memref<51200xf32, #tpu.memory_space<vmem_shared>>)
        tpu.yield
      }) : () -> ()
      %mul3A_53 = arith.constant 3200 : i32
      %mul3A_54 = arith.muli %add3A_38, %mul3A_53 : i32
      "tpu.region"() ({
        %run_scoped3A = tpu.sem_alloc : memref<!tpu.dma_semaphore, #tpu.memory_space<semaphore_mem>>
        %dma_start3A_56 = tpu.memref_slice %arg6[%mul3A_54] : memref<800000xf32, #tpu.memory_space<hbm>> -> memref<3200xf32, #tpu.memory_space<hbm>>
        %dma_start3A_57 = tpu.memref_slice %arg6[%mul3A_54] : memref<800000xf32, #tpu.memory_space<hbm>> -> memref<3200xf32, #tpu.memory_space<hbm>>
        tpu.enqueue_dma source(%arg9 : memref<3200xf32, #tpu.memory_space<vmem>>) target(%dma_start3A_57 : memref<3200xf32, #tpu.memory_space<hbm>>) target_semaphore(%run_scoped3A : memref<!tpu.dma_semaphore, #tpu.memory_space<semaphore_mem>>)
        %dma_wait3A_58 = tpu.memref_slice %arg6[%mul3A_54] : memref<800000xf32, #tpu.memory_space<hbm>> -> memref<3200xf32, #tpu.memory_space<hbm>>
        %dma_wait3A_59 = tpu.memref_slice %arg6[%mul3A_54] : memref<800000xf32, #tpu.memory_space<hbm>> -> memref<3200xf32, #tpu.memory_space<hbm>>
        tpu.wait_dma2 semaphore(%run_scoped3A : memref<!tpu.dma_semaphore, #tpu.memory_space<semaphore_mem>>) src(%arg9 : memref<3200xf32, #tpu.memory_space<vmem>>) dst(%dma_wait3A_59 : memref<3200xf32, #tpu.memory_space<hbm>>)
        tpu.yield
      }) : () -> ()
      %while3A_55 = arith.constant 0 : i32
      scf.yield %while3A_55 : i32
    }
    %while3A_26 = arith.constant 1 : i32
    %while3A_27 = scf.for %while3A_36 = %while3A_23 to %while3A_19 step %while3A_26 iter_args(%while3A_37 = %while3A_25) -> (i32)  : i32 {
      %add3A_38 = arith.addi %add3A_12, %while3A_36 : i32
      %mul3A_39 = arith.constant 3200 : i32
      %mul3A_40 = arith.muli %add3A_38, %mul3A_39 : i32
      %dma_start3A = tpu.memref_slice %arg2[%mul3A_40] : memref<1600000xi32, #tpu.memory_space<hbm>> -> memref<3200xi32, #tpu.memory_space<hbm>>
      %dma_start3A_41 = tpu.memref_slice %arg2[%mul3A_40] : memref<1600000xi32, #tpu.memory_space<hbm>> -> memref<3200xi32, #tpu.memory_space<hbm>>
      tpu.enqueue_dma source(%dma_start3A_41 : memref<3200xi32, #tpu.memory_space<hbm>>) target(%arg7 : memref<3200xi32, #tpu.memory_space<vmem>>) target_semaphore(%arg15 : memref<!tpu.dma_semaphore, #tpu.memory_space<semaphore_mem>>)
      %mul3A_42 = arith.constant 3200 : i32
      %mul3A_43 = arith.muli %add3A_38, %mul3A_42 : i32
      %add3A_44 = arith.constant 800000 : i32
      %add3A_45 = arith.addi %add3A_44, %mul3A_43 : i32
      %dma_start3A_46 = tpu.memref_slice %arg2[%add3A_45] : memref<1600000xi32, #tpu.memory_space<hbm>> -> memref<3200xi32, #tpu.memory_space<hbm>>
      %dma_start3A_47 = tpu.memref_slice %arg2[%add3A_45] : memref<1600000xi32, #tpu.memory_space<hbm>> -> memref<3200xi32, #tpu.memory_space<hbm>>
      tpu.enqueue_dma source(%dma_start3A_47 : memref<3200xi32, #tpu.memory_space<hbm>>) target(%arg8 : memref<3200xi32, #tpu.memory_space<vmem>>) target_semaphore(%arg15 : memref<!tpu.dma_semaphore, #tpu.memory_space<semaphore_mem>>)
      %dma_wait3A = tpu.memref_slice %arg2[%mul3A_40] : memref<1600000xi32, #tpu.memory_space<hbm>> -> memref<3200xi32, #tpu.memory_space<hbm>>
      %dma_wait3A_48 = tpu.memref_slice %arg2[%mul3A_40] : memref<1600000xi32, #tpu.memory_space<hbm>> -> memref<3200xi32, #tpu.memory_space<hbm>>
      tpu.wait_dma2 semaphore(%arg15 : memref<!tpu.dma_semaphore, #tpu.memory_space<semaphore_mem>>) src(%dma_wait3A_48 : memref<3200xi32, #tpu.memory_space<hbm>>) dst(%arg7 : memref<3200xi32, #tpu.memory_space<vmem>>)
      %dma_wait3A_49 = tpu.memref_slice %arg2[%add3A_45] : memref<1600000xi32, #tpu.memory_space<hbm>> -> memref<3200xi32, #tpu.memory_space<hbm>>
      %dma_wait3A_50 = tpu.memref_slice %arg2[%add3A_45] : memref<1600000xi32, #tpu.memory_space<hbm>> -> memref<3200xi32, #tpu.memory_space<hbm>>
      tpu.wait_dma2 semaphore(%arg15 : memref<!tpu.dma_semaphore, #tpu.memory_space<semaphore_mem>>) src(%dma_wait3A_50 : memref<3200xi32, #tpu.memory_space<hbm>>) dst(%arg8 : memref<3200xi32, #tpu.memory_space<vmem>>)
      %parallel_loop3A = arith.constant 0 : i32
      %parallel_loop3A_51 = arith.constant 200 : i32
      %parallel_loop3A_52 = arith.constant 1 : i32
      scf.for %parallel_loop3A_56 = %parallel_loop3A to %parallel_loop3A_51 step %parallel_loop3A_52  : i32 {
        %parallel_loop3A_57 = arith.constant 16 : i32
        %parallel_loop3A_58 = arith.muli %parallel_loop3A_56, %parallel_loop3A_57 : i32
        %parallel_loop3A_59 = arith.index_cast %parallel_loop3A_58 : i32 to index
        %parallel_loop3A_60 = tpu.vector_load %arg7[%parallel_loop3A_59] {strides = array<i32>} : memref<3200xi32, #tpu.memory_space<vmem>>, vector<16xi32>,
        %parallel_loop3A_61 = arith.index_cast %parallel_loop3A_58 : i32 to index
        %parallel_loop3A_62 = tpu.vector_load %arg8[%parallel_loop3A_61] {strides = array<i32>} : memref<3200xi32, #tpu.memory_space<vmem>>, vector<16xi32>,
        %parallel_loop3A_63 = tpu.vector_load_idx %arg11[%parallel_loop3A_60] : memref<51200xf32, #tpu.memory_space<vmem>>[vector<16xi32>], vector<16xf32>,
        %parallel_loop3A_64 = tpu.vector_load_idx %arg11[%parallel_loop3A_62] : memref<51200xf32, #tpu.memory_space<vmem>>[vector<16xi32>], vector<16xf32>,
        %parallel_loop3A_65 = tpu.vector_load_idx %arg12[%parallel_loop3A_60] : memref<51200xf32, #tpu.memory_space<vmem>>[vector<16xi32>], vector<16xf32>,
        %parallel_loop3A_66 = arith.mulf %parallel_loop3A_63, %parallel_loop3A_64 : vector<16xf32>
        %parallel_loop3A_67 = arith.index_cast %parallel_loop3A_58 : i32 to index
        %parallel_loop3A_68 = tpu.vector_load %arg9[%parallel_loop3A_67] {strides = array<i32>} : memref<3200xf32, #tpu.memory_space<vmem>>, vector<16xf32>,
        tpu.vector_store %arg9[%parallel_loop3A_67], %parallel_loop3A_66 {strides = array<i32>} : memref<3200xf32, #tpu.memory_space<vmem>>, vector<16xf32>,
        %parallel_loop3A_69 = arith.mulf %parallel_loop3A_65, %parallel_loop3A_64 : vector<16xf32>
        %parallel_loop3A_70 = arith.index_cast %parallel_loop3A_58 : i32 to index
        %parallel_loop3A_71 = tpu.vector_load %arg10[%parallel_loop3A_70] {strides = array<i32>} : memref<3200xf32, #tpu.memory_space<vmem>>, vector<16xf32>,
        tpu.vector_store %arg10[%parallel_loop3A_70], %parallel_loop3A_69 {strides = array<i32>} : memref<3200xf32, #tpu.memory_space<vmem>>, vector<16xf32>,
      } {sc.loop_unroll_factor = 8 : i64, sc.parallel_access}
      "tpu.region"() ({
        %run_scoped3A = tpu.sem_alloc : memref<!tpu.dma_semaphore, #tpu.memory_space<semaphore_mem>>
        %dma_start3A_56 = arith.constant 0 : i32
        %dma_start3A_57 = tpu.memref_slice %arg14[%dma_start3A_56] : memref<51200xf32, #tpu.memory_space<vmem_shared>> -> memref<51200xf32, #tpu.memory_space<vmem_shared>>
        tpu.enqueue_indirect_dma source(%arg10 : memref<3200xf32, #tpu.memory_space<vmem>>) target(%dma_start3A_57 : memref<51200xf32, #tpu.memory_space<vmem_shared>>) offsets(%arg8 : memref<3200xi32, #tpu.memory_space<vmem>>) semaphore(%run_scoped3A : memref<!tpu.dma_semaphore, #tpu.memory_space<semaphore_mem>>) {add = true}
        %dma_wait3A_58 = arith.constant 0 : i32
        %dma_wait3A_59 = tpu.memref_slice %arg14[%dma_wait3A_58] : memref<51200xf32, #tpu.memory_space<vmem_shared>> -> memref<51200xf32, #tpu.memory_space<vmem_shared>>
        tpu.wait_indirect_dma semaphore(%run_scoped3A : memref<!tpu.dma_semaphore, #tpu.memory_space<semaphore_mem>>) src(%arg10 : memref<3200xf32, #tpu.memory_space<vmem>>) dst(%dma_wait3A_59 : memref<51200xf32, #tpu.memory_space<vmem_shared>>)
        tpu.yield
      }) : () -> ()
      %mul3A_53 = arith.constant 3200 : i32
      %mul3A_54 = arith.muli %add3A_38, %mul3A_53 : i32
      "tpu.region"() ({
        %run_scoped3A = tpu.sem_alloc : memref<!tpu.dma_semaphore, #tpu.memory_space<semaphore_mem>>
        %dma_start3A_56 = tpu.memref_slice %arg6[%mul3A_54] : memref<800000xf32, #tpu.memory_space<hbm>> -> memref<3200xf32, #tpu.memory_space<hbm>>
        %dma_start3A_57 = tpu.memref_slice %arg6[%mul3A_54] : memref<800000xf32, #tpu.memory_space<hbm>> -> memref<3200xf32, #tpu.memory_space<hbm>>
        tpu.enqueue_dma source(%arg9 : memref<3200xf32, #tpu.memory_space<vmem>>) target(%dma_start3A_57 : memref<3200xf32, #tpu.memory_space<hbm>>) target_semaphore(%run_scoped3A : memref<!tpu.dma_semaphore, #tpu.memory_space<semaphore_mem>>)
        %dma_wait3A_58 = tpu.memref_slice %arg6[%mul3A_54] : memref<800000xf32, #tpu.memory_space<hbm>> -> memref<3200xf32, #tpu.memory_space<hbm>>
        %dma_wait3A_59 = tpu.memref_slice %arg6[%mul3A_54] : memref<800000xf32, #tpu.memory_space<hbm>> -> memref<3200xf32, #tpu.memory_space<hbm>>
        tpu.wait_dma2 semaphore(%run_scoped3A : memref<!tpu.dma_semaphore, #tpu.memory_space<semaphore_mem>>) src(%arg9 : memref<3200xf32, #tpu.memory_space<vmem>>) dst(%dma_wait3A_59 : memref<3200xf32, #tpu.memory_space<hbm>>)
        tpu.yield
      }) : () -> ()
      %while3A_55 = arith.constant 0 : i32
      scf.yield %while3A_55 : i32
    }
    %barrier3A_28 = arith.constant 0 : index
    tpu.barrier barrier_id(%barrier3A_28)
    %mul3A_29 = arith.constant 3200 : i32
    %mul3A_30 = arith.muli %arg1, %mul3A_29 : i32
    "tpu.region"() ({
      %run_scoped3A = tpu.sem_alloc : memref<!tpu.dma_semaphore, #tpu.memory_space<semaphore_mem>>
      %dma_start3A = tpu.memref_slice %arg14[%mul3A_30] : memref<51200xf32, #tpu.memory_space<vmem_shared>> -> memref<3200xf32, #tpu.memory_space<vmem_shared>>
      %dma_start3A_36 = tpu.memref_slice %arg14[%mul3A_30] : memref<51200xf32, #tpu.memory_space<vmem_shared>> -> memref<3200xf32, #tpu.memory_space<vmem_shared>>
      tpu.enqueue_dma source(%dma_start3A_36 : memref<3200xf32, #tpu.memory_space<vmem_shared>>) target(%arg13 : memref<3200xf32, #tpu.memory_space<vmem>>) target_semaphore(%run_scoped3A : memref<!tpu.dma_semaphore, #tpu.memory_space<semaphore_mem>>)
      %dma_wait3A = tpu.memref_slice %arg14[%mul3A_30] : memref<51200xf32, #tpu.memory_space<vmem_shared>> -> memref<3200xf32, #tpu.memory_space<vmem_shared>>
      %dma_wait3A_37 = tpu.memref_slice %arg14[%mul3A_30] : memref<51200xf32, #tpu.memory_space<vmem_shared>> -> memref<3200xf32, #tpu.memory_space<vmem_shared>>
      tpu.wait_dma2 semaphore(%run_scoped3A : memref<!tpu.dma_semaphore, #tpu.memory_space<semaphore_mem>>) src(%dma_wait3A_37 : memref<3200xf32, #tpu.memory_space<vmem_shared>>) dst(%arg13 : memref<3200xf32, #tpu.memory_space<vmem>>)
      tpu.yield
    }) : () -> ()
    %mul3A_31 = arith.constant 51200 : i32
    %mul3A_32 = arith.muli %arg0, %mul3A_31 : i32
    %mul3A_33 = arith.constant 3200 : i32
    %mul3A_34 = arith.muli %arg1, %mul3A_33 : i32
    %add3A_35 = arith.addi %mul3A_32, %mul3A_34 : i32
    "tpu.region"() ({
      %run_scoped3A = tpu.sem_alloc : memref<!tpu.dma_semaphore, #tpu.memory_space<semaphore_mem>>
      %dma_start3A = tpu.memref_slice %arg5[%add3A_35] : memref<102400xf32, #tpu.memory_space<hbm>> -> memref<3200xf32, #tpu.memory_space<hbm>>
      %dma_start3A_36 = tpu.memref_slice %arg5[%add3A_35] : memref<102400xf32, #tpu.memory_space<hbm>> -> memref<3200xf32, #tpu.memory_space<hbm>>
      tpu.enqueue_dma source(%arg13 : memref<3200xf32, #tpu.memory_space<vmem>>) target(%dma_start3A_36 : memref<3200xf32, #tpu.memory_space<hbm>>) target_semaphore(%run_scoped3A : memref<!tpu.dma_semaphore, #tpu.memory_space<semaphore_mem>>)
      %dma_wait3A = tpu.memref_slice %arg5[%add3A_35] : memref<102400xf32, #tpu.memory_space<hbm>> -> memref<3200xf32, #tpu.memory_space<hbm>>
      %dma_wait3A_37 = tpu.memref_slice %arg5[%add3A_35] : memref<102400xf32, #tpu.memory_space<hbm>> -> memref<3200xf32, #tpu.memory_space<hbm>>
      tpu.wait_dma2 semaphore(%run_scoped3A : memref<!tpu.dma_semaphore, #tpu.memory_space<semaphore_mem>>) src(%arg13 : memref<3200xf32, #tpu.memory_space<vmem>>) dst(%dma_wait3A_37 : memref<3200xf32, #tpu.memory_space<hbm>>)
      tpu.yield
    }) : () -> ()
    return
  }
}

#map = affine_map<(d0, d1) -> (0)>
module attributes {stable_mosaic.version = 14 : i64} {
  func.func @body(%arg0: i32, %arg1: i32, %arg2: memref<1600000xi32, #tpu.memory_space<hbm>>, %arg3: memref<102400xf32, #tpu.memory_space<hbm>>, %arg4: memref<3200xi32, #tpu.memory_space<vmem>>, %arg5: memref<3200xf32, #tpu.memory_space<vmem>>, %arg6: memref<3200xf32, #tpu.memory_space<vmem>>, %arg7: memref<51200xf32, #tpu.memory_space<vmem_shared>>) attributes {dimension_semantics = [#tpu.dimension_semantics<core_parallel>, #tpu.dimension_semantics<subcore_parallel>], iteration_bounds = array<i64: 2, 16>, scalar_prefetch = 0 : i64, scratch_operands = 4 : i64, tpu.core_type = #tpu.core_type<sc_vector_subcore>, window_params = [{transform_indices = #map}, {transform_indices = #map}]} {
    %mul3A = arith.constant 16 : i32
    %mul3A_0 = arith.muli %arg0, %mul3A : i32
    %add3A = arith.addi %mul3A_0, %arg1 : i32
    %scan3A = arith.constant 0 : i32
    %scan3A_1 = arith.constant 0 : i32
    %scan3A_2 = arith.constant 200 : i32
    %scan3A_3 = arith.addi %scan3A_1, %scan3A_2 : i32
    %scan3A_4 = arith.constant 1 : i32
    %scan3A_5 = scf.for %scan3A_43 = %scan3A_1 to %scan3A_3 step %scan3A_4 iter_args(%scan3A_44 = %scan3A) -> (i32)  : i32 {
      %broadcast_in_dim3A = arith.constant 0.000000e+00 : f32
      %broadcast_in_dim3A_45 = vector.broadcast %broadcast_in_dim3A : f32 to vector<16xf32>
      %mul3A_46 = arith.constant 16 : i32
      %mul3A_47 = arith.muli %scan3A_43, %mul3A_46 : i32
      %swap3A = arith.index_cast %mul3A_47 : i32 to index
      %swap3A_48 = tpu.vector_load %arg6[%swap3A] {strides = array<i32>} : memref<3200xf32, #tpu.memory_space<vmem>>, vector<16xf32>,
      tpu.vector_store %arg6[%swap3A], %broadcast_in_dim3A_45 {strides = array<i32>} : memref<3200xf32, #tpu.memory_space<vmem>>, vector<16xf32>,
      %scan3A_49 = arith.constant 0 : i32
      scf.yield %scan3A_49 : i32
    }
    %scan3A_6 = arith.constant 200 : i32
    %mul3A_7 = arith.constant 3200 : i32
    %mul3A_8 = arith.muli %arg1, %mul3A_7 : i32
    "tpu.region"() ({
      %run_scoped3A = tpu.sem_alloc : memref<!tpu.dma_semaphore, #tpu.memory_space<semaphore_mem>>
      %dma_start3A = tpu.memref_slice %arg7[%mul3A_8] : memref<51200xf32, #tpu.memory_space<vmem_shared>> -> memref<3200xf32, #tpu.memory_space<vmem_shared>>
      %dma_start3A_43 = tpu.memref_slice %arg7[%mul3A_8] : memref<51200xf32, #tpu.memory_space<vmem_shared>> -> memref<3200xf32, #tpu.memory_space<vmem_shared>>
      tpu.enqueue_dma source(%arg6 : memref<3200xf32, #tpu.memory_space<vmem>>) target(%dma_start3A_43 : memref<3200xf32, #tpu.memory_space<vmem_shared>>) target_semaphore(%run_scoped3A : memref<!tpu.dma_semaphore, #tpu.memory_space<semaphore_mem>>)
      %dma_wait3A = tpu.memref_slice %arg7[%mul3A_8] : memref<51200xf32, #tpu.memory_space<vmem_shared>> -> memref<3200xf32, #tpu.memory_space<vmem_shared>>
      %dma_wait3A_44 = tpu.memref_slice %arg7[%mul3A_8] : memref<51200xf32, #tpu.memory_space<vmem_shared>> -> memref<3200xf32, #tpu.memory_space<vmem_shared>>
      tpu.wait_dma2 semaphore(%run_scoped3A : memref<!tpu.dma_semaphore, #tpu.memory_space<semaphore_mem>>) src(%arg6 : memref<3200xf32, #tpu.memory_space<vmem>>) dst(%dma_wait3A_44 : memref<3200xf32, #tpu.memory_space<vmem_shared>>)
      tpu.yield
    }) : () -> ()
    %scan3A_9 = arith.constant 0 : i32
    %scan3A_10 = arith.constant 0 : i32
    %scan3A_11 = arith.constant 200 : i32
    %scan3A_12 = arith.addi %scan3A_10, %scan3A_11 : i32
    %scan3A_13 = arith.constant 1 : i32
    %scan3A_14 = scf.for %scan3A_43 = %scan3A_10 to %scan3A_12 step %scan3A_13 iter_args(%scan3A_44 = %scan3A_9) -> (i32)  : i32 {
      %broadcast_in_dim3A = arith.constant 1.000000e+00 : f32
      %broadcast_in_dim3A_45 = vector.broadcast %broadcast_in_dim3A : f32 to vector<16xf32>
      %mul3A_46 = arith.constant 16 : i32
      %mul3A_47 = arith.muli %scan3A_43, %mul3A_46 : i32
      %swap3A = arith.index_cast %mul3A_47 : i32 to index
      %swap3A_48 = tpu.vector_load %arg5[%swap3A] {strides = array<i32>} : memref<3200xf32, #tpu.memory_space<vmem>>, vector<16xf32>,
      tpu.vector_store %arg5[%swap3A], %broadcast_in_dim3A_45 {strides = array<i32>} : memref<3200xf32, #tpu.memory_space<vmem>>, vector<16xf32>,
      %scan3A_49 = arith.constant 0 : i32
      scf.yield %scan3A_49 : i32
    }
    %scan3A_15 = arith.constant 200 : i32
    %barrier3A = arith.constant 0 : index
    tpu.barrier barrier_id(%barrier3A)
    %mul3A_16 = arith.constant 7 : i32
    %mul3A_17 = arith.muli %add3A, %mul3A_16 : i32
    %min3A = arith.constant 26 : i32
    %min3A_18 = arith.minsi %add3A, %min3A : i32
    %add3A_19 = arith.addi %mul3A_17, %min3A_18 : i32
    %lt3A = arith.constant 26 : i32
    %lt3A_20 = arith.cmpi slt, %add3A, %lt3A : i32
    %jit3A = arith.constant 1 : i32
    %jit3A_21 = arith.constant 0 : i32
    %select_n3A = arith.select %lt3A_20, %jit3A, %jit3A_21 : i32
    %add3A_22 = arith.constant 7 : i32
    %add3A_23 = arith.addi %add3A_22, %select_n3A : i32
    %while3A = arith.constant 0 : i32
    %while3A_24 = arith.constant 0 : i32
    %while3A_25 = arith.subi %add3A_23, %while3A : i32
    %while3A_26 = arith.addi %while3A, %while3A_25 : i32
    %while3A_27 = arith.constant 1 : i32
    %while3A_28 = arith.divsi %while3A_25, %while3A_27 : i32
    %while3A_29 = arith.muli %while3A_28, %while3A_27 : i32
    %while3A_30 = arith.addi %while3A, %while3A_29 : i32
    %while3A_31 = arith.constant 1 : i32
    %while3A_32 = scf.for %while3A_43 = %while3A to %while3A_30 step %while3A_31 iter_args(%while3A_44 = %while3A_24) -> (i32)  : i32 {
      %add3A_45 = arith.addi %add3A_19, %while3A_43 : i32
      %mul3A_46 = arith.constant 3200 : i32
      %mul3A_47 = arith.muli %add3A_45, %mul3A_46 : i32
      %add3A_48 = arith.constant 800000 : i32
      %add3A_49 = arith.addi %add3A_48, %mul3A_47 : i32
      "tpu.region"() ({
        %run_scoped3A = tpu.sem_alloc : memref<!tpu.dma_semaphore, #tpu.memory_space<semaphore_mem>>
        %dma_start3A = tpu.memref_slice %arg2[%add3A_49] : memref<1600000xi32, #tpu.memory_space<hbm>> -> memref<3200xi32, #tpu.memory_space<hbm>>
        %dma_start3A_51 = tpu.memref_slice %arg2[%add3A_49] : memref<1600000xi32, #tpu.memory_space<hbm>> -> memref<3200xi32, #tpu.memory_space<hbm>>
        tpu.enqueue_dma source(%dma_start3A_51 : memref<3200xi32, #tpu.memory_space<hbm>>) target(%arg4 : memref<3200xi32, #tpu.memory_space<vmem>>) target_semaphore(%run_scoped3A : memref<!tpu.dma_semaphore, #tpu.memory_space<semaphore_mem>>)
        %dma_wait3A = tpu.memref_slice %arg2[%add3A_49] : memref<1600000xi32, #tpu.memory_space<hbm>> -> memref<3200xi32, #tpu.memory_space<hbm>>
        %dma_wait3A_52 = tpu.memref_slice %arg2[%add3A_49] : memref<1600000xi32, #tpu.memory_space<hbm>> -> memref<3200xi32, #tpu.memory_space<hbm>>
        tpu.wait_dma2 semaphore(%run_scoped3A : memref<!tpu.dma_semaphore, #tpu.memory_space<semaphore_mem>>) src(%dma_wait3A_52 : memref<3200xi32, #tpu.memory_space<hbm>>) dst(%arg4 : memref<3200xi32, #tpu.memory_space<vmem>>)
        tpu.yield
      }) : () -> ()
      "tpu.region"() ({
        %run_scoped3A = tpu.sem_alloc : memref<!tpu.dma_semaphore, #tpu.memory_space<semaphore_mem>>
        %dma_start3A = arith.constant 0 : i32
        %dma_start3A_51 = tpu.memref_slice %arg7[%dma_start3A] : memref<51200xf32, #tpu.memory_space<vmem_shared>> -> memref<51200xf32, #tpu.memory_space<vmem_shared>>
        tpu.enqueue_indirect_dma source(%arg5 : memref<3200xf32, #tpu.memory_space<vmem>>) target(%dma_start3A_51 : memref<51200xf32, #tpu.memory_space<vmem_shared>>) offsets(%arg4 : memref<3200xi32, #tpu.memory_space<vmem>>) semaphore(%run_scoped3A : memref<!tpu.dma_semaphore, #tpu.memory_space<semaphore_mem>>) {add = true}
        %dma_wait3A = arith.constant 0 : i32
        %dma_wait3A_52 = tpu.memref_slice %arg7[%dma_wait3A] : memref<51200xf32, #tpu.memory_space<vmem_shared>> -> memref<51200xf32, #tpu.memory_space<vmem_shared>>
        tpu.wait_indirect_dma semaphore(%run_scoped3A : memref<!tpu.dma_semaphore, #tpu.memory_space<semaphore_mem>>) src(%arg5 : memref<3200xf32, #tpu.memory_space<vmem>>) dst(%dma_wait3A_52 : memref<51200xf32, #tpu.memory_space<vmem_shared>>)
        tpu.yield
      }) : () -> ()
      %while3A_50 = arith.constant 0 : i32
      scf.yield %while3A_50 : i32
    }
    %while3A_33 = arith.constant 1 : i32
    %while3A_34 = scf.for %while3A_43 = %while3A_30 to %while3A_26 step %while3A_33 iter_args(%while3A_44 = %while3A_32) -> (i32)  : i32 {
      %add3A_45 = arith.addi %add3A_19, %while3A_43 : i32
      %mul3A_46 = arith.constant 3200 : i32
      %mul3A_47 = arith.muli %add3A_45, %mul3A_46 : i32
      %add3A_48 = arith.constant 800000 : i32
      %add3A_49 = arith.addi %add3A_48, %mul3A_47 : i32
      "tpu.region"() ({
        %run_scoped3A = tpu.sem_alloc : memref<!tpu.dma_semaphore, #tpu.memory_space<semaphore_mem>>
        %dma_start3A = tpu.memref_slice %arg2[%add3A_49] : memref<1600000xi32, #tpu.memory_space<hbm>> -> memref<3200xi32, #tpu.memory_space<hbm>>
        %dma_start3A_51 = tpu.memref_slice %arg2[%add3A_49] : memref<1600000xi32, #tpu.memory_space<hbm>> -> memref<3200xi32, #tpu.memory_space<hbm>>
        tpu.enqueue_dma source(%dma_start3A_51 : memref<3200xi32, #tpu.memory_space<hbm>>) target(%arg4 : memref<3200xi32, #tpu.memory_space<vmem>>) target_semaphore(%run_scoped3A : memref<!tpu.dma_semaphore, #tpu.memory_space<semaphore_mem>>)
        %dma_wait3A = tpu.memref_slice %arg2[%add3A_49] : memref<1600000xi32, #tpu.memory_space<hbm>> -> memref<3200xi32, #tpu.memory_space<hbm>>
        %dma_wait3A_52 = tpu.memref_slice %arg2[%add3A_49] : memref<1600000xi32, #tpu.memory_space<hbm>> -> memref<3200xi32, #tpu.memory_space<hbm>>
        tpu.wait_dma2 semaphore(%run_scoped3A : memref<!tpu.dma_semaphore, #tpu.memory_space<semaphore_mem>>) src(%dma_wait3A_52 : memref<3200xi32, #tpu.memory_space<hbm>>) dst(%arg4 : memref<3200xi32, #tpu.memory_space<vmem>>)
        tpu.yield
      }) : () -> ()
      "tpu.region"() ({
        %run_scoped3A = tpu.sem_alloc : memref<!tpu.dma_semaphore, #tpu.memory_space<semaphore_mem>>
        %dma_start3A = arith.constant 0 : i32
        %dma_start3A_51 = tpu.memref_slice %arg7[%dma_start3A] : memref<51200xf32, #tpu.memory_space<vmem_shared>> -> memref<51200xf32, #tpu.memory_space<vmem_shared>>
        tpu.enqueue_indirect_dma source(%arg5 : memref<3200xf32, #tpu.memory_space<vmem>>) target(%dma_start3A_51 : memref<51200xf32, #tpu.memory_space<vmem_shared>>) offsets(%arg4 : memref<3200xi32, #tpu.memory_space<vmem>>) semaphore(%run_scoped3A : memref<!tpu.dma_semaphore, #tpu.memory_space<semaphore_mem>>) {add = true}
        %dma_wait3A = arith.constant 0 : i32
        %dma_wait3A_52 = tpu.memref_slice %arg7[%dma_wait3A] : memref<51200xf32, #tpu.memory_space<vmem_shared>> -> memref<51200xf32, #tpu.memory_space<vmem_shared>>
        tpu.wait_indirect_dma semaphore(%run_scoped3A : memref<!tpu.dma_semaphore, #tpu.memory_space<semaphore_mem>>) src(%arg5 : memref<3200xf32, #tpu.memory_space<vmem>>) dst(%dma_wait3A_52 : memref<51200xf32, #tpu.memory_space<vmem_shared>>)
        tpu.yield
      }) : () -> ()
      %while3A_50 = arith.constant 0 : i32
      scf.yield %while3A_50 : i32
    }
    %barrier3A_35 = arith.constant 0 : index
    tpu.barrier barrier_id(%barrier3A_35)
    %mul3A_36 = arith.constant 3200 : i32
    %mul3A_37 = arith.muli %arg1, %mul3A_36 : i32
    "tpu.region"() ({
      %run_scoped3A = tpu.sem_alloc : memref<!tpu.dma_semaphore, #tpu.memory_space<semaphore_mem>>
      %dma_start3A = tpu.memref_slice %arg7[%mul3A_37] : memref<51200xf32, #tpu.memory_space<vmem_shared>> -> memref<3200xf32, #tpu.memory_space<vmem_shared>>
      %dma_start3A_43 = tpu.memref_slice %arg7[%mul3A_37] : memref<51200xf32, #tpu.memory_space<vmem_shared>> -> memref<3200xf32, #tpu.memory_space<vmem_shared>>
      tpu.enqueue_dma source(%dma_start3A_43 : memref<3200xf32, #tpu.memory_space<vmem_shared>>) target(%arg6 : memref<3200xf32, #tpu.memory_space<vmem>>) target_semaphore(%run_scoped3A : memref<!tpu.dma_semaphore, #tpu.memory_space<semaphore_mem>>)
      %dma_wait3A = tpu.memref_slice %arg7[%mul3A_37] : memref<51200xf32, #tpu.memory_space<vmem_shared>> -> memref<3200xf32, #tpu.memory_space<vmem_shared>>
      %dma_wait3A_44 = tpu.memref_slice %arg7[%mul3A_37] : memref<51200xf32, #tpu.memory_space<vmem_shared>> -> memref<3200xf32, #tpu.memory_space<vmem_shared>>
      tpu.wait_dma2 semaphore(%run_scoped3A : memref<!tpu.dma_semaphore, #tpu.memory_space<semaphore_mem>>) src(%dma_wait3A_44 : memref<3200xf32, #tpu.memory_space<vmem_shared>>) dst(%arg6 : memref<3200xf32, #tpu.memory_space<vmem>>)
      tpu.yield
    }) : () -> ()
    %mul3A_38 = arith.constant 51200 : i32
    %mul3A_39 = arith.muli %arg0, %mul3A_38 : i32
    %mul3A_40 = arith.constant 3200 : i32
    %mul3A_41 = arith.muli %arg1, %mul3A_40 : i32
    %add3A_42 = arith.addi %mul3A_39, %mul3A_41 : i32
    "tpu.region"() ({
      %run_scoped3A = tpu.sem_alloc : memref<!tpu.dma_semaphore, #tpu.memory_space<semaphore_mem>>
      %dma_start3A = tpu.memref_slice %arg3[%add3A_42] : memref<102400xf32, #tpu.memory_space<hbm>> -> memref<3200xf32, #tpu.memory_space<hbm>>
      %dma_start3A_43 = tpu.memref_slice %arg3[%add3A_42] : memref<102400xf32, #tpu.memory_space<hbm>> -> memref<3200xf32, #tpu.memory_space<hbm>>
      tpu.enqueue_dma source(%arg6 : memref<3200xf32, #tpu.memory_space<vmem>>) target(%dma_start3A_43 : memref<3200xf32, #tpu.memory_space<hbm>>) target_semaphore(%run_scoped3A : memref<!tpu.dma_semaphore, #tpu.memory_space<semaphore_mem>>)
      %dma_wait3A = tpu.memref_slice %arg3[%add3A_42] : memref<102400xf32, #tpu.memory_space<hbm>> -> memref<3200xf32, #tpu.memory_space<hbm>>
      %dma_wait3A_44 = tpu.memref_slice %arg3[%add3A_42] : memref<102400xf32, #tpu.memory_space<hbm>> -> memref<3200xf32, #tpu.memory_space<hbm>>
      tpu.wait_dma2 semaphore(%run_scoped3A : memref<!tpu.dma_semaphore, #tpu.memory_space<semaphore_mem>>) src(%arg6 : memref<3200xf32, #tpu.memory_space<vmem>>) dst(%dma_wait3A_44 : memref<3200xf32, #tpu.memory_space<hbm>>)
      tpu.yield
    }) : () -> ()
    return
  }
}

#map = affine_map<(d0, d1) -> (0)>
module attributes {stable_mosaic.version = 14 : i64} {
  func.func @body(%arg0: i32, %arg1: i32, %arg2: memref<1600000xi32, #tpu.memory_space<hbm>>, %arg3: memref<800000xf32, #tpu.memory_space<hbm>>, %arg4: memref<51200xf32, #tpu.memory_space<hbm>>, %arg5: memref<102400xf32, #tpu.memory_space<hbm>>, %arg6: memref<102400xf32, #tpu.memory_space<hbm>>, %arg7: memref<3200xi32, #tpu.memory_space<vmem>>, %arg8: memref<3200xi32, #tpu.memory_space<vmem>>, %arg9: memref<3200xf32, #tpu.memory_space<vmem>>, %arg10: memref<3200xf32, #tpu.memory_space<vmem>>, %arg11: memref<3200xf32, #tpu.memory_space<vmem>>, %arg12: memref<51200xf32, #tpu.memory_space<vmem>>, %arg13: memref<3200xf32, #tpu.memory_space<vmem>>, %arg14: memref<51200xf32, #tpu.memory_space<vmem_shared>>, %arg15: memref<51200xf32, #tpu.memory_space<vmem_shared>>, %arg16: memref<!tpu.dma_semaphore, #tpu.memory_space<semaphore_mem>>) attributes {dimension_semantics = [#tpu.dimension_semantics<core_parallel>, #tpu.dimension_semantics<subcore_parallel>], iteration_bounds = array<i64: 2, 16>, scalar_prefetch = 0 : i64, scratch_operands = 10 : i64, tpu.core_type = #tpu.core_type<sc_vector_subcore>, window_params = [{transform_indices = #map}, {transform_indices = #map}, {transform_indices = #map}, {transform_indices = #map}, {transform_indices = #map}]} {
    %mul3A = arith.constant 16 : i32
    %mul3A_0 = arith.muli %arg0, %mul3A : i32
    %add3A = arith.addi %mul3A_0, %arg1 : i32
    %scan3A = arith.constant 0 : i32
    %scan3A_1 = arith.constant 0 : i32
    %scan3A_2 = arith.constant 200 : i32
    %scan3A_3 = arith.addi %scan3A_1, %scan3A_2 : i32
    %scan3A_4 = arith.constant 1 : i32
    %scan3A_5 = scf.for %scan3A_52 = %scan3A_1 to %scan3A_3 step %scan3A_4 iter_args(%scan3A_53 = %scan3A) -> (i32)  : i32 {
      %broadcast_in_dim3A = arith.constant 0.000000e+00 : f32
      %broadcast_in_dim3A_54 = vector.broadcast %broadcast_in_dim3A : f32 to vector<16xf32>
      %mul3A_55 = arith.constant 16 : i32
      %mul3A_56 = arith.muli %scan3A_52, %mul3A_55 : i32
      %swap3A = arith.index_cast %mul3A_56 : i32 to index
      %swap3A_57 = tpu.vector_load %arg13[%swap3A] {strides = array<i32>} : memref<3200xf32, #tpu.memory_space<vmem>>, vector<16xf32>,
      tpu.vector_store %arg13[%swap3A], %broadcast_in_dim3A_54 {strides = array<i32>} : memref<3200xf32, #tpu.memory_space<vmem>>, vector<16xf32>,
      %scan3A_58 = arith.constant 0 : i32
      scf.yield %scan3A_58 : i32
    }
    %scan3A_6 = arith.constant 200 : i32
    %mul3A_7 = arith.constant 3200 : i32
    %mul3A_8 = arith.muli %arg1, %mul3A_7 : i32
    "tpu.region"() ({
      %run_scoped3A = tpu.sem_alloc : memref<!tpu.dma_semaphore, #tpu.memory_space<semaphore_mem>>
      %dma_start3A = tpu.memref_slice %arg14[%mul3A_8] : memref<51200xf32, #tpu.memory_space<vmem_shared>> -> memref<3200xf32, #tpu.memory_space<vmem_shared>>
      %dma_start3A_52 = tpu.memref_slice %arg14[%mul3A_8] : memref<51200xf32, #tpu.memory_space<vmem_shared>> -> memref<3200xf32, #tpu.memory_space<vmem_shared>>
      tpu.enqueue_dma source(%arg13 : memref<3200xf32, #tpu.memory_space<vmem>>) target(%dma_start3A_52 : memref<3200xf32, #tpu.memory_space<vmem_shared>>) target_semaphore(%run_scoped3A : memref<!tpu.dma_semaphore, #tpu.memory_space<semaphore_mem>>)
      %dma_wait3A = tpu.memref_slice %arg14[%mul3A_8] : memref<51200xf32, #tpu.memory_space<vmem_shared>> -> memref<3200xf32, #tpu.memory_space<vmem_shared>>
      %dma_wait3A_53 = tpu.memref_slice %arg14[%mul3A_8] : memref<51200xf32, #tpu.memory_space<vmem_shared>> -> memref<3200xf32, #tpu.memory_space<vmem_shared>>
      tpu.wait_dma2 semaphore(%run_scoped3A : memref<!tpu.dma_semaphore, #tpu.memory_space<semaphore_mem>>) src(%arg13 : memref<3200xf32, #tpu.memory_space<vmem>>) dst(%dma_wait3A_53 : memref<3200xf32, #tpu.memory_space<vmem_shared>>)
      tpu.yield
    }) : () -> ()
    %scan3A_9 = arith.constant 0 : i32
    %scan3A_10 = arith.constant 0 : i32
    %scan3A_11 = arith.constant 200 : i32
    %scan3A_12 = arith.addi %scan3A_10, %scan3A_11 : i32
    %scan3A_13 = arith.constant 1 : i32
    %scan3A_14 = scf.for %scan3A_52 = %scan3A_10 to %scan3A_12 step %scan3A_13 iter_args(%scan3A_53 = %scan3A_9) -> (i32)  : i32 {
      %broadcast_in_dim3A = arith.constant 0.000000e+00 : f32
      %broadcast_in_dim3A_54 = vector.broadcast %broadcast_in_dim3A : f32 to vector<16xf32>
      %mul3A_55 = arith.constant 16 : i32
      %mul3A_56 = arith.muli %scan3A_52, %mul3A_55 : i32
      %swap3A = arith.index_cast %mul3A_56 : i32 to index
      %swap3A_57 = tpu.vector_load %arg13[%swap3A] {strides = array<i32>} : memref<3200xf32, #tpu.memory_space<vmem>>, vector<16xf32>,
      tpu.vector_store %arg13[%swap3A], %broadcast_in_dim3A_54 {strides = array<i32>} : memref<3200xf32, #tpu.memory_space<vmem>>, vector<16xf32>,
      %scan3A_58 = arith.constant 0 : i32
      scf.yield %scan3A_58 : i32
    }
    %scan3A_15 = arith.constant 200 : i32
    %mul3A_16 = arith.constant 3200 : i32
    %mul3A_17 = arith.muli %arg1, %mul3A_16 : i32
    "tpu.region"() ({
      %run_scoped3A = tpu.sem_alloc : memref<!tpu.dma_semaphore, #tpu.memory_space<semaphore_mem>>
      %dma_start3A = tpu.memref_slice %arg15[%mul3A_17] : memref<51200xf32, #tpu.memory_space<vmem_shared>> -> memref<3200xf32, #tpu.memory_space<vmem_shared>>
      %dma_start3A_52 = tpu.memref_slice %arg15[%mul3A_17] : memref<51200xf32, #tpu.memory_space<vmem_shared>> -> memref<3200xf32, #tpu.memory_space<vmem_shared>>
      tpu.enqueue_dma source(%arg13 : memref<3200xf32, #tpu.memory_space<vmem>>) target(%dma_start3A_52 : memref<3200xf32, #tpu.memory_space<vmem_shared>>) target_semaphore(%run_scoped3A : memref<!tpu.dma_semaphore, #tpu.memory_space<semaphore_mem>>)
      %dma_wait3A = tpu.memref_slice %arg15[%mul3A_17] : memref<51200xf32, #tpu.memory_space<vmem_shared>> -> memref<3200xf32, #tpu.memory_space<vmem_shared>>
      %dma_wait3A_53 = tpu.memref_slice %arg15[%mul3A_17] : memref<51200xf32, #tpu.memory_space<vmem_shared>> -> memref<3200xf32, #tpu.memory_space<vmem_shared>>
      tpu.wait_dma2 semaphore(%run_scoped3A : memref<!tpu.dma_semaphore, #tpu.memory_space<semaphore_mem>>) src(%arg13 : memref<3200xf32, #tpu.memory_space<vmem>>) dst(%dma_wait3A_53 : memref<3200xf32, #tpu.memory_space<vmem_shared>>)
      tpu.yield
    }) : () -> ()
    "tpu.region"() ({
      %run_scoped3A = tpu.sem_alloc : memref<!tpu.dma_semaphore, #tpu.memory_space<semaphore_mem>>
      tpu.enqueue_dma source(%arg4 : memref<51200xf32, #tpu.memory_space<hbm>>) target(%arg12 : memref<51200xf32, #tpu.memory_space<vmem>>) target_semaphore(%run_scoped3A : memref<!tpu.dma_semaphore, #tpu.memory_space<semaphore_mem>>)
      tpu.wait_dma2 semaphore(%run_scoped3A : memref<!tpu.dma_semaphore, #tpu.memory_space<semaphore_mem>>) src(%arg4 : memref<51200xf32, #tpu.memory_space<hbm>>) dst(%arg12 : memref<51200xf32, #tpu.memory_space<vmem>>)
      tpu.yield
    }) : () -> ()
    %barrier3A = arith.constant 0 : index
    tpu.barrier barrier_id(%barrier3A)
    %mul3A_18 = arith.constant 7 : i32
    %mul3A_19 = arith.muli %add3A, %mul3A_18 : i32
    %min3A = arith.constant 26 : i32
    %min3A_20 = arith.minsi %add3A, %min3A : i32
    %add3A_21 = arith.addi %mul3A_19, %min3A_20 : i32
    %lt3A = arith.constant 26 : i32
    %lt3A_22 = arith.cmpi slt, %add3A, %lt3A : i32
    %jit3A = arith.constant 1 : i32
    %jit3A_23 = arith.constant 0 : i32
    %select_n3A = arith.select %lt3A_22, %jit3A, %jit3A_23 : i32
    %add3A_24 = arith.constant 7 : i32
    %add3A_25 = arith.addi %add3A_24, %select_n3A : i32
    %while3A = arith.constant 0 : i32
    %while3A_26 = arith.constant 0 : i32
    %while3A_27 = arith.subi %add3A_25, %while3A : i32
    %while3A_28 = arith.addi %while3A, %while3A_27 : i32
    %while3A_29 = arith.constant 1 : i32
    %while3A_30 = arith.divsi %while3A_27, %while3A_29 : i32
    %while3A_31 = arith.muli %while3A_30, %while3A_29 : i32
    %while3A_32 = arith.addi %while3A, %while3A_31 : i32
    %while3A_33 = arith.constant 1 : i32
    %while3A_34 = scf.for %while3A_52 = %while3A to %while3A_32 step %while3A_33 iter_args(%while3A_53 = %while3A_26) -> (i32)  : i32 {
      %add3A_54 = arith.addi %add3A_21, %while3A_52 : i32
      %mul3A_55 = arith.constant 3200 : i32
      %mul3A_56 = arith.muli %add3A_54, %mul3A_55 : i32
      %dma_start3A = tpu.memref_slice %arg2[%mul3A_56] : memref<1600000xi32, #tpu.memory_space<hbm>> -> memref<3200xi32, #tpu.memory_space<hbm>>
      %dma_start3A_57 = tpu.memref_slice %arg2[%mul3A_56] : memref<1600000xi32, #tpu.memory_space<hbm>> -> memref<3200xi32, #tpu.memory_space<hbm>>
      tpu.enqueue_dma source(%dma_start3A_57 : memref<3200xi32, #tpu.memory_space<hbm>>) target(%arg7 : memref<3200xi32, #tpu.memory_space<vmem>>) target_semaphore(%arg16 : memref<!tpu.dma_semaphore, #tpu.memory_space<semaphore_mem>>)
      %mul3A_58 = arith.constant 3200 : i32
      %mul3A_59 = arith.muli %add3A_54, %mul3A_58 : i32
      %add3A_60 = arith.constant 800000 : i32
      %add3A_61 = arith.addi %add3A_60, %mul3A_59 : i32
      %dma_start3A_62 = tpu.memref_slice %arg2[%add3A_61] : memref<1600000xi32, #tpu.memory_space<hbm>> -> memref<3200xi32, #tpu.memory_space<hbm>>
      %dma_start3A_63 = tpu.memref_slice %arg2[%add3A_61] : memref<1600000xi32, #tpu.memory_space<hbm>> -> memref<3200xi32, #tpu.memory_space<hbm>>
      tpu.enqueue_dma source(%dma_start3A_63 : memref<3200xi32, #tpu.memory_space<hbm>>) target(%arg8 : memref<3200xi32, #tpu.memory_space<vmem>>) target_semaphore(%arg16 : memref<!tpu.dma_semaphore, #tpu.memory_space<semaphore_mem>>)
      %mul3A_64 = arith.constant 3200 : i32
      %mul3A_65 = arith.muli %add3A_54, %mul3A_64 : i32
      %dma_start3A_66 = tpu.memref_slice %arg3[%mul3A_65] : memref<800000xf32, #tpu.memory_space<hbm>> -> memref<3200xf32, #tpu.memory_space<hbm>>
      %dma_start3A_67 = tpu.memref_slice %arg3[%mul3A_65] : memref<800000xf32, #tpu.memory_space<hbm>> -> memref<3200xf32, #tpu.memory_space<hbm>>
      tpu.enqueue_dma source(%dma_start3A_67 : memref<3200xf32, #tpu.memory_space<hbm>>) target(%arg9 : memref<3200xf32, #tpu.memory_space<vmem>>) target_semaphore(%arg16 : memref<!tpu.dma_semaphore, #tpu.memory_space<semaphore_mem>>)
      %dma_wait3A = tpu.memref_slice %arg2[%mul3A_56] : memref<1600000xi32, #tpu.memory_space<hbm>> -> memref<3200xi32, #tpu.memory_space<hbm>>
      %dma_wait3A_68 = tpu.memref_slice %arg2[%mul3A_56] : memref<1600000xi32, #tpu.memory_space<hbm>> -> memref<3200xi32, #tpu.memory_space<hbm>>
      tpu.wait_dma2 semaphore(%arg16 : memref<!tpu.dma_semaphore, #tpu.memory_space<semaphore_mem>>) src(%dma_wait3A_68 : memref<3200xi32, #tpu.memory_space<hbm>>) dst(%arg7 : memref<3200xi32, #tpu.memory_space<vmem>>)
      %dma_wait3A_69 = tpu.memref_slice %arg2[%add3A_61] : memref<1600000xi32, #tpu.memory_space<hbm>> -> memref<3200xi32, #tpu.memory_space<hbm>>
      %dma_wait3A_70 = tpu.memref_slice %arg2[%add3A_61] : memref<1600000xi32, #tpu.memory_space<hbm>> -> memref<3200xi32, #tpu.memory_space<hbm>>
      tpu.wait_dma2 semaphore(%arg16 : memref<!tpu.dma_semaphore, #tpu.memory_space<semaphore_mem>>) src(%dma_wait3A_70 : memref<3200xi32, #tpu.memory_space<hbm>>) dst(%arg8 : memref<3200xi32, #tpu.memory_space<vmem>>)
      %dma_wait3A_71 = tpu.memref_slice %arg3[%mul3A_65] : memref<800000xf32, #tpu.memory_space<hbm>> -> memref<3200xf32, #tpu.memory_space<hbm>>
      %dma_wait3A_72 = tpu.memref_slice %arg3[%mul3A_65] : memref<800000xf32, #tpu.memory_space<hbm>> -> memref<3200xf32, #tpu.memory_space<hbm>>
      tpu.wait_dma2 semaphore(%arg16 : memref<!tpu.dma_semaphore, #tpu.memory_space<semaphore_mem>>) src(%dma_wait3A_72 : memref<3200xf32, #tpu.memory_space<hbm>>) dst(%arg9 : memref<3200xf32, #tpu.memory_space<vmem>>)
      %parallel_loop3A = arith.constant 0 : i32
      %parallel_loop3A_73 = arith.constant 200 : i32
      %parallel_loop3A_74 = arith.constant 1 : i32
      scf.for %parallel_loop3A_76 = %parallel_loop3A to %parallel_loop3A_73 step %parallel_loop3A_74  : i32 {
        %parallel_loop3A_77 = arith.constant 16 : i32
        %parallel_loop3A_78 = arith.muli %parallel_loop3A_76, %parallel_loop3A_77 : i32
        %parallel_loop3A_79 = arith.index_cast %parallel_loop3A_78 : i32 to index
        %parallel_loop3A_80 = tpu.vector_load %arg7[%parallel_loop3A_79] {strides = array<i32>} : memref<3200xi32, #tpu.memory_space<vmem>>, vector<16xi32>,
        %parallel_loop3A_81 = arith.index_cast %parallel_loop3A_78 : i32 to index
        %parallel_loop3A_82 = tpu.vector_load %arg9[%parallel_loop3A_81] {strides = array<i32>} : memref<3200xf32, #tpu.memory_space<vmem>>, vector<16xf32>,
        %parallel_loop3A_83 = tpu.vector_load_idx %arg12[%parallel_loop3A_80] : memref<51200xf32, #tpu.memory_space<vmem>>[vector<16xi32>], vector<16xf32>,
        %parallel_loop3A_84 = arith.constant 0.000000e+00 : f32
        %parallel_loop3A_85 = vector.broadcast %parallel_loop3A_84 : f32 to vector<16xf32>
        %parallel_loop3A_86 = arith.maximumf %parallel_loop3A_83, %parallel_loop3A_85 : vector<16xf32>
        %parallel_loop3A_87 = arith.mulf %parallel_loop3A_82, %parallel_loop3A_86 : vector<16xf32>
        %parallel_loop3A_88 = arith.index_cast %parallel_loop3A_78 : i32 to index
        %parallel_loop3A_89 = tpu.vector_load %arg10[%parallel_loop3A_88] {strides = array<i32>} : memref<3200xf32, #tpu.memory_space<vmem>>, vector<16xf32>,
        tpu.vector_store %arg10[%parallel_loop3A_88], %parallel_loop3A_87 {strides = array<i32>} : memref<3200xf32, #tpu.memory_space<vmem>>, vector<16xf32>,
        %parallel_loop3A_90 = arith.minimumf %parallel_loop3A_83, %parallel_loop3A_85 : vector<16xf32>
        %parallel_loop3A_91 = arith.mulf %parallel_loop3A_82, %parallel_loop3A_90 : vector<16xf32>
        %parallel_loop3A_92 = arith.index_cast %parallel_loop3A_78 : i32 to index
        %parallel_loop3A_93 = tpu.vector_load %arg11[%parallel_loop3A_92] {strides = array<i32>} : memref<3200xf32, #tpu.memory_space<vmem>>, vector<16xf32>,
        tpu.vector_store %arg11[%parallel_loop3A_92], %parallel_loop3A_91 {strides = array<i32>} : memref<3200xf32, #tpu.memory_space<vmem>>, vector<16xf32>,
      } {sc.loop_unroll_factor = 8 : i64, sc.parallel_access}
      "tpu.region"() ({
        %run_scoped3A = tpu.sem_alloc : memref<!tpu.dma_semaphore, #tpu.memory_space<semaphore_mem>>
        %dma_start3A_76 = arith.constant 0 : i32
        %dma_start3A_77 = tpu.memref_slice %arg14[%dma_start3A_76] : memref<51200xf32, #tpu.memory_space<vmem_shared>> -> memref<51200xf32, #tpu.memory_space<vmem_shared>>
        tpu.enqueue_indirect_dma source(%arg10 : memref<3200xf32, #tpu.memory_space<vmem>>) target(%dma_start3A_77 : memref<51200xf32, #tpu.memory_space<vmem_shared>>) offsets(%arg8 : memref<3200xi32, #tpu.memory_space<vmem>>) semaphore(%run_scoped3A : memref<!tpu.dma_semaphore, #tpu.memory_space<semaphore_mem>>) {add = true}
        %dma_wait3A_78 = arith.constant 0 : i32
        %dma_wait3A_79 = tpu.memref_slice %arg14[%dma_wait3A_78] : memref<51200xf32, #tpu.memory_space<vmem_shared>> -> memref<51200xf32, #tpu.memory_space<vmem_shared>>
        tpu.wait_indirect_dma semaphore(%run_scoped3A : memref<!tpu.dma_semaphore, #tpu.memory_space<semaphore_mem>>) src(%arg10 : memref<3200xf32, #tpu.memory_space<vmem>>) dst(%dma_wait3A_79 : memref<51200xf32, #tpu.memory_space<vmem_shared>>)
        tpu.yield
      }) : () -> ()
      "tpu.region"() ({
        %run_scoped3A = tpu.sem_alloc : memref<!tpu.dma_semaphore, #tpu.memory_space<semaphore_mem>>
        %dma_start3A_76 = arith.constant 0 : i32
        %dma_start3A_77 = tpu.memref_slice %arg15[%dma_start3A_76] : memref<51200xf32, #tpu.memory_space<vmem_shared>> -> memref<51200xf32, #tpu.memory_space<vmem_shared>>
        tpu.enqueue_indirect_dma source(%arg11 : memref<3200xf32, #tpu.memory_space<vmem>>) target(%dma_start3A_77 : memref<51200xf32, #tpu.memory_space<vmem_shared>>) offsets(%arg8 : memref<3200xi32, #tpu.memory_space<vmem>>) semaphore(%run_scoped3A : memref<!tpu.dma_semaphore, #tpu.memory_space<semaphore_mem>>) {add = true}
        %dma_wait3A_78 = arith.constant 0 : i32
        %dma_wait3A_79 = tpu.memref_slice %arg15[%dma_wait3A_78] : memref<51200xf32, #tpu.memory_space<vmem_shared>> -> memref<51200xf32, #tpu.memory_space<vmem_shared>>
        tpu.wait_indirect_dma semaphore(%run_scoped3A : memref<!tpu.dma_semaphore, #tpu.memory_space<semaphore_mem>>) src(%arg11 : memref<3200xf32, #tpu.memory_space<vmem>>) dst(%dma_wait3A_79 : memref<51200xf32, #tpu.memory_space<vmem_shared>>)
        tpu.yield
      }) : () -> ()
      %while3A_75 = arith.constant 0 : i32
      scf.yield %while3A_75 : i32
    }
    %while3A_35 = arith.constant 1 : i32
    %while3A_36 = scf.for %while3A_52 = %while3A_32 to %while3A_28 step %while3A_35 iter_args(%while3A_53 = %while3A_34) -> (i32)  : i32 {
      %add3A_54 = arith.addi %add3A_21, %while3A_52 : i32
      %mul3A_55 = arith.constant 3200 : i32
      %mul3A_56 = arith.muli %add3A_54, %mul3A_55 : i32
      %dma_start3A = tpu.memref_slice %arg2[%mul3A_56] : memref<1600000xi32, #tpu.memory_space<hbm>> -> memref<3200xi32, #tpu.memory_space<hbm>>
      %dma_start3A_57 = tpu.memref_slice %arg2[%mul3A_56] : memref<1600000xi32, #tpu.memory_space<hbm>> -> memref<3200xi32, #tpu.memory_space<hbm>>
      tpu.enqueue_dma source(%dma_start3A_57 : memref<3200xi32, #tpu.memory_space<hbm>>) target(%arg7 : memref<3200xi32, #tpu.memory_space<vmem>>) target_semaphore(%arg16 : memref<!tpu.dma_semaphore, #tpu.memory_space<semaphore_mem>>)
      %mul3A_58 = arith.constant 3200 : i32
      %mul3A_59 = arith.muli %add3A_54, %mul3A_58 : i32
      %add3A_60 = arith.constant 800000 : i32
      %add3A_61 = arith.addi %add3A_60, %mul3A_59 : i32
      %dma_start3A_62 = tpu.memref_slice %arg2[%add3A_61] : memref<1600000xi32, #tpu.memory_space<hbm>> -> memref<3200xi32, #tpu.memory_space<hbm>>
      %dma_start3A_63 = tpu.memref_slice %arg2[%add3A_61] : memref<1600000xi32, #tpu.memory_space<hbm>> -> memref<3200xi32, #tpu.memory_space<hbm>>
      tpu.enqueue_dma source(%dma_start3A_63 : memref<3200xi32, #tpu.memory_space<hbm>>) target(%arg8 : memref<3200xi32, #tpu.memory_space<vmem>>) target_semaphore(%arg16 : memref<!tpu.dma_semaphore, #tpu.memory_space<semaphore_mem>>)
      %mul3A_64 = arith.constant 3200 : i32
      %mul3A_65 = arith.muli %add3A_54, %mul3A_64 : i32
      %dma_start3A_66 = tpu.memref_slice %arg3[%mul3A_65] : memref<800000xf32, #tpu.memory_space<hbm>> -> memref<3200xf32, #tpu.memory_space<hbm>>
      %dma_start3A_67 = tpu.memref_slice %arg3[%mul3A_65] : memref<800000xf32, #tpu.memory_space<hbm>> -> memref<3200xf32, #tpu.memory_space<hbm>>
      tpu.enqueue_dma source(%dma_start3A_67 : memref<3200xf32, #tpu.memory_space<hbm>>) target(%arg9 : memref<3200xf32, #tpu.memory_space<vmem>>) target_semaphore(%arg16 : memref<!tpu.dma_semaphore, #tpu.memory_space<semaphore_mem>>)
      %dma_wait3A = tpu.memref_slice %arg2[%mul3A_56] : memref<1600000xi32, #tpu.memory_space<hbm>> -> memref<3200xi32, #tpu.memory_space<hbm>>
      %dma_wait3A_68 = tpu.memref_slice %arg2[%mul3A_56] : memref<1600000xi32, #tpu.memory_space<hbm>> -> memref<3200xi32, #tpu.memory_space<hbm>>
      tpu.wait_dma2 semaphore(%arg16 : memref<!tpu.dma_semaphore, #tpu.memory_space<semaphore_mem>>) src(%dma_wait3A_68 : memref<3200xi32, #tpu.memory_space<hbm>>) dst(%arg7 : memref<3200xi32, #tpu.memory_space<vmem>>)
      %dma_wait3A_69 = tpu.memref_slice %arg2[%add3A_61] : memref<1600000xi32, #tpu.memory_space<hbm>> -> memref<3200xi32, #tpu.memory_space<hbm>>
      %dma_wait3A_70 = tpu.memref_slice %arg2[%add3A_61] : memref<1600000xi32, #tpu.memory_space<hbm>> -> memref<3200xi32, #tpu.memory_space<hbm>>
      tpu.wait_dma2 semaphore(%arg16 : memref<!tpu.dma_semaphore, #tpu.memory_space<semaphore_mem>>) src(%dma_wait3A_70 : memref<3200xi32, #tpu.memory_space<hbm>>) dst(%arg8 : memref<3200xi32, #tpu.memory_space<vmem>>)
      %dma_wait3A_71 = tpu.memref_slice %arg3[%mul3A_65] : memref<800000xf32, #tpu.memory_space<hbm>> -> memref<3200xf32, #tpu.memory_space<hbm>>
      %dma_wait3A_72 = tpu.memref_slice %arg3[%mul3A_65] : memref<800000xf32, #tpu.memory_space<hbm>> -> memref<3200xf32, #tpu.memory_space<hbm>>
      tpu.wait_dma2 semaphore(%arg16 : memref<!tpu.dma_semaphore, #tpu.memory_space<semaphore_mem>>) src(%dma_wait3A_72 : memref<3200xf32, #tpu.memory_space<hbm>>) dst(%arg9 : memref<3200xf32, #tpu.memory_space<vmem>>)
      %parallel_loop3A = arith.constant 0 : i32
      %parallel_loop3A_73 = arith.constant 200 : i32
      %parallel_loop3A_74 = arith.constant 1 : i32
      scf.for %parallel_loop3A_76 = %parallel_loop3A to %parallel_loop3A_73 step %parallel_loop3A_74  : i32 {
        %parallel_loop3A_77 = arith.constant 16 : i32
        %parallel_loop3A_78 = arith.muli %parallel_loop3A_76, %parallel_loop3A_77 : i32
        %parallel_loop3A_79 = arith.index_cast %parallel_loop3A_78 : i32 to index
        %parallel_loop3A_80 = tpu.vector_load %arg7[%parallel_loop3A_79] {strides = array<i32>} : memref<3200xi32, #tpu.memory_space<vmem>>, vector<16xi32>,
        %parallel_loop3A_81 = arith.index_cast %parallel_loop3A_78 : i32 to index
        %parallel_loop3A_82 = tpu.vector_load %arg9[%parallel_loop3A_81] {strides = array<i32>} : memref<3200xf32, #tpu.memory_space<vmem>>, vector<16xf32>,
        %parallel_loop3A_83 = tpu.vector_load_idx %arg12[%parallel_loop3A_80] : memref<51200xf32, #tpu.memory_space<vmem>>[vector<16xi32>], vector<16xf32>,
        %parallel_loop3A_84 = arith.constant 0.000000e+00 : f32
        %parallel_loop3A_85 = vector.broadcast %parallel_loop3A_84 : f32 to vector<16xf32>
        %parallel_loop3A_86 = arith.maximumf %parallel_loop3A_83, %parallel_loop3A_85 : vector<16xf32>
        %parallel_loop3A_87 = arith.mulf %parallel_loop3A_82, %parallel_loop3A_86 : vector<16xf32>
        %parallel_loop3A_88 = arith.index_cast %parallel_loop3A_78 : i32 to index
        %parallel_loop3A_89 = tpu.vector_load %arg10[%parallel_loop3A_88] {strides = array<i32>} : memref<3200xf32, #tpu.memory_space<vmem>>, vector<16xf32>,
        tpu.vector_store %arg10[%parallel_loop3A_88], %parallel_loop3A_87 {strides = array<i32>} : memref<3200xf32, #tpu.memory_space<vmem>>, vector<16xf32>,
        %parallel_loop3A_90 = arith.minimumf %parallel_loop3A_83, %parallel_loop3A_85 : vector<16xf32>
        %parallel_loop3A_91 = arith.mulf %parallel_loop3A_82, %parallel_loop3A_90 : vector<16xf32>
        %parallel_loop3A_92 = arith.index_cast %parallel_loop3A_78 : i32 to index
        %parallel_loop3A_93 = tpu.vector_load %arg11[%parallel_loop3A_92] {strides = array<i32>} : memref<3200xf32, #tpu.memory_space<vmem>>, vector<16xf32>,
        tpu.vector_store %arg11[%parallel_loop3A_92], %parallel_loop3A_91 {strides = array<i32>} : memref<3200xf32, #tpu.memory_space<vmem>>, vector<16xf32>,
      } {sc.loop_unroll_factor = 8 : i64, sc.parallel_access}
      "tpu.region"() ({
        %run_scoped3A = tpu.sem_alloc : memref<!tpu.dma_semaphore, #tpu.memory_space<semaphore_mem>>
        %dma_start3A_76 = arith.constant 0 : i32
        %dma_start3A_77 = tpu.memref_slice %arg14[%dma_start3A_76] : memref<51200xf32, #tpu.memory_space<vmem_shared>> -> memref<51200xf32, #tpu.memory_space<vmem_shared>>
        tpu.enqueue_indirect_dma source(%arg10 : memref<3200xf32, #tpu.memory_space<vmem>>) target(%dma_start3A_77 : memref<51200xf32, #tpu.memory_space<vmem_shared>>) offsets(%arg8 : memref<3200xi32, #tpu.memory_space<vmem>>) semaphore(%run_scoped3A : memref<!tpu.dma_semaphore, #tpu.memory_space<semaphore_mem>>) {add = true}
        %dma_wait3A_78 = arith.constant 0 : i32
        %dma_wait3A_79 = tpu.memref_slice %arg14[%dma_wait3A_78] : memref<51200xf32, #tpu.memory_space<vmem_shared>> -> memref<51200xf32, #tpu.memory_space<vmem_shared>>
        tpu.wait_indirect_dma semaphore(%run_scoped3A : memref<!tpu.dma_semaphore, #tpu.memory_space<semaphore_mem>>) src(%arg10 : memref<3200xf32, #tpu.memory_space<vmem>>) dst(%dma_wait3A_79 : memref<51200xf32, #tpu.memory_space<vmem_shared>>)
        tpu.yield
      }) : () -> ()
      "tpu.region"() ({
        %run_scoped3A = tpu.sem_alloc : memref<!tpu.dma_semaphore, #tpu.memory_space<semaphore_mem>>
        %dma_start3A_76 = arith.constant 0 : i32
        %dma_start3A_77 = tpu.memref_slice %arg15[%dma_start3A_76] : memref<51200xf32, #tpu.memory_space<vmem_shared>> -> memref<51200xf32, #tpu.memory_space<vmem_shared>>
        tpu.enqueue_indirect_dma source(%arg11 : memref<3200xf32, #tpu.memory_space<vmem>>) target(%dma_start3A_77 : memref<51200xf32, #tpu.memory_space<vmem_shared>>) offsets(%arg8 : memref<3200xi32, #tpu.memory_space<vmem>>) semaphore(%run_scoped3A : memref<!tpu.dma_semaphore, #tpu.memory_space<semaphore_mem>>) {add = true}
        %dma_wait3A_78 = arith.constant 0 : i32
        %dma_wait3A_79 = tpu.memref_slice %arg15[%dma_wait3A_78] : memref<51200xf32, #tpu.memory_space<vmem_shared>> -> memref<51200xf32, #tpu.memory_space<vmem_shared>>
        tpu.wait_indirect_dma semaphore(%run_scoped3A : memref<!tpu.dma_semaphore, #tpu.memory_space<semaphore_mem>>) src(%arg11 : memref<3200xf32, #tpu.memory_space<vmem>>) dst(%dma_wait3A_79 : memref<51200xf32, #tpu.memory_space<vmem_shared>>)
        tpu.yield
      }) : () -> ()
      %while3A_75 = arith.constant 0 : i32
      scf.yield %while3A_75 : i32
    }
    %barrier3A_37 = arith.constant 0 : index
    tpu.barrier barrier_id(%barrier3A_37)
    %mul3A_38 = arith.constant 3200 : i32
    %mul3A_39 = arith.muli %arg1, %mul3A_38 : i32
    "tpu.region"() ({
      %run_scoped3A = tpu.sem_alloc : memref<!tpu.dma_semaphore, #tpu.memory_space<semaphore_mem>>
      %dma_start3A = tpu.memref_slice %arg14[%mul3A_39] : memref<51200xf32, #tpu.memory_space<vmem_shared>> -> memref<3200xf32, #tpu.memory_space<vmem_shared>>
      %dma_start3A_52 = tpu.memref_slice %arg14[%mul3A_39] : memref<51200xf32, #tpu.memory_space<vmem_shared>> -> memref<3200xf32, #tpu.memory_space<vmem_shared>>
      tpu.enqueue_dma source(%dma_start3A_52 : memref<3200xf32, #tpu.memory_space<vmem_shared>>) target(%arg13 : memref<3200xf32, #tpu.memory_space<vmem>>) target_semaphore(%run_scoped3A : memref<!tpu.dma_semaphore, #tpu.memory_space<semaphore_mem>>)
      %dma_wait3A = tpu.memref_slice %arg14[%mul3A_39] : memref<51200xf32, #tpu.memory_space<vmem_shared>> -> memref<3200xf32, #tpu.memory_space<vmem_shared>>
      %dma_wait3A_53 = tpu.memref_slice %arg14[%mul3A_39] : memref<51200xf32, #tpu.memory_space<vmem_shared>> -> memref<3200xf32, #tpu.memory_space<vmem_shared>>
      tpu.wait_dma2 semaphore(%run_scoped3A : memref<!tpu.dma_semaphore, #tpu.memory_space<semaphore_mem>>) src(%dma_wait3A_53 : memref<3200xf32, #tpu.memory_space<vmem_shared>>) dst(%arg13 : memref<3200xf32, #tpu.memory_space<vmem>>)
      tpu.yield
    }) : () -> ()
    %mul3A_40 = arith.constant 51200 : i32
    %mul3A_41 = arith.muli %arg0, %mul3A_40 : i32
    %mul3A_42 = arith.constant 3200 : i32
    %mul3A_43 = arith.muli %arg1, %mul3A_42 : i32
    %add3A_44 = arith.addi %mul3A_41, %mul3A_43 : i32
    "tpu.region"() ({
      %run_scoped3A = tpu.sem_alloc : memref<!tpu.dma_semaphore, #tpu.memory_space<semaphore_mem>>
      %dma_start3A = tpu.memref_slice %arg5[%add3A_44] : memref<102400xf32, #tpu.memory_space<hbm>> -> memref<3200xf32, #tpu.memory_space<hbm>>
      %dma_start3A_52 = tpu.memref_slice %arg5[%add3A_44] : memref<102400xf32, #tpu.memory_space<hbm>> -> memref<3200xf32, #tpu.memory_space<hbm>>
      tpu.enqueue_dma source(%arg13 : memref<3200xf32, #tpu.memory_space<vmem>>) target(%dma_start3A_52 : memref<3200xf32, #tpu.memory_space<hbm>>) target_semaphore(%run_scoped3A : memref<!tpu.dma_semaphore, #tpu.memory_space<semaphore_mem>>)
      %dma_wait3A = tpu.memref_slice %arg5[%add3A_44] : memref<102400xf32, #tpu.memory_space<hbm>> -> memref<3200xf32, #tpu.memory_space<hbm>>
      %dma_wait3A_53 = tpu.memref_slice %arg5[%add3A_44] : memref<102400xf32, #tpu.memory_space<hbm>> -> memref<3200xf32, #tpu.memory_space<hbm>>
      tpu.wait_dma2 semaphore(%run_scoped3A : memref<!tpu.dma_semaphore, #tpu.memory_space<semaphore_mem>>) src(%arg13 : memref<3200xf32, #tpu.memory_space<vmem>>) dst(%dma_wait3A_53 : memref<3200xf32, #tpu.memory_space<hbm>>)
      tpu.yield
    }) : () -> ()
    %mul3A_45 = arith.constant 3200 : i32
    %mul3A_46 = arith.muli %arg1, %mul3A_45 : i32
    "tpu.region"() ({
      %run_scoped3A = tpu.sem_alloc : memref<!tpu.dma_semaphore, #tpu.memory_space<semaphore_mem>>
      %dma_start3A = tpu.memref_slice %arg15[%mul3A_46] : memref<51200xf32, #tpu.memory_space<vmem_shared>> -> memref<3200xf32, #tpu.memory_space<vmem_shared>>
      %dma_start3A_52 = tpu.memref_slice %arg15[%mul3A_46] : memref<51200xf32, #tpu.memory_space<vmem_shared>> -> memref<3200xf32, #tpu.memory_space<vmem_shared>>
      tpu.enqueue_dma source(%dma_start3A_52 : memref<3200xf32, #tpu.memory_space<vmem_shared>>) target(%arg13 : memref<3200xf32, #tpu.memory_space<vmem>>) target_semaphore(%run_scoped3A : memref<!tpu.dma_semaphore, #tpu.memory_space<semaphore_mem>>)
      %dma_wait3A = tpu.memref_slice %arg15[%mul3A_46] : memref<51200xf32, #tpu.memory_space<vmem_shared>> -> memref<3200xf32, #tpu.memory_space<vmem_shared>>
      %dma_wait3A_53 = tpu.memref_slice %arg15[%mul3A_46] : memref<51200xf32, #tpu.memory_space<vmem_shared>> -> memref<3200xf32, #tpu.memory_space<vmem_shared>>
      tpu.wait_dma2 semaphore(%run_scoped3A : memref<!tpu.dma_semaphore, #tpu.memory_space<semaphore_mem>>) src(%dma_wait3A_53 : memref<3200xf32, #tpu.memory_space<vmem_shared>>) dst(%arg13 : memref<3200xf32, #tpu.memory_space<vmem>>)
      tpu.yield
    }) : () -> ()
    %mul3A_47 = arith.constant 51200 : i32
    %mul3A_48 = arith.muli %arg0, %mul3A_47 : i32
    %mul3A_49 = arith.constant 3200 : i32
    %mul3A_50 = arith.muli %arg1, %mul3A_49 : i32
    %add3A_51 = arith.addi %mul3A_48, %mul3A_50 : i32
    "tpu.region"() ({
      %run_scoped3A = tpu.sem_alloc : memref<!tpu.dma_semaphore, #tpu.memory_space<semaphore_mem>>
      %dma_start3A = tpu.memref_slice %arg6[%add3A_51] : memref<102400xf32, #tpu.memory_space<hbm>> -> memref<3200xf32, #tpu.memory_space<hbm>>
      %dma_start3A_52 = tpu.memref_slice %arg6[%add3A_51] : memref<102400xf32, #tpu.memory_space<hbm>> -> memref<3200xf32, #tpu.memory_space<hbm>>
      tpu.enqueue_dma source(%arg13 : memref<3200xf32, #tpu.memory_space<vmem>>) target(%dma_start3A_52 : memref<3200xf32, #tpu.memory_space<hbm>>) target_semaphore(%run_scoped3A : memref<!tpu.dma_semaphore, #tpu.memory_space<semaphore_mem>>)
      %dma_wait3A = tpu.memref_slice %arg6[%add3A_51] : memref<102400xf32, #tpu.memory_space<hbm>> -> memref<3200xf32, #tpu.memory_space<hbm>>
      %dma_wait3A_53 = tpu.memref_slice %arg6[%add3A_51] : memref<102400xf32, #tpu.memory_space<hbm>> -> memref<3200xf32, #tpu.memory_space<hbm>>
      tpu.wait_dma2 semaphore(%run_scoped3A : memref<!tpu.dma_semaphore, #tpu.memory_space<semaphore_mem>>) src(%arg13 : memref<3200xf32, #tpu.memory_space<vmem>>) dst(%dma_wait3A_53 : memref<3200xf32, #tpu.memory_space<hbm>>)
      tpu.yield
    }) : () -> ()
    return
  }
}

#map = affine_map<(d0, d1) -> (0)>
module attributes {stable_mosaic.version = 14 : i64} {
  func.func @body(%arg0: i32, %arg1: i32, %arg2: memref<1600000xi32, #tpu.memory_space<hbm>>, %arg3: memref<51200xf32, #tpu.memory_space<hbm>>, %arg4: memref<51200xf32, #tpu.memory_space<hbm>>, %arg5: memref<3200000xf32, #tpu.memory_space<hbm>>, %arg6: memref<3200xi32, #tpu.memory_space<vmem>>, %arg7: memref<3200xi32, #tpu.memory_space<vmem>>, %arg8: memref<3200xf32, #tpu.memory_space<vmem>>, %arg9: memref<3200xf32, #tpu.memory_space<vmem>>, %arg10: memref<3200xf32, #tpu.memory_space<vmem>>, %arg11: memref<3200xf32, #tpu.memory_space<vmem>>, %arg12: memref<51200xf32, #tpu.memory_space<vmem>>, %arg13: memref<51200xf32, #tpu.memory_space<vmem>>, %arg14: memref<!tpu.dma_semaphore, #tpu.memory_space<semaphore_mem>>) attributes {dimension_semantics = [#tpu.dimension_semantics<core_parallel>, #tpu.dimension_semantics<subcore_parallel>], iteration_bounds = array<i64: 2, 16>, scalar_prefetch = 0 : i64, scratch_operands = 9 : i64, tpu.core_type = #tpu.core_type<sc_vector_subcore>, window_params = [{transform_indices = #map}, {transform_indices = #map}, {transform_indices = #map}, {transform_indices = #map}]} {
    %mul3A = arith.constant 16 : i32
    %mul3A_0 = arith.muli %arg0, %mul3A : i32
    %add3A = arith.addi %mul3A_0, %arg1 : i32
    tpu.enqueue_dma source(%arg3 : memref<51200xf32, #tpu.memory_space<hbm>>) target(%arg12 : memref<51200xf32, #tpu.memory_space<vmem>>) target_semaphore(%arg14 : memref<!tpu.dma_semaphore, #tpu.memory_space<semaphore_mem>>)
    tpu.enqueue_dma source(%arg4 : memref<51200xf32, #tpu.memory_space<hbm>>) target(%arg13 : memref<51200xf32, #tpu.memory_space<vmem>>) target_semaphore(%arg14 : memref<!tpu.dma_semaphore, #tpu.memory_space<semaphore_mem>>)
    tpu.wait_dma2 semaphore(%arg14 : memref<!tpu.dma_semaphore, #tpu.memory_space<semaphore_mem>>) src(%arg3 : memref<51200xf32, #tpu.memory_space<hbm>>) dst(%arg12 : memref<51200xf32, #tpu.memory_space<vmem>>)
    tpu.wait_dma2 semaphore(%arg14 : memref<!tpu.dma_semaphore, #tpu.memory_space<semaphore_mem>>) src(%arg4 : memref<51200xf32, #tpu.memory_space<hbm>>) dst(%arg13 : memref<51200xf32, #tpu.memory_space<vmem>>)
    %mul3A_1 = arith.constant 7 : i32
    %mul3A_2 = arith.muli %add3A, %mul3A_1 : i32
    %min3A = arith.constant 26 : i32
    %min3A_3 = arith.minsi %add3A, %min3A : i32
    %add3A_4 = arith.addi %mul3A_2, %min3A_3 : i32
    %lt3A = arith.constant 26 : i32
    %lt3A_5 = arith.cmpi slt, %add3A, %lt3A : i32
    %jit3A = arith.constant 1 : i32
    %jit3A_6 = arith.constant 0 : i32
    %select_n3A = arith.select %lt3A_5, %jit3A, %jit3A_6 : i32
    %add3A_7 = arith.constant 7 : i32
    %add3A_8 = arith.addi %add3A_7, %select_n3A : i32
    %while3A = arith.constant 0 : i32
    %while3A_9 = arith.constant 0 : i32
    %while3A_10 = arith.subi %add3A_8, %while3A : i32
    %while3A_11 = arith.addi %while3A, %while3A_10 : i32
    %while3A_12 = arith.constant 1 : i32
    %while3A_13 = arith.divsi %while3A_10, %while3A_12 : i32
    %while3A_14 = arith.muli %while3A_13, %while3A_12 : i32
    %while3A_15 = arith.addi %while3A, %while3A_14 : i32
    %while3A_16 = arith.constant 1 : i32
    %while3A_17 = scf.for %while3A_20 = %while3A to %while3A_15 step %while3A_16 iter_args(%while3A_21 = %while3A_9) -> (i32)  : i32 {
      %add3A_22 = arith.addi %add3A_4, %while3A_20 : i32
      %mul3A_23 = arith.constant 3200 : i32
      %mul3A_24 = arith.muli %add3A_22, %mul3A_23 : i32
      %dma_start3A = tpu.memref_slice %arg2[%mul3A_24] : memref<1600000xi32, #tpu.memory_space<hbm>> -> memref<3200xi32, #tpu.memory_space<hbm>>
      %dma_start3A_25 = tpu.memref_slice %arg2[%mul3A_24] : memref<1600000xi32, #tpu.memory_space<hbm>> -> memref<3200xi32, #tpu.memory_space<hbm>>
      tpu.enqueue_dma source(%dma_start3A_25 : memref<3200xi32, #tpu.memory_space<hbm>>) target(%arg6 : memref<3200xi32, #tpu.memory_space<vmem>>) target_semaphore(%arg14 : memref<!tpu.dma_semaphore, #tpu.memory_space<semaphore_mem>>)
      %mul3A_26 = arith.constant 3200 : i32
      %mul3A_27 = arith.muli %add3A_22, %mul3A_26 : i32
      %add3A_28 = arith.constant 800000 : i32
      %add3A_29 = arith.addi %add3A_28, %mul3A_27 : i32
      %dma_start3A_30 = tpu.memref_slice %arg2[%add3A_29] : memref<1600000xi32, #tpu.memory_space<hbm>> -> memref<3200xi32, #tpu.memory_space<hbm>>
      %dma_start3A_31 = tpu.memref_slice %arg2[%add3A_29] : memref<1600000xi32, #tpu.memory_space<hbm>> -> memref<3200xi32, #tpu.memory_space<hbm>>
      tpu.enqueue_dma source(%dma_start3A_31 : memref<3200xi32, #tpu.memory_space<hbm>>) target(%arg7 : memref<3200xi32, #tpu.memory_space<vmem>>) target_semaphore(%arg14 : memref<!tpu.dma_semaphore, #tpu.memory_space<semaphore_mem>>)
      %dma_wait3A = tpu.memref_slice %arg2[%mul3A_24] : memref<1600000xi32, #tpu.memory_space<hbm>> -> memref<3200xi32, #tpu.memory_space<hbm>>
      %dma_wait3A_32 = tpu.memref_slice %arg2[%mul3A_24] : memref<1600000xi32, #tpu.memory_space<hbm>> -> memref<3200xi32, #tpu.memory_space<hbm>>
      tpu.wait_dma2 semaphore(%arg14 : memref<!tpu.dma_semaphore, #tpu.memory_space<semaphore_mem>>) src(%dma_wait3A_32 : memref<3200xi32, #tpu.memory_space<hbm>>) dst(%arg6 : memref<3200xi32, #tpu.memory_space<vmem>>)
      %dma_wait3A_33 = tpu.memref_slice %arg2[%add3A_29] : memref<1600000xi32, #tpu.memory_space<hbm>> -> memref<3200xi32, #tpu.memory_space<hbm>>
      %dma_wait3A_34 = tpu.memref_slice %arg2[%add3A_29] : memref<1600000xi32, #tpu.memory_space<hbm>> -> memref<3200xi32, #tpu.memory_space<hbm>>
      tpu.wait_dma2 semaphore(%arg14 : memref<!tpu.dma_semaphore, #tpu.memory_space<semaphore_mem>>) src(%dma_wait3A_34 : memref<3200xi32, #tpu.memory_space<hbm>>) dst(%arg7 : memref<3200xi32, #tpu.memory_space<vmem>>)
      %parallel_loop3A = arith.constant 0 : i32
      %parallel_loop3A_35 = arith.constant 200 : i32
      %parallel_loop3A_36 = arith.constant 1 : i32
      scf.for %parallel_loop3A_70 = %parallel_loop3A to %parallel_loop3A_35 step %parallel_loop3A_36  : i32 {
        %parallel_loop3A_71 = arith.constant 16 : i32
        %parallel_loop3A_72 = arith.muli %parallel_loop3A_70, %parallel_loop3A_71 : i32
        %parallel_loop3A_73 = arith.index_cast %parallel_loop3A_72 : i32 to index
        %parallel_loop3A_74 = tpu.vector_load %arg6[%parallel_loop3A_73] {strides = array<i32>} : memref<3200xi32, #tpu.memory_space<vmem>>, vector<16xi32>,
        %parallel_loop3A_75 = arith.index_cast %parallel_loop3A_72 : i32 to index
        %parallel_loop3A_76 = tpu.vector_load %arg7[%parallel_loop3A_75] {strides = array<i32>} : memref<3200xi32, #tpu.memory_space<vmem>>, vector<16xi32>,
        %parallel_loop3A_77 = tpu.vector_load_idx %arg12[%parallel_loop3A_74] : memref<51200xf32, #tpu.memory_space<vmem>>[vector<16xi32>], vector<16xf32>,
        %parallel_loop3A_78 = arith.index_cast %parallel_loop3A_72 : i32 to index
        %parallel_loop3A_79 = tpu.vector_load %arg8[%parallel_loop3A_78] {strides = array<i32>} : memref<3200xf32, #tpu.memory_space<vmem>>, vector<16xf32>,
        tpu.vector_store %arg8[%parallel_loop3A_78], %parallel_loop3A_77 {strides = array<i32>} : memref<3200xf32, #tpu.memory_space<vmem>>, vector<16xf32>,
        %parallel_loop3A_80 = tpu.vector_load_idx %arg13[%parallel_loop3A_74] : memref<51200xf32, #tpu.memory_space<vmem>>[vector<16xi32>], vector<16xf32>,
        %parallel_loop3A_81 = arith.index_cast %parallel_loop3A_72 : i32 to index
        %parallel_loop3A_82 = tpu.vector_load %arg9[%parallel_loop3A_81] {strides = array<i32>} : memref<3200xf32, #tpu.memory_space<vmem>>, vector<16xf32>,
        tpu.vector_store %arg9[%parallel_loop3A_81], %parallel_loop3A_80 {strides = array<i32>} : memref<3200xf32, #tpu.memory_space<vmem>>, vector<16xf32>,
        %parallel_loop3A_83 = tpu.vector_load_idx %arg12[%parallel_loop3A_76] : memref<51200xf32, #tpu.memory_space<vmem>>[vector<16xi32>], vector<16xf32>,
        %parallel_loop3A_84 = arith.index_cast %parallel_loop3A_72 : i32 to index
        %parallel_loop3A_85 = tpu.vector_load %arg10[%parallel_loop3A_84] {strides = array<i32>} : memref<3200xf32, #tpu.memory_space<vmem>>, vector<16xf32>,
        tpu.vector_store %arg10[%parallel_loop3A_84], %parallel_loop3A_83 {strides = array<i32>} : memref<3200xf32, #tpu.memory_space<vmem>>, vector<16xf32>,
        %parallel_loop3A_86 = tpu.vector_load_idx %arg13[%parallel_loop3A_76] : memref<51200xf32, #tpu.memory_space<vmem>>[vector<16xi32>], vector<16xf32>,
        %parallel_loop3A_87 = arith.index_cast %parallel_loop3A_72 : i32 to index
        %parallel_loop3A_88 = tpu.vector_load %arg11[%parallel_loop3A_87] {strides = array<i32>} : memref<3200xf32, #tpu.memory_space<vmem>>, vector<16xf32>,
        tpu.vector_store %arg11[%parallel_loop3A_87], %parallel_loop3A_86 {strides = array<i32>} : memref<3200xf32, #tpu.memory_space<vmem>>, vector<16xf32>,
      } {sc.loop_unroll_factor = 8 : i64, sc.parallel_access}
      %mul3A_37 = arith.constant 3200 : i32
      %mul3A_38 = arith.muli %add3A_22, %mul3A_37 : i32
      %add3A_39 = arith.constant 0 : i32
      %add3A_40 = arith.addi %add3A_39, %mul3A_38 : i32
      %dma_start3A_41 = tpu.memref_slice %arg5[%add3A_40] : memref<3200000xf32, #tpu.memory_space<hbm>> -> memref<3200xf32, #tpu.memory_space<hbm>>
      %dma_start3A_42 = tpu.memref_slice %arg5[%add3A_40] : memref<3200000xf32, #tpu.memory_space<hbm>> -> memref<3200xf32, #tpu.memory_space<hbm>>
      tpu.enqueue_dma source(%arg8 : memref<3200xf32, #tpu.memory_space<vmem>>) target(%dma_start3A_42 : memref<3200xf32, #tpu.memory_space<hbm>>) target_semaphore(%arg14 : memref<!tpu.dma_semaphore, #tpu.memory_space<semaphore_mem>>)
      %mul3A_43 = arith.constant 3200 : i32
      %mul3A_44 = arith.muli %add3A_22, %mul3A_43 : i32
      %add3A_45 = arith.constant 800000 : i32
      %add3A_46 = arith.addi %add3A_45, %mul3A_44 : i32
      %dma_start3A_47 = tpu.memref_slice %arg5[%add3A_46] : memref<3200000xf32, #tpu.memory_space<hbm>> -> memref<3200xf32, #tpu.memory_space<hbm>>
      %dma_start3A_48 = tpu.memref_slice %arg5[%add3A_46] : memref<3200000xf32, #tpu.memory_space<hbm>> -> memref<3200xf32, #tpu.memory_space<hbm>>
      tpu.enqueue_dma source(%arg9 : memref<3200xf32, #tpu.memory_space<vmem>>) target(%dma_start3A_48 : memref<3200xf32, #tpu.memory_space<hbm>>) target_semaphore(%arg14 : memref<!tpu.dma_semaphore, #tpu.memory_space<semaphore_mem>>)
      %mul3A_49 = arith.constant 3200 : i32
      %mul3A_50 = arith.muli %add3A_22, %mul3A_49 : i32
      %add3A_51 = arith.constant 1600000 : i32
      %add3A_52 = arith.addi %add3A_51, %mul3A_50 : i32
      %dma_start3A_53 = tpu.memref_slice %arg5[%add3A_52] : memref<3200000xf32, #tpu.memory_space<hbm>> -> memref<3200xf32, #tpu.memory_space<hbm>>
      %dma_start3A_54 = tpu.memref_slice %arg5[%add3A_52] : memref<3200000xf32, #tpu.memory_space<hbm>> -> memref<3200xf32, #tpu.memory_space<hbm>>
      tpu.enqueue_dma source(%arg10 : memref<3200xf32, #tpu.memory_space<vmem>>) target(%dma_start3A_54 : memref<3200xf32, #tpu.memory_space<hbm>>) target_semaphore(%arg14 : memref<!tpu.dma_semaphore, #tpu.memory_space<semaphore_mem>>)
      %mul3A_55 = arith.constant 3200 : i32
      %mul3A_56 = arith.muli %add3A_22, %mul3A_55 : i32
      %add3A_57 = arith.constant 2400000 : i32
      %add3A_58 = arith.addi %add3A_57, %mul3A_56 : i32
      %dma_start3A_59 = tpu.memref_slice %arg5[%add3A_58] : memref<3200000xf32, #tpu.memory_space<hbm>> -> memref<3200xf32, #tpu.memory_space<hbm>>
      %dma_start3A_60 = tpu.memref_slice %arg5[%add3A_58] : memref<3200000xf32, #tpu.memory_space<hbm>> -> memref<3200xf32, #tpu.memory_space<hbm>>
      tpu.enqueue_dma source(%arg11 : memref<3200xf32, #tpu.memory_space<vmem>>) target(%dma_start3A_60 : memref<3200xf32, #tpu.memory_space<hbm>>) target_semaphore(%arg14 : memref<!tpu.dma_semaphore, #tpu.memory_space<semaphore_mem>>)
      %dma_wait3A_61 = tpu.memref_slice %arg5[%add3A_40] : memref<3200000xf32, #tpu.memory_space<hbm>> -> memref<3200xf32, #tpu.memory_space<hbm>>
      %dma_wait3A_62 = tpu.memref_slice %arg5[%add3A_40] : memref<3200000xf32, #tpu.memory_space<hbm>> -> memref<3200xf32, #tpu.memory_space<hbm>>
      tpu.wait_dma2 semaphore(%arg14 : memref<!tpu.dma_semaphore, #tpu.memory_space<semaphore_mem>>) src(%arg8 : memref<3200xf32, #tpu.memory_space<vmem>>) dst(%dma_wait3A_62 : memref<3200xf32, #tpu.memory_space<hbm>>)
      %dma_wait3A_63 = tpu.memref_slice %arg5[%add3A_46] : memref<3200000xf32, #tpu.memory_space<hbm>> -> memref<3200xf32, #tpu.memory_space<hbm>>
      %dma_wait3A_64 = tpu.memref_slice %arg5[%add3A_46] : memref<3200000xf32, #tpu.memory_space<hbm>> -> memref<3200xf32, #tpu.memory_space<hbm>>
      tpu.wait_dma2 semaphore(%arg14 : memref<!tpu.dma_semaphore, #tpu.memory_space<semaphore_mem>>) src(%arg9 : memref<3200xf32, #tpu.memory_space<vmem>>) dst(%dma_wait3A_64 : memref<3200xf32, #tpu.memory_space<hbm>>)
      %dma_wait3A_65 = tpu.memref_slice %arg5[%add3A_52] : memref<3200000xf32, #tpu.memory_space<hbm>> -> memref<3200xf32, #tpu.memory_space<hbm>>
      %dma_wait3A_66 = tpu.memref_slice %arg5[%add3A_52] : memref<3200000xf32, #tpu.memory_space<hbm>> -> memref<3200xf32, #tpu.memory_space<hbm>>
      tpu.wait_dma2 semaphore(%arg14 : memref<!tpu.dma_semaphore, #tpu.memory_space<semaphore_mem>>) src(%arg10 : memref<3200xf32, #tpu.memory_space<vmem>>) dst(%dma_wait3A_66 : memref<3200xf32, #tpu.memory_space<hbm>>)
      %dma_wait3A_67 = tpu.memref_slice %arg5[%add3A_58] : memref<3200000xf32, #tpu.memory_space<hbm>> -> memref<3200xf32, #tpu.memory_space<hbm>>
      %dma_wait3A_68 = tpu.memref_slice %arg5[%add3A_58] : memref<3200000xf32, #tpu.memory_space<hbm>> -> memref<3200xf32, #tpu.memory_space<hbm>>
      tpu.wait_dma2 semaphore(%arg14 : memref<!tpu.dma_semaphore, #tpu.memory_space<semaphore_mem>>) src(%arg11 : memref<3200xf32, #tpu.memory_space<vmem>>) dst(%dma_wait3A_68 : memref<3200xf32, #tpu.memory_space<hbm>>)
      %while3A_69 = arith.constant 0 : i32
      scf.yield %while3A_69 : i32
    }
    %while3A_18 = arith.constant 1 : i32
    %while3A_19 = scf.for %while3A_20 = %while3A_15 to %while3A_11 step %while3A_18 iter_args(%while3A_21 = %while3A_17) -> (i32)  : i32 {
      %add3A_22 = arith.addi %add3A_4, %while3A_20 : i32
      %mul3A_23 = arith.constant 3200 : i32
      %mul3A_24 = arith.muli %add3A_22, %mul3A_23 : i32
      %dma_start3A = tpu.memref_slice %arg2[%mul3A_24] : memref<1600000xi32, #tpu.memory_space<hbm>> -> memref<3200xi32, #tpu.memory_space<hbm>>
      %dma_start3A_25 = tpu.memref_slice %arg2[%mul3A_24] : memref<1600000xi32, #tpu.memory_space<hbm>> -> memref<3200xi32, #tpu.memory_space<hbm>>
      tpu.enqueue_dma source(%dma_start3A_25 : memref<3200xi32, #tpu.memory_space<hbm>>) target(%arg6 : memref<3200xi32, #tpu.memory_space<vmem>>) target_semaphore(%arg14 : memref<!tpu.dma_semaphore, #tpu.memory_space<semaphore_mem>>)
      %mul3A_26 = arith.constant 3200 : i32
      %mul3A_27 = arith.muli %add3A_22, %mul3A_26 : i32
      %add3A_28 = arith.constant 800000 : i32
      %add3A_29 = arith.addi %add3A_28, %mul3A_27 : i32
      %dma_start3A_30 = tpu.memref_slice %arg2[%add3A_29] : memref<1600000xi32, #tpu.memory_space<hbm>> -> memref<3200xi32, #tpu.memory_space<hbm>>
      %dma_start3A_31 = tpu.memref_slice %arg2[%add3A_29] : memref<1600000xi32, #tpu.memory_space<hbm>> -> memref<3200xi32, #tpu.memory_space<hbm>>
      tpu.enqueue_dma source(%dma_start3A_31 : memref<3200xi32, #tpu.memory_space<hbm>>) target(%arg7 : memref<3200xi32, #tpu.memory_space<vmem>>) target_semaphore(%arg14 : memref<!tpu.dma_semaphore, #tpu.memory_space<semaphore_mem>>)
      %dma_wait3A = tpu.memref_slice %arg2[%mul3A_24] : memref<1600000xi32, #tpu.memory_space<hbm>> -> memref<3200xi32, #tpu.memory_space<hbm>>
      %dma_wait3A_32 = tpu.memref_slice %arg2[%mul3A_24] : memref<1600000xi32, #tpu.memory_space<hbm>> -> memref<3200xi32, #tpu.memory_space<hbm>>
      tpu.wait_dma2 semaphore(%arg14 : memref<!tpu.dma_semaphore, #tpu.memory_space<semaphore_mem>>) src(%dma_wait3A_32 : memref<3200xi32, #tpu.memory_space<hbm>>) dst(%arg6 : memref<3200xi32, #tpu.memory_space<vmem>>)
      %dma_wait3A_33 = tpu.memref_slice %arg2[%add3A_29] : memref<1600000xi32, #tpu.memory_space<hbm>> -> memref<3200xi32, #tpu.memory_space<hbm>>
      %dma_wait3A_34 = tpu.memref_slice %arg2[%add3A_29] : memref<1600000xi32, #tpu.memory_space<hbm>> -> memref<3200xi32, #tpu.memory_space<hbm>>
      tpu.wait_dma2 semaphore(%arg14 : memref<!tpu.dma_semaphore, #tpu.memory_space<semaphore_mem>>) src(%dma_wait3A_34 : memref<3200xi32, #tpu.memory_space<hbm>>) dst(%arg7 : memref<3200xi32, #tpu.memory_space<vmem>>)
      %parallel_loop3A = arith.constant 0 : i32
      %parallel_loop3A_35 = arith.constant 200 : i32
      %parallel_loop3A_36 = arith.constant 1 : i32
      scf.for %parallel_loop3A_70 = %parallel_loop3A to %parallel_loop3A_35 step %parallel_loop3A_36  : i32 {
        %parallel_loop3A_71 = arith.constant 16 : i32
        %parallel_loop3A_72 = arith.muli %parallel_loop3A_70, %parallel_loop3A_71 : i32
        %parallel_loop3A_73 = arith.index_cast %parallel_loop3A_72 : i32 to index
        %parallel_loop3A_74 = tpu.vector_load %arg6[%parallel_loop3A_73] {strides = array<i32>} : memref<3200xi32, #tpu.memory_space<vmem>>, vector<16xi32>,
        %parallel_loop3A_75 = arith.index_cast %parallel_loop3A_72 : i32 to index
        %parallel_loop3A_76 = tpu.vector_load %arg7[%parallel_loop3A_75] {strides = array<i32>} : memref<3200xi32, #tpu.memory_space<vmem>>, vector<16xi32>,
        %parallel_loop3A_77 = tpu.vector_load_idx %arg12[%parallel_loop3A_74] : memref<51200xf32, #tpu.memory_space<vmem>>[vector<16xi32>], vector<16xf32>,
        %parallel_loop3A_78 = arith.index_cast %parallel_loop3A_72 : i32 to index
        %parallel_loop3A_79 = tpu.vector_load %arg8[%parallel_loop3A_78] {strides = array<i32>} : memref<3200xf32, #tpu.memory_space<vmem>>, vector<16xf32>,
        tpu.vector_store %arg8[%parallel_loop3A_78], %parallel_loop3A_77 {strides = array<i32>} : memref<3200xf32, #tpu.memory_space<vmem>>, vector<16xf32>,
        %parallel_loop3A_80 = tpu.vector_load_idx %arg13[%parallel_loop3A_74] : memref<51200xf32, #tpu.memory_space<vmem>>[vector<16xi32>], vector<16xf32>,
        %parallel_loop3A_81 = arith.index_cast %parallel_loop3A_72 : i32 to index
        %parallel_loop3A_82 = tpu.vector_load %arg9[%parallel_loop3A_81] {strides = array<i32>} : memref<3200xf32, #tpu.memory_space<vmem>>, vector<16xf32>,
        tpu.vector_store %arg9[%parallel_loop3A_81], %parallel_loop3A_80 {strides = array<i32>} : memref<3200xf32, #tpu.memory_space<vmem>>, vector<16xf32>,
        %parallel_loop3A_83 = tpu.vector_load_idx %arg12[%parallel_loop3A_76] : memref<51200xf32, #tpu.memory_space<vmem>>[vector<16xi32>], vector<16xf32>,
        %parallel_loop3A_84 = arith.index_cast %parallel_loop3A_72 : i32 to index
        %parallel_loop3A_85 = tpu.vector_load %arg10[%parallel_loop3A_84] {strides = array<i32>} : memref<3200xf32, #tpu.memory_space<vmem>>, vector<16xf32>,
        tpu.vector_store %arg10[%parallel_loop3A_84], %parallel_loop3A_83 {strides = array<i32>} : memref<3200xf32, #tpu.memory_space<vmem>>, vector<16xf32>,
        %parallel_loop3A_86 = tpu.vector_load_idx %arg13[%parallel_loop3A_76] : memref<51200xf32, #tpu.memory_space<vmem>>[vector<16xi32>], vector<16xf32>,
        %parallel_loop3A_87 = arith.index_cast %parallel_loop3A_72 : i32 to index
        %parallel_loop3A_88 = tpu.vector_load %arg11[%parallel_loop3A_87] {strides = array<i32>} : memref<3200xf32, #tpu.memory_space<vmem>>, vector<16xf32>,
        tpu.vector_store %arg11[%parallel_loop3A_87], %parallel_loop3A_86 {strides = array<i32>} : memref<3200xf32, #tpu.memory_space<vmem>>, vector<16xf32>,
      } {sc.loop_unroll_factor = 8 : i64, sc.parallel_access}
      %mul3A_37 = arith.constant 3200 : i32
      %mul3A_38 = arith.muli %add3A_22, %mul3A_37 : i32
      %add3A_39 = arith.constant 0 : i32
      %add3A_40 = arith.addi %add3A_39, %mul3A_38 : i32
      %dma_start3A_41 = tpu.memref_slice %arg5[%add3A_40] : memref<3200000xf32, #tpu.memory_space<hbm>> -> memref<3200xf32, #tpu.memory_space<hbm>>
      %dma_start3A_42 = tpu.memref_slice %arg5[%add3A_40] : memref<3200000xf32, #tpu.memory_space<hbm>> -> memref<3200xf32, #tpu.memory_space<hbm>>
      tpu.enqueue_dma source(%arg8 : memref<3200xf32, #tpu.memory_space<vmem>>) target(%dma_start3A_42 : memref<3200xf32, #tpu.memory_space<hbm>>) target_semaphore(%arg14 : memref<!tpu.dma_semaphore, #tpu.memory_space<semaphore_mem>>)
      %mul3A_43 = arith.constant 3200 : i32
      %mul3A_44 = arith.muli %add3A_22, %mul3A_43 : i32
      %add3A_45 = arith.constant 800000 : i32
      %add3A_46 = arith.addi %add3A_45, %mul3A_44 : i32
      %dma_start3A_47 = tpu.memref_slice %arg5[%add3A_46] : memref<3200000xf32, #tpu.memory_space<hbm>> -> memref<3200xf32, #tpu.memory_space<hbm>>
      %dma_start3A_48 = tpu.memref_slice %arg5[%add3A_46] : memref<3200000xf32, #tpu.memory_space<hbm>> -> memref<3200xf32, #tpu.memory_space<hbm>>
      tpu.enqueue_dma source(%arg9 : memref<3200xf32, #tpu.memory_space<vmem>>) target(%dma_start3A_48 : memref<3200xf32, #tpu.memory_space<hbm>>) target_semaphore(%arg14 : memref<!tpu.dma_semaphore, #tpu.memory_space<semaphore_mem>>)
      %mul3A_49 = arith.constant 3200 : i32
      %mul3A_50 = arith.muli %add3A_22, %mul3A_49 : i32
      %add3A_51 = arith.constant 1600000 : i32
      %add3A_52 = arith.addi %add3A_51, %mul3A_50 : i32
      %dma_start3A_53 = tpu.memref_slice %arg5[%add3A_52] : memref<3200000xf32, #tpu.memory_space<hbm>> -> memref<3200xf32, #tpu.memory_space<hbm>>
      %dma_start3A_54 = tpu.memref_slice %arg5[%add3A_52] : memref<3200000xf32, #tpu.memory_space<hbm>> -> memref<3200xf32, #tpu.memory_space<hbm>>
      tpu.enqueue_dma source(%arg10 : memref<3200xf32, #tpu.memory_space<vmem>>) target(%dma_start3A_54 : memref<3200xf32, #tpu.memory_space<hbm>>) target_semaphore(%arg14 : memref<!tpu.dma_semaphore, #tpu.memory_space<semaphore_mem>>)
      %mul3A_55 = arith.constant 3200 : i32
      %mul3A_56 = arith.muli %add3A_22, %mul3A_55 : i32
      %add3A_57 = arith.constant 2400000 : i32
      %add3A_58 = arith.addi %add3A_57, %mul3A_56 : i32
      %dma_start3A_59 = tpu.memref_slice %arg5[%add3A_58] : memref<3200000xf32, #tpu.memory_space<hbm>> -> memref<3200xf32, #tpu.memory_space<hbm>>
      %dma_start3A_60 = tpu.memref_slice %arg5[%add3A_58] : memref<3200000xf32, #tpu.memory_space<hbm>> -> memref<3200xf32, #tpu.memory_space<hbm>>
      tpu.enqueue_dma source(%arg11 : memref<3200xf32, #tpu.memory_space<vmem>>) target(%dma_start3A_60 : memref<3200xf32, #tpu.memory_space<hbm>>) target_semaphore(%arg14 : memref<!tpu.dma_semaphore, #tpu.memory_space<semaphore_mem>>)
      %dma_wait3A_61 = tpu.memref_slice %arg5[%add3A_40] : memref<3200000xf32, #tpu.memory_space<hbm>> -> memref<3200xf32, #tpu.memory_space<hbm>>
      %dma_wait3A_62 = tpu.memref_slice %arg5[%add3A_40] : memref<3200000xf32, #tpu.memory_space<hbm>> -> memref<3200xf32, #tpu.memory_space<hbm>>
      tpu.wait_dma2 semaphore(%arg14 : memref<!tpu.dma_semaphore, #tpu.memory_space<semaphore_mem>>) src(%arg8 : memref<3200xf32, #tpu.memory_space<vmem>>) dst(%dma_wait3A_62 : memref<3200xf32, #tpu.memory_space<hbm>>)
      %dma_wait3A_63 = tpu.memref_slice %arg5[%add3A_46] : memref<3200000xf32, #tpu.memory_space<hbm>> -> memref<3200xf32, #tpu.memory_space<hbm>>
      %dma_wait3A_64 = tpu.memref_slice %arg5[%add3A_46] : memref<3200000xf32, #tpu.memory_space<hbm>> -> memref<3200xf32, #tpu.memory_space<hbm>>
      tpu.wait_dma2 semaphore(%arg14 : memref<!tpu.dma_semaphore, #tpu.memory_space<semaphore_mem>>) src(%arg9 : memref<3200xf32, #tpu.memory_space<vmem>>) dst(%dma_wait3A_64 : memref<3200xf32, #tpu.memory_space<hbm>>)
      %dma_wait3A_65 = tpu.memref_slice %arg5[%add3A_52] : memref<3200000xf32, #tpu.memory_space<hbm>> -> memref<3200xf32, #tpu.memory_space<hbm>>
      %dma_wait3A_66 = tpu.memref_slice %arg5[%add3A_52] : memref<3200000xf32, #tpu.memory_space<hbm>> -> memref<3200xf32, #tpu.memory_space<hbm>>
      tpu.wait_dma2 semaphore(%arg14 : memref<!tpu.dma_semaphore, #tpu.memory_space<semaphore_mem>>) src(%arg10 : memref<3200xf32, #tpu.memory_space<vmem>>) dst(%dma_wait3A_66 : memref<3200xf32, #tpu.memory_space<hbm>>)
      %dma_wait3A_67 = tpu.memref_slice %arg5[%add3A_58] : memref<3200000xf32, #tpu.memory_space<hbm>> -> memref<3200xf32, #tpu.memory_space<hbm>>
      %dma_wait3A_68 = tpu.memref_slice %arg5[%add3A_58] : memref<3200000xf32, #tpu.memory_space<hbm>> -> memref<3200xf32, #tpu.memory_space<hbm>>
      tpu.wait_dma2 semaphore(%arg14 : memref<!tpu.dma_semaphore, #tpu.memory_space<semaphore_mem>>) src(%arg11 : memref<3200xf32, #tpu.memory_space<vmem>>) dst(%dma_wait3A_68 : memref<3200xf32, #tpu.memory_space<hbm>>)
      %while3A_69 = arith.constant 0 : i32
      scf.yield %while3A_69 : i32
    }
    return
  }
}

module attributes {stable_mosaic.version = 14 : i64} {
  func.func @body(%arg0: memref<2x400x128xf32, #tpu.memory_space<vmem>>, %arg1: memref<400x128xf32, #tpu.memory_space<vmem>>, %arg2: memref<400x128xf32, #tpu.memory_space<vmem>>, %arg3: memref<400x128xf32, #tpu.memory_space<vmem>>) attributes {dimension_semantics = [], scalar_prefetch = 0 : i64, scratch_operands = 0 : i64, tpu.core_type = #tpu.core_type<tc>} {
    %get3A = arith.constant 0 : index
    %get3A_0 = arith.constant 0 : index
    %get3A_1 = arith.constant 0 : index
    %get3A_2 = vector.load %arg0[%get3A, %get3A_0, %get3A_1] : memref<2x400x128xf32, #tpu.memory_space<vmem>>, vector<1x400x128xf32>
    %get3A_3 = vector.shape_cast %get3A_2 : vector<1x400x128xf32> to vector<400x128xf32>
    %get3A_4 = arith.constant 1 : index
    %get3A_5 = arith.constant 0 : index
    %get3A_6 = arith.constant 0 : index
    %get3A_7 = vector.load %arg0[%get3A_4, %get3A_5, %get3A_6] : memref<2x400x128xf32, #tpu.memory_space<vmem>>, vector<1x400x128xf32>
    %get3A_8 = vector.shape_cast %get3A_7 : vector<1x400x128xf32> to vector<400x128xf32>
    %add3A = arith.addf %get3A_3, %get3A_8 : vector<400x128xf32>
    %add3A_9 = arith.constant 1.000000e+00 : f32
    %add3A_10 = vector.broadcast %add3A_9 : f32 to vector<400x128xf32>
    %add3A_11 = arith.addf %add3A, %add3A_10 : vector<400x128xf32>
    %rsqrt3A = math.rsqrt %add3A_11 : vector<400x128xf32>
    %swap3A = arith.constant 0 : index
    %swap3A_12 = arith.constant 0 : index
    %swap3A_13 = vector.load %arg2[%swap3A, %swap3A_12] : memref<400x128xf32, #tpu.memory_space<vmem>>, vector<400x128xf32>
    tpu.vector_store %arg2[%swap3A, %swap3A_12], %rsqrt3A {strides = array<i32>} : memref<400x128xf32, #tpu.memory_space<vmem>>, vector<400x128xf32>,
    %get3A_14 = arith.constant 0 : index
    %get3A_15 = arith.constant 0 : index
    %get3A_16 = vector.load %arg1[%get3A_14, %get3A_15] : memref<400x128xf32, #tpu.memory_space<vmem>>, vector<400x128xf32>
    %mul3A = arith.mulf %rsqrt3A, %get3A_16 : vector<400x128xf32>
    %swap3A_17 = arith.constant 0 : index
    %swap3A_18 = arith.constant 0 : index
    %swap3A_19 = vector.load %arg3[%swap3A_17, %swap3A_18] : memref<400x128xf32, #tpu.memory_space<vmem>>, vector<400x128xf32>
    tpu.vector_store %arg3[%swap3A_17, %swap3A_18], %mul3A {strides = array<i32>} : memref<400x128xf32, #tpu.memory_space<vmem>>, vector<400x128xf32>,
    return
  }
}

module attributes {stable_mosaic.version = 14 : i64} {
  func.func @body(%arg0: memref<2x400x128xf32, #tpu.memory_space<vmem>>, %arg1: memref<400x128xf32, #tpu.memory_space<vmem>>, %arg2: memref<400x128xf32, #tpu.memory_space<vmem>>, %arg3: memref<400x128xf32, #tpu.memory_space<vmem>>) attributes {dimension_semantics = [], scalar_prefetch = 0 : i64, scratch_operands = 0 : i64, tpu.core_type = #tpu.core_type<tc>} {
    %get3A = arith.constant 0 : index
    %get3A_0 = arith.constant 0 : index
    %get3A_1 = arith.constant 0 : index
    %get3A_2 = vector.load %arg0[%get3A, %get3A_0, %get3A_1] : memref<2x400x128xf32, #tpu.memory_space<vmem>>, vector<1x400x128xf32>
    %get3A_3 = vector.shape_cast %get3A_2 : vector<1x400x128xf32> to vector<400x128xf32>
    %get3A_4 = arith.constant 1 : index
    %get3A_5 = arith.constant 0 : index
    %get3A_6 = arith.constant 0 : index
    %get3A_7 = vector.load %arg0[%get3A_4, %get3A_5, %get3A_6] : memref<2x400x128xf32, #tpu.memory_space<vmem>>, vector<1x400x128xf32>
    %get3A_8 = vector.shape_cast %get3A_7 : vector<1x400x128xf32> to vector<400x128xf32>
    %add3A = arith.addf %get3A_3, %get3A_8 : vector<400x128xf32>
    %get3A_9 = arith.constant 0 : index
    %get3A_10 = arith.constant 0 : index
    %get3A_11 = vector.load %arg1[%get3A_9, %get3A_10] : memref<400x128xf32, #tpu.memory_space<vmem>>, vector<400x128xf32>
    %get3A_12 = arith.constant 0 : index
    %get3A_13 = arith.constant 0 : index
    %get3A_14 = vector.load %arg2[%get3A_12, %get3A_13] : memref<400x128xf32, #tpu.memory_space<vmem>>, vector<400x128xf32>
    %mul3A = arith.mulf %get3A_11, %get3A_14 : vector<400x128xf32>
    %add3A_15 = arith.addf %add3A, %mul3A : vector<400x128xf32>
    %swap3A = arith.constant 0 : index
    %swap3A_16 = arith.constant 0 : index
    %swap3A_17 = vector.load %arg3[%swap3A, %swap3A_16] : memref<400x128xf32, #tpu.memory_space<vmem>>, vector<400x128xf32>
    tpu.vector_store %arg3[%swap3A, %swap3A_16], %add3A_15 {strides = array<i32>} : memref<400x128xf32, #tpu.memory_space<vmem>>, vector<400x128xf32>,
    return
  }
}

module attributes {stable_mosaic.version = 14 : i64} {
  func.func @body(%arg0: memref<2x400x128xf32, #tpu.memory_space<vmem>>, %arg1: memref<2x400x128xf32, #tpu.memory_space<vmem>>, %arg2: memref<400x128xf32, #tpu.memory_space<vmem>>, %arg3: memref<400x128xf32, #tpu.memory_space<vmem>>, %arg4: memref<400x128xf32, #tpu.memory_space<vmem>>, %arg5: memref<400x128xf32, #tpu.memory_space<vmem>>) attributes {dimension_semantics = [], scalar_prefetch = 0 : i64, scratch_operands = 0 : i64, tpu.core_type = #tpu.core_type<tc>} {
    %get3A = arith.constant 0 : index
    %get3A_0 = arith.constant 0 : index
    %get3A_1 = vector.load %arg2[%get3A, %get3A_0] : memref<400x128xf32, #tpu.memory_space<vmem>>, vector<400x128xf32>
    %get3A_2 = arith.constant 0 : index
    %get3A_3 = arith.constant 0 : index
    %get3A_4 = vector.load %arg3[%get3A_2, %get3A_3] : memref<400x128xf32, #tpu.memory_space<vmem>>, vector<400x128xf32>
    %get3A_5 = arith.constant 0 : index
    %get3A_6 = arith.constant 0 : index
    %get3A_7 = vector.load %arg3[%get3A_5, %get3A_6] : memref<400x128xf32, #tpu.memory_space<vmem>>, vector<400x128xf32>
    %mul3A = arith.mulf %get3A_4, %get3A_7 : vector<400x128xf32>
    %get3A_8 = arith.constant 0 : index
    %get3A_9 = arith.constant 0 : index
    %get3A_10 = arith.constant 0 : index
    %get3A_11 = vector.load %arg0[%get3A_8, %get3A_9, %get3A_10] : memref<2x400x128xf32, #tpu.memory_space<vmem>>, vector<1x400x128xf32>
    %get3A_12 = vector.shape_cast %get3A_11 : vector<1x400x128xf32> to vector<400x128xf32>
    %get3A_13 = arith.constant 1 : index
    %get3A_14 = arith.constant 0 : index
    %get3A_15 = arith.constant 0 : index
    %get3A_16 = vector.load %arg0[%get3A_13, %get3A_14, %get3A_15] : memref<2x400x128xf32, #tpu.memory_space<vmem>>, vector<1x400x128xf32>
    %get3A_17 = vector.shape_cast %get3A_16 : vector<1x400x128xf32> to vector<400x128xf32>
    %add3A = arith.addf %get3A_12, %get3A_17 : vector<400x128xf32>
    %max3A = arith.constant 0.000000e+00 : f32
    %max3A_18 = vector.broadcast %max3A : f32 to vector<400x128xf32>
    %max3A_19 = arith.maximumf %get3A_1, %max3A_18 : vector<400x128xf32>
    %mul3A_20 = arith.mulf %mul3A, %max3A_19 : vector<400x128xf32>
    %add3A_21 = arith.addf %add3A, %mul3A_20 : vector<400x128xf32>
    %swap3A = arith.constant 0 : index
    %swap3A_22 = arith.constant 0 : index
    %swap3A_23 = vector.load %arg4[%swap3A, %swap3A_22] : memref<400x128xf32, #tpu.memory_space<vmem>>, vector<400x128xf32>
    tpu.vector_store %arg4[%swap3A, %swap3A_22], %add3A_21 {strides = array<i32>} : memref<400x128xf32, #tpu.memory_space<vmem>>, vector<400x128xf32>,
    %get3A_24 = arith.constant 0 : index
    %get3A_25 = arith.constant 0 : index
    %get3A_26 = arith.constant 0 : index
    %get3A_27 = vector.load %arg1[%get3A_24, %get3A_25, %get3A_26] : memref<2x400x128xf32, #tpu.memory_space<vmem>>, vector<1x400x128xf32>
    %get3A_28 = vector.shape_cast %get3A_27 : vector<1x400x128xf32> to vector<400x128xf32>
    %get3A_29 = arith.constant 1 : index
    %get3A_30 = arith.constant 0 : index
    %get3A_31 = arith.constant 0 : index
    %get3A_32 = vector.load %arg1[%get3A_29, %get3A_30, %get3A_31] : memref<2x400x128xf32, #tpu.memory_space<vmem>>, vector<1x400x128xf32>
    %get3A_33 = vector.shape_cast %get3A_32 : vector<1x400x128xf32> to vector<400x128xf32>
    %add3A_34 = arith.addf %get3A_28, %get3A_33 : vector<400x128xf32>
    %min3A = arith.constant 0.000000e+00 : f32
    %min3A_35 = vector.broadcast %min3A : f32 to vector<400x128xf32>
    %min3A_36 = arith.minimumf %get3A_1, %min3A_35 : vector<400x128xf32>
    %mul3A_37 = arith.mulf %mul3A, %min3A_36 : vector<400x128xf32>
    %add3A_38 = arith.addf %add3A_34, %mul3A_37 : vector<400x128xf32>
    %swap3A_39 = arith.constant 0 : index
    %swap3A_40 = arith.constant 0 : index
    %swap3A_41 = vector.load %arg5[%swap3A_39, %swap3A_40] : memref<400x128xf32, #tpu.memory_space<vmem>>, vector<400x128xf32>
    tpu.vector_store %arg5[%swap3A_39, %swap3A_40], %add3A_38 {strides = array<i32>} : memref<400x128xf32, #tpu.memory_space<vmem>>, vector<400x128xf32>,
    return
  }
}

module attributes {stable_mosaic.version = 14 : i64} {
  func.func @body(%arg0: i32, %arg1: memref<4x16000xf32, #tpu.memory_space<vmem>>, %arg2: memref<1x128xf32, #tpu.memory_space<vmem>>, %arg3: memref<128x64xf32, #tpu.memory_space<vmem>>, %arg4: memref<64xf32, #tpu.memory_space<vmem>>, %arg5: memref<64x5xf32, #tpu.memory_space<vmem>>, %arg6: memref<5xf32, #tpu.memory_space<vmem>>, %arg7: memref<5x16000xf32, #tpu.memory_space<vmem>>) attributes {dimension_semantics = [#tpu.dimension_semantics<arbitrary>], iteration_bounds = array<i64: 50>, scalar_prefetch = 0 : i64, scratch_operands = 0 : i64, tpu.core_type = #tpu.core_type<tc>, window_params = [{transform_indices = @transform_0, window_bounds = array<i64: 4, 16000>}, {pipeline_mode = #tpu.pipeline_mode<synchronous>, transform_indices = @transform_1, window_bounds = array<i64: 1, 128>}, {pipeline_mode = #tpu.pipeline_mode<synchronous>, transform_indices = @transform_2, window_bounds = array<i64: 128, 64>}, {pipeline_mode = #tpu.pipeline_mode<synchronous>, transform_indices = @transform_3, window_bounds = array<i64: 64>}, {pipeline_mode = #tpu.pipeline_mode<synchronous>, transform_indices = @transform_4, window_bounds = array<i64: 64, 5>}, {pipeline_mode = #tpu.pipeline_mode<synchronous>, transform_indices = @transform_5, window_bounds = array<i64: 5>}, {transform_indices = @transform_6, window_bounds = array<i64: 5, 16000>}]} {
    %get3A = arith.constant 0 : index
    %get3A_0 = arith.constant 0 : index
    %get3A_1 = vector.load %arg2[%get3A, %get3A_0] : memref<1x128xf32, #tpu.memory_space<vmem>>, vector<1x128xf32>
    %get3A_2 = arith.constant 0 : index
    %get3A_3 = arith.constant 0 : index
    %get3A_4 = vector.load %arg3[%get3A_2, %get3A_3] : memref<128x64xf32, #tpu.memory_space<vmem>>, vector<128x64xf32>
    %max3A = arith.constant 0.000000e+00 : f32
    %max3A_5 = vector.broadcast %max3A : f32 to vector<1x128xf32>
    %max3A_6 = arith.maximumf %get3A_1, %max3A_5 : vector<1x128xf32>
    %dot_general3A = arith.constant dense<0.000000e+00> : vector<1x64xf32>
    %dot_general3A_7 = tpu.matmul %max3A_6, %get3A_4, %dot_general3A {dimension_numbers = #tpu.dot_dimension_numbers<[1], [0], [0], [1], [0, 0, 1, 1], [], []>, transpose_lhs_hint = false} : vector<1x128xf32>, vector<128x64xf32>, vector<1x64xf32> -> vector<1x64xf32>
    %min3A = arith.constant 0.000000e+00 : f32
    %min3A_8 = vector.broadcast %min3A : f32 to vector<1x128xf32>
    %min3A_9 = arith.minimumf %get3A_1, %min3A_8 : vector<1x128xf32>
    %dot_general3A_10 = arith.constant dense<0.000000e+00> : vector<1x64xf32>
    %dot_general3A_11 = tpu.matmul %min3A_9, %get3A_4, %dot_general3A_10 {dimension_numbers = #tpu.dot_dimension_numbers<[1], [0], [0], [1], [0, 0, 1, 1], [], []>, transpose_lhs_hint = false} : vector<1x128xf32>, vector<128x64xf32>, vector<1x64xf32> -> vector<1x64xf32>
    %broadcast_in_dim3A = arith.constant 0.000000e+00 : f32
    %broadcast_in_dim3A_12 = vector.broadcast %broadcast_in_dim3A : f32 to vector<1x64xf32>
    %concatenate3A = tpu.concatenate %dot_general3A_7, %dot_general3A_11, %broadcast_in_dim3A_12, %broadcast_in_dim3A_12 in 0 : vector<1x64xf32>, vector<1x64xf32>, vector<1x64xf32>, vector<1x64xf32> -> vector<4x64xf32>
    %concatenate3A_13 = tpu.concatenate %broadcast_in_dim3A_12, %broadcast_in_dim3A_12, %dot_general3A_7, %dot_general3A_11 in 0 : vector<1x64xf32>, vector<1x64xf32>, vector<1x64xf32>, vector<1x64xf32> -> vector<4x64xf32>
    %get3A_14 = arith.constant 0 : index
    %get3A_15 = vector.load %arg4[%get3A_14] : memref<64xf32, #tpu.memory_space<vmem>>, vector<64xf32>
    %reshape3A = vector.shape_cast %get3A_15 : vector<64xf32> to vector<64x1xf32>
    %get3A_16 = arith.constant 0 : index
    %get3A_17 = arith.constant 0 : index
    %get3A_18 = vector.load %arg1[%get3A_16, %get3A_17] : memref<4x16000xf32, #tpu.memory_space<vmem>>, vector<4x16000xf32>
    %dot_general3A_19 = arith.constant dense<0.000000e+00> : vector<64x16000xf32>
    %dot_general3A_20 = tpu.matmul %concatenate3A, %get3A_18, %dot_general3A_19 {dimension_numbers = #tpu.dot_dimension_numbers<[0], [0], [1], [1], [0, 1, 1, 1], [], []>, transpose_lhs_hint = false} : vector<4x64xf32>, vector<4x16000xf32>, vector<64x16000xf32> -> vector<64x16000xf32>
    %add3A = vector.broadcast %reshape3A : vector<64x1xf32> to vector<64x16000xf32>
    %add3A_21 = arith.addf %dot_general3A_20, %add3A : vector<64x16000xf32>
    %max3A_22 = arith.constant 0.000000e+00 : f32
    %max3A_23 = vector.broadcast %max3A_22 : f32 to vector<64x16000xf32>
    %max3A_24 = arith.maximumf %add3A_21, %max3A_23 : vector<64x16000xf32>
    %dot_general3A_25 = arith.constant dense<0.000000e+00> : vector<64x16000xf32>
    %dot_general3A_26 = tpu.matmul %concatenate3A_13, %get3A_18, %dot_general3A_25 {dimension_numbers = #tpu.dot_dimension_numbers<[0], [0], [1], [1], [0, 1, 1, 1], [], []>, transpose_lhs_hint = false} : vector<4x64xf32>, vector<4x16000xf32>, vector<64x16000xf32> -> vector<64x16000xf32>
    %add3A_27 = vector.broadcast %reshape3A : vector<64x1xf32> to vector<64x16000xf32>
    %add3A_28 = arith.addf %dot_general3A_26, %add3A_27 : vector<64x16000xf32>
    %max3A_29 = arith.constant 0.000000e+00 : f32
    %max3A_30 = vector.broadcast %max3A_29 : f32 to vector<64x16000xf32>
    %max3A_31 = arith.maximumf %add3A_28, %max3A_30 : vector<64x16000xf32>
    %mul3A = arith.mulf %max3A_24, %max3A_31 : vector<64x16000xf32>
    %get3A_32 = arith.constant 0 : index
    %get3A_33 = arith.constant 0 : index
    %get3A_34 = vector.load %arg5[%get3A_32, %get3A_33] : memref<64x5xf32, #tpu.memory_space<vmem>>, vector<64x5xf32>
    %dot_general3A_35 = arith.constant dense<0.000000e+00> : vector<5x16000xf32>
    %dot_general3A_36 = tpu.matmul %get3A_34, %mul3A, %dot_general3A_35 {dimension_numbers = #tpu.dot_dimension_numbers<[0], [0], [1], [1], [0, 1, 1, 1], [], []>, transpose_lhs_hint = false} : vector<64x5xf32>, vector<64x16000xf32>, vector<5x16000xf32> -> vector<5x16000xf32>
    %get3A_37 = arith.constant 0 : index
    %get3A_38 = vector.load %arg6[%get3A_37] : memref<5xf32, #tpu.memory_space<vmem>>, vector<5xf32>
    %reshape3A_39 = vector.shape_cast %get3A_38 : vector<5xf32> to vector<5x1xf32>
    %add3A_40 = vector.broadcast %reshape3A_39 : vector<5x1xf32> to vector<5x16000xf32>
    %add3A_41 = arith.addf %dot_general3A_36, %add3A_40 : vector<5x16000xf32>
    %reduce_max3A = arith.constant dense<0xFF800000> : vector<16000xf32>
    %reduce_max3A_42 = vector.multi_reduction <maximumf>, %add3A_41, %reduce_max3A [0] : vector<5x16000xf32> to vector<16000xf32>
    %broadcast_in_dim3A_43 = vector.shape_cast %reduce_max3A_42 : vector<16000xf32> to vector<1x16000xf32>
    %sub3A = vector.broadcast %broadcast_in_dim3A_43 : vector<1x16000xf32> to vector<5x16000xf32>
    %sub3A_44 = arith.subf %add3A_41, %sub3A : vector<5x16000xf32>
    %exp3A = math.exp %sub3A_44 : vector<5x16000xf32>
    %reduce_sum3A = arith.constant dense<0.000000e+00> : vector<16000xf32>
    %reduce_sum3A_45 = vector.multi_reduction <add>, %exp3A, %reduce_sum3A [0] : vector<5x16000xf32> to vector<16000xf32>
    %broadcast_in_dim3A_46 = vector.shape_cast %reduce_sum3A_45 : vector<16000xf32> to vector<1x16000xf32>
    %div3A = vector.broadcast %broadcast_in_dim3A_46 : vector<1x16000xf32> to vector<5x16000xf32>
    %div3A_47 = arith.divf %exp3A, %div3A : vector<5x16000xf32>
    %swap3A = arith.constant 0 : index
    %swap3A_48 = arith.constant 0 : index
    %swap3A_49 = vector.load %arg7[%swap3A, %swap3A_48] : memref<5x16000xf32, #tpu.memory_space<vmem>>, vector<5x16000xf32>
    tpu.vector_store %arg7[%swap3A, %swap3A_48], %div3A_47 {strides = array<i32>} : memref<5x16000xf32, #tpu.memory_space<vmem>>, vector<5x16000xf32>,
    return
  }
  func.func @transform_0(%arg0: i32) -> (i32, i32) {
    %c0_i32 = arith.constant 0 : i32
    %c0_i32_0 = arith.constant 0 : i32
    return %c0_i32, %arg0 : i32, i32
  }
  func.func @transform_1(%arg0: i32) -> (i32, i32) {
    %c0_i32 = arith.constant 0 : i32
    %c0_i32_0 = arith.constant 0 : i32
    %c0_i32_1 = arith.constant 0 : i32
    return %c0_i32, %c0_i32_0 : i32, i32
  }
  func.func @transform_2(%arg0: i32) -> (i32, i32) {
    %c0_i32 = arith.constant 0 : i32
    %c0_i32_0 = arith.constant 0 : i32
    %c0_i32_1 = arith.constant 0 : i32
    return %c0_i32, %c0_i32_0 : i32, i32
  }
  func.func @transform_3(%arg0: i32) -> i32 {
    %c0_i32 = arith.constant 0 : i32
    %c0_i32_0 = arith.constant 0 : i32
    return %c0_i32 : i32
  }
  func.func @transform_4(%arg0: i32) -> (i32, i32) {
    %c0_i32 = arith.constant 0 : i32
    %c0_i32_0 = arith.constant 0 : i32
    %c0_i32_1 = arith.constant 0 : i32
    return %c0_i32, %c0_i32_0 : i32, i32
  }
  func.func @transform_5(%arg0: i32) -> i32 {
    %c0_i32 = arith.constant 0 : i32
    %c0_i32_0 = arith.constant 0 : i32
    return %c0_i32 : i32
  }
  func.func @transform_6(%arg0: i32) -> (i32, i32) {
    %c0_i32 = arith.constant 0 : i32
    %c0_i32_0 = arith.constant 0 : i32
    return %c0_i32, %arg0 : i32, i32
  }
}

</mosaic_0001>

<sc_bundles>
// kernel: kernel.10.cloned.1.call-start
scs
__scs_entry_jumppad:
0x0: {  	(pc) =	sbr.rel $0x88, $3  }
0x1: {  	(tag) =	ssettag $0x0;
	lr =	simm.s32 $0x1  }
0x2: {  	[smem:$0x3F9A] =	sst lr;
	_ =	strace $0xD0000000  }
0x3: {  	_ = 	snop  }
0x4: {  	_ = 	snop  }
0x5: {  	_ = 	snop  }
0x6: {  	_ = 	snop  }
0x7: {  	_ = 	snop  }
__scs_overlays_trampoline_lowered:
0x8: {  	[smem:$0x3FA9] =	sst s0  }
0x9: {  	[smem:$0x3FAA] =	sst s1  }
0xa: {  	[smem:$0x3FAB] =	sst s2  }
0xb: {  	[smem:$0x3FAC] =	sst s3  }
0xc: {  	[smem:$0x3FAD] =	sst s4  }
0xd: {  	[smem:$0x3FAE] =	sst s5  }
0xe: {  	[smem:$0x3FAF] =	sst s6  }
0xf: {  	[smem:$0x3FB0] =	sst s7  }
0x10: {  	[smem:$0x3FB1] =	sst s8  }
0x11: {  	[smem:$0x3FB2] =	sst s9;
	s0 =	simm.s32 @!p0 $0x0  }
0x12: {  	s1 =	sld [smem:$0x3F98];
	s0 =	simm.s32 @p0 $0x1  }
0x13: {  	[smem:$0x3FB3] =	sst s0;
	s0 =	simm.s32 @!p1 $0x0  }
0x14: {  	s2 =	sld [smem:$0x3F97];
	s0 =	simm.s32 @p1 $0x1  }
0x15: {  	[smem:$0x3FB4] =	sst s0;
	s0 =	simm.s32 @!p2 $0x0  }
0x16: {  	s3 =	sld [smem:$0x3FDB];
	s0 =	simm.s32 @p2 $0x1  }
0x17: {  	s4 =	simm.s32 $0x1BF5;
	[smem:$0x3FB6] =	sst s0  }
0x18: {  	s0 =	sld [smem:$0x3F99];
	_ =	swait.ge [sflag:s4], $0x0  }
0x19: {  	s7 =	sld [smem:$0x3F9A]  }
0x1a: {  	s8 =	sadd.s32 $0xFFFFE003, lr  }
0x1b: {  	s9 =	sadd.s32 $0xFFFFFEF7, lr;
	s5 =	simm.s32 $0xFFFFFFFF;
	p2 =	slt.u32 s8, $0xFFFFF086  }
0x1c: {  	p1 =	slt.u32 s9, $0xF7A;
	s5 =	simm.s32 @!p2 $0x0  }
0x1d: {  	s5 =	simm.s32 @p1 $0x1;
	p0 =	seq.s32 s7, s2  }
0x1e: {  	s7 =	smul.u32 @!p0 $0xF7A, s2;
	p2 =	seq.s32 @!p0 s5, $0x0  }
0x1f: {  	s9 =	smul.u32 $0xF7A, s1;
	s8 =	simm.s32 @!p0 $0x1BF5;
	p2 =	por !p2, p0  }
0x20: {  	[sflag:s8] =	ssyncset.s32 @!p0 $0xFFFFF086;
	s6 =	sadd.s32 @!p0 s3, s7;
	s7 =	simm.s32 @!p0 $0x108  }
0x21: {  	s3 =	sadd.s32 s3, s9;
	s6 =	sadd.s32 @!p0 $0x88, s6;
	s7 =	simm.s32 @p2 $0x1082  }
0x22: {  	[simem:s7], [sflag:s8] =	dma.local @!p0 [hbm:s6], $0xF7A  }
0x23: {  	s9 =	sor.u32 $0xD0000000, s2;
	s6 =	simm.s32 $0x108;
	_ =	swait.ge @!p0 [sflag:s8], $0x0  }
0x24: {  	s3 =	sadd.s32 $0x88, s3;
	s6 =	simm.s32 @!p1 $0x1082;
	[sflag:s4] =	ssyncset.s32 $0xFFFFF086  }
0x25: {  	[simem:s6], [sflag:s4] =	dma.local [hbm:s3], $0xF7A  }
0x26: {  	[smem:$0x3F9A] =	sst s1;
	(tag) =	ssettag s2;
	_ =	strace s9  }
0x27: {  	s1 =	sld [smem:$0x3FAA]  }
0x28: {  	s2 =	sld [smem:$0x3FAB]  }
0x29: {  	s4 =	sld [smem:$0x3FAD]  }
0x2a: {  	p0 =	seq.s32 s5, $0x0;
	s5 =	sld [smem:$0x3FAE]  }
0x2b: {  	s6 =	sld [smem:$0x3FAF]  }
0x2c: {  	s7 =	sld [smem:$0x3FB0]  }
0x2d: {  	s3 =	simm.s32 $0x108;
	s8 =	sld [smem:$0x3FB1]  }
0x2e: {  	s3 =	simm.s32 @!p0 $0x1082;
	s9 =	sld [smem:$0x3FB2]  }
0x2f: {  	lr =	sadd.s32 s0, s3;
	s0 =	sld [smem:$0x3FA9]  }
0x30: {  	s3 =	sld [smem:$0x3FAC]  }
0x31: {  	[smem:$0x3FB5] =	sst s10  }
0x32: {  	s10 =	sld [smem:$0x3FB3];
	_ =	sdelay $0x3  }
0x33: {  	p0 =	seq.s32 s10, $0x1;
	s10 =	sld [smem:$0x3FB5];
	_ =	sdelay $0x3  }
0x34: {  	[smem:$0x3FB5] =	sst s10  }
0x35: {  	s10 =	sld [smem:$0x3FB4];
	_ =	sdelay $0x3  }
0x36: {  	p1 =	seq.s32 s10, $0x1;
	s10 =	sld [smem:$0x3FB5];
	_ =	sdelay $0x3  }
0x37: {  	[smem:$0x3FB5] =	sst s10  }
0x38: {  	s10 =	sld [smem:$0x3FB6]  }
0x39: {  	_ = 	snop;
	(pc) =	sbr.ind lr, $3  }
0x3a: {  	_ = 	snop  }
0x3b: {  	_ = 	snop  }
0x3c: {  	p2 =	seq.s32 s10, $0x1;
	s10 =	sld [smem:$0x3FB5]  }
0x3d: {  	_ =	shalt  }
0x3e: {  	_ =	shalt  }
0x3f: {  	_ =	shalt  }
0x40: {  	_ =	shalt  }
0x41: {  	_ =	shalt  }
0x42: {  	_ =	shalt  }
0x43: {  	_ =	shalt  }
0x44: {  	_ =	shalt  }
0x45: {  	_ =	shalt  }
0x46: {  	_ =	shalt  }
0x47: {  	_ =	shalt  }
0x48: {  	_ =	shalt  }
0x49: {  	_ =	shalt  }
0x4a: {  	_ =	shalt  }
0x4b: {  	_ =	shalt  }
0x4c: {  	_ =	shalt  }
0x4d: {  	_ =	shalt  }
0x4e: {  	_ =	shalt  }
0x4f: {  	_ =	shalt  }
0x50: {  	_ =	shalt  }
0x51: {  	_ =	shalt  }
0x52: {  	_ =	shalt  }
0x53: {  	_ =	shalt  }
0x54: {  	_ =	shalt  }
0x55: {  	_ =	shalt  }
0x56: {  	_ =	shalt  }
0x57: {  	_ =	shalt  }
0x58: {  	_ =	shalt  }
0x59: {  	_ =	shalt  }
0x5a: {  	_ =	shalt  }
0x5b: {  	_ =	shalt  }
0x5c: {  	_ =	shalt  }
0x5d: {  	_ =	shalt  }
0x5e: {  	_ =	shalt  }
0x5f: {  	_ =	shalt  }
0x60: {  	_ =	shalt  }
0x61: {  	_ =	shalt  }
0x62: {  	_ =	shalt  }
0x63: {  	_ =	shalt  }
0x64: {  	_ =	shalt  }
0x65: {  	_ =	shalt  }
0x66: {  	_ =	shalt  }
0x67: {  	_ =	shalt  }
0x68: {  	_ =	shalt  }
0x69: {  	_ =	shalt  }
0x6a: {  	_ =	shalt  }
0x6b: {  	_ =	shalt  }
0x6c: {  	_ =	shalt  }
0x6d: {  	_ =	shalt  }
0x6e: {  	_ =	shalt  }
0x6f: {  	_ =	shalt  }
0x70: {  	_ =	shalt  }
0x71: {  	_ =	shalt  }
0x72: {  	_ =	shalt  }
0x73: {  	_ =	shalt  }
0x74: {  	_ =	shalt  }
0x75: {  	_ =	shalt  }
0x76: {  	_ =	shalt  }
0x77: {  	_ =	shalt  }
0x78: {  	_ =	shalt  }
0x79: {  	_ =	shalt  }
0x7a: {  	_ =	shalt  }
0x7b: {  	_ =	shalt  }
0x7c: {  	_ =	shalt  }
0x7d: {  	_ =	shalt  }
0x7e: {  	_ =	shalt  }
0x7f: {  	_ =	shalt  }
0x80: {  	_ =	shalt  }
0x81: {  	_ =	shalt  }
0x82: {  	_ =	shalt  }
0x83: {  	_ =	shalt  }
0x84: {  	_ =	shalt  }
0x85: {  	_ =	shalt  }
0x86: {  	_ =	shalt  }
0x87: {  	_ =	shalt  }
.Lfunc_end0:
.L_simem_size_0:
called_computation_lowered:
.L_overlay_start_0:
0x88: {  	s2 =	sld [smem:$0x3FD9]  }
0x89: {  	s3 =	sld [smem:$0x3FFE];
	_ =	sdelay $0x1  }
0x8a: {  	s1 =	srdreg.scid  }
0x8b: {  	s0 =	sand.u32 $0x1, s1  }
0x8c: {  	s17 =	sshll.u32 s0, $0xA;
	s2 =	sadd.s32 s3, s2  }
0x8d: {  	s2 =	sadd.s32 s2, s17  }
0x8e: {  	[smem:$0x3FC1] =	sst s2  }
0x8f: {  	_ = 	snop  }
0x90: {  	s2 =	sld [smem:$0x3FD0];
	(tm) =	ssettm $0x1  }
0x91: {  	s18 =	sld [smem:$0x3FFB];
	_ =	sdelay $0x3  }
0x92: {  	_ =	strace s18  }
0x93: {  	s3 =	sld [smem:$0x3FFC];
	_ =	sdelay $0x3  }
0x94: {  	_ =	strace s3  }
0x95: {  	s3 =	sld [smem:$0x3FFD];
	_ =	sdelay $0x3  }
0x96: {  	_ =	strace s3  }
0x97: {  	_ =	strace $0x8FFFFFFF  }
0x98: {  	s19 =	sld [smem:$0x3FDB];
	_ =	sdelay $0x1  }
0x99: {  	s4 =	simm.s32 $_scs_section_size  }
0x9a: {  	s5 =	simm.s32 $_size__tile_overlayer_lowered;
	s6 =	simm.s32 $_tile_overlayer_lowered  }
0x9b: {  	s22 =	simm.s32 $0x1BFF;
	s21 =	sshll.u32 s6, $0x1;
	s3 =	sadd.s32 s4, s19  }
0x9c: {  	s7 =	simm.s32 $0x0;
	s20 =	sshll.u32 s5, $0x1;
	s5 =	sadd.s32 s21, s3  }
0x9d: {  	[timem:s7], [sflag:s22] =	dma.local [hbm:s5], s20  }
0x9e: {  	_ =	swait.ge [sflag:s22], s20  }
0x9f: {  	s4 =	ssub.s32 $0x0, s20;
	[sflag:s22] =	ssyncset.done $0x0  }
0xa0: {  	[sflag:s22] =	ssyncadd.s32 s4;
	_ =	sdelay $0x1  }
0xa1: {  	s23 =	simm.s32 $0x1B8B  }
0xa2: {  	_ =	swait.ge [sflag:s23], $0x1  }
0xa3: {  	[sflag:s23] =	ssyncset.done $0x0  }
0xa4: {  	s25 =	simm.s32 $0x1B8E;
	s24 =	sld [smem:$0x3FFE];
	[sflag:s23] =	ssyncadd.s32 $0xFFFFFFFF  }
0xa5: {  	s26 =	simm.s32 $execute0_lowered;
	[smem:$0x3FD2] =	sst s25  }
0xa6: {  	s5 =	sshll.u32 s26, $0x1;
	_ =	strace $0x80000046;
	[dreg:$0x1] =	wrdreg $0xFFFFFFFF  }
0xa7: {  	s28 =	simm.s32 $_size_execute0_lowered;
	s3 =	sadd.s32 s3, s5;
	[dreg:$0x0] =	wrdreg $0x0  }
0xa8: {  	s5 =	sshll.u32 s28, $0x1;
	[dreg:$0x2] =	wrdreg s3  }
0xa9: {  	[dreg:$0x3] =	wrdreg s5  }
0xaa: {  	[dreg:$0x4] =	wrdreg $0xC0  }
0xab: {  	_ =	task [dreg:s7], $0x5FFFF  }
0xac: {  	[dreg:$0x1] =	wrdreg $0xFFFFFFFF  }
0xad: {  	[dreg:$0x0] =	wrdreg $0x60  }
0xae: {  	[dreg:$0x2] =	wrdreg s24  }
0xaf: {  	[dreg:$0x3] =	wrdreg s2  }
0xb0: {  	[dreg:$0x4] =	wrdreg $0x25800  }
0xb1: {  	[dreg:$0x5] =	wrdreg $0x9  }
0xb2: {  	_ =	task.clear_ibuf [dreg:s7], $0x6FFFF;
	_ =	strace $0x90000046  }
0xb3: {  	s29 =	simm.s32 $0x9;
	_ =	strace $0x80000048  }
0xb4: {  	_ =	swait.ge [sflag:s29], $0x1  }
0xb5: {  	[sflag:s29] =	ssyncadd.s32 $0xFFFFFFFF  }
0xb6: {  	_ =	strace $0x90000048  }
0xb7: {  	_ =	sfence  }
0xb8: {  	s30 =	sld [smem:$0x0];
	_ =	sdelay $0x2  }
0xb9: {  	s31 =	sshll.u32 s1, $0xD;
	s1 =	sshrl.u32 s1, $0x2  }
0xba: {  	s3 =	sand.u32 $0x4000, s31;
	s1 =	sadd.s32 s1, s30  }
0xbb: {  	s0 =	sor.u32 s3, s0;
	s1 =	sshll.u32 s1, $0x11  }
0xbc: {  	s0 =	sor.u32 s1, s0  }
0xbd: {  	s0 =	sadd.s32 $0x8F2B, s0  }
0xbe: {  	[sflag:s0] =	ssyncadd.remote.s32 $0x1  }
0xbf: {  	_ =	sfence.sel $0xFFFF  }
0xc0: {  	[dreg:$0x0] =	wrdreg $0xFFFFFFFF;
	(pc) =	sbr.abs _section_cstart, $3  }
0xc1: {  	[dreg:$0x1] =	wrdreg $0xFFFFFFFF  }
0xc2: {  	_ =	task.clear_ibuf [dreg:s7], $0x2FFFF;
	_ =	strace $0x9FFFFFFF  }
0xc3: {  	(tm) =	ssettm $0x7FFFFFFF  }
tec
execute0_lowered:
.L_overlay_start_1:
0x0: {  	(tag) =	ssettag $0x1  }
0x1: {  	s4 =	rddreg [dreg:$0x0]  }
0x2: {  	s7 =	rddreg [dreg:$0x1]  }
0x3: {  	s2 =	rddreg [dreg:$0x2]  }
0x4: {  	s0 =	rddreg [dreg:$0x3]  }
0x5: {  	s3 =	simm.s32 $0x0;
	s5 =	srdreg.scid;
	s1 =	stileid.u32  }
0x6: {  	[smem:$0x7FF] =	sst s3;
	s5 =	sand.u32 $0x1, s5;
	s6 =	smul.u32 $0xC80, s1  }
0x7: {  	s13 =	smul.u32 $0x7, s1;
	s4 =	sadd.s32 $0x3C00, s4;
	_ =	strace $0x80000047  }
0x8: {  	s8 =	sshll.u32 s5, $0x4;
	s9 =	smul.u32 $0xC800, s5;
	s10 =	ssub.s32 $0x2, s5  }
0x9: {  	s5 =	smul.u32 $0x70, s5;
	s8 =	sor.u32 s1, s8;
	s11 =	sshrl.u32 s10, $0x1  }
0xa: {  	s12 =	smin.u32 s8, $0x1A;
	s10 =	ssub.s32 s10, s11;
	p0 =	slt.u32 s8, $0x1A  }
0xb: {  	s30 =	sadd.s32 s6, s9;
	s6 =	sadd.s32 s6, s2;
	s5 =	sadd.s32 s5, s12  }
0xc: {  	s11 =	simm.s32 $0x1;
	s8 =	sshrl.u32 s30, $0x3;
	s31 =	sadd.s32 s13, s5  }
0xd: {  	s12 =	simm.s32 $0xC80;
	s5 =	simm.s32 $0x8;
	s9 =	smul.u32 $0xC80, s31  }
0xe: {  	s7 =	sadd.s32 s7, s8;
	s8 =	smax.u32 s10, $0x1;
	s10 =	simm.s32 $0x1900  }
0xf: {  	v0 =	vimm.f32 $0.0e+00;
	v1 =	vimm.f32 $1.000000000e+00;
	s13 =	simm.s32 $0x0;
	s5 =	simm.s32 @!p0 $0x7;
	s9 =	sadd.s32 $0xC3500, s9  }
.LBB2_1:
0x10: {  	s14 =	simm.s32 $0x40;
	s15 =	simm.s32 $0x0  }
.LBB2_2:
0x11: {  	p0 =	sne.s32 s14, $0x31C0;
	[tilespmem:s15+$0x1900] =	vst v0;
	s15 =	smov.u32 s14;
	s14 =	sadd.s32 $0x40, s14  }
.Ltmp0:
0x12: {  	(pc) =	sbr.rel @p0 .LBB2_2-.Ltmp0, $2  }
0x13: {  	_ =	sdelay $0x2  }
0x14: {  	s15 =	sshra.s32 s15, $0x2  }
0x15: {  	[tilespmem:s15+$0x1900] =	vst v0  }
0x16: {  	[spmem:s6] =	stream.linear.scatter [tilespmem:s10], [sflag:$0x1], $0xC80, $0x38;
	[tilespmem:$0x3200] =	vst v63  }
0x17: {  	_ =	swait.ge [sflag:s11], $0xC80  }
0x18: {  	[sflag:s11] =	ssyncset.done $0x0  }
0x19: {  	s14 =	simm.s32 $0x40;
	s15 =	simm.s32 $0x0;
	[sflag:s11] =	ssyncadd.s32 $0xFFFFF380  }
.LBB2_4:
0x1a: {  	p0 =	sne.s32 s14, $0x31C0;
	[tilespmem:s15+$0xC80] =	vst v1;
	s15 =	smov.u32 s14;
	s14 =	sadd.s32 $0x40, s14  }
.Ltmp1:
0x1b: {  	(pc) =	sbr.rel @p0 .LBB2_4-.Ltmp1, $2  }
0x1c: {  	_ =	sdelay $0x2  }
0x1d: {  	s15 =	sshra.s32 s15, $0x2  }
0x1e: {  	p1 =	sne.s32 s5, $0x1  }
.Ltmp2:
0x1f: {  	_ = 	snop;
	(pc) =	sbr.rel @!p1 .LBB2_8-.Ltmp2, $4  }
0x20: {  	_ = 	snop  }
0x21: {  	[tilespmem:s15+$0xC80] =	vst v1  }
0x22: {  	[bflag:$0x0] =	sbarrier.arrive $0xFFFF  }
0x23: {  	s14 =	sadd.s32 $0xFFFFFFFF, s5;
	s16 =	sshrl.u32 s9, $0x3;
	p0 =	por $0x0, $0x0  }
0x24: {  	s15 =	sadd.s32 s4, s16  }
0x25: {  	[tilespmem:s3], [sflag:$0x1] =	stream.linear.gather [hbm4b:s15+s3], $0xC80, $0x38;
	[tilespmem:$0x3200] =	vst v63  }
0x26: {  	p1 =	sne.s32 s14, $0x1;
	_ =	swait.ge [sflag:s11], $0xC80  }
.Ltmp3:
0x27: {  	[sflag:s11] =	ssyncset.done $0x0;
	(pc) =	sbr.rel @!p1 .LBB2_8-.Ltmp3, $4  }
0x28: {  	[sflag:s11] =	ssyncadd.s32 $0xFFFFF380  }
0x29: {  	[spmem:s2] =	stream.indirect.scatter.add.f32 [tilespmem:s12], [sflag:$0x1], $0x1, s3, s12, $0xb8;
	[tilespmem:$0x3200] =	vst v63  }
0x2a: {  	s14 =	sadd.s32 $0xFFFFFFFF, s14;
	s15 =	sadd.s32 $0xC80, s9;
	_ =	swait.ge [sflag:s11], $0xC80  }
0x2b: {  	p0 =	por $0x1, $0x1;
	s16 =	sshrl.u32 s15, $0x3;
	[sflag:s11] =	ssyncset.done $0x0  }
.LBB2_7:
0x2c: {  	p1 =	sne.s32 s14, $0x1;
	s16 =	sadd.s32 s4, s16;
	[sflag:s11] =	ssyncadd.s32 $0xFFFFF380  }
0x2d: {  	[tilespmem:s3], [sflag:$0x1] =	stream.linear.gather [hbm4b:s16+s3], $0xC80, $0x38;
	[tilespmem:$0x3200] =	vst v63  }
0x2e: {  	s14 =	sadd.s32 $0xFFFFFFFF, s14;
	_ =	swait.ge [sflag:s11], $0xC80  }
.Ltmp4:
0x2f: {  	[sflag:s11] =	ssyncset.done $0x0;
	(pc) =	sbr.rel @p1 .LBB2_7-.Ltmp4, $4  }
0x30: {  	[sflag:s11] =	ssyncadd.s32 $0xFFFFF380  }
0x31: {  	[spmem:s2] =	stream.indirect.scatter.add.f32 [tilespmem:s12], [sflag:$0x1], $0x1, s3, s12, $0xb8;
	[tilespmem:$0x3200] =	vst v63  }
0x32: {  	s15 =	sadd.s32 $0xC80, s15;
	_ =	swait.ge [sflag:s11], $0xC80  }
0x33: {  	s16 =	sshrl.u32 s15, $0x3;
	[sflag:s11] =	ssyncset.done $0x0  }
.LBB2_8:
0x34: {  	s14 =	sadd.s32 s4, s16;
	[sflag:s11] =	ssyncadd.s32 @p0 $0xFFFFF380  }
0x35: {  	[tilespmem:s3], [sflag:$0x1] =	stream.linear.gather [hbm4b:s14+s3], $0xC80, $0x38;
	[tilespmem:$0x3200] =	vst v63  }
0x36: {  	_ =	swait.ge [sflag:s11], $0xC80  }
0x37: {  	[sflag:s11] =	ssyncset.done $0x0  }
0x38: {  	[sflag:s11] =	ssyncadd.s32 $0xFFFFF380  }
0x39: {  	[spmem:s2] =	stream.indirect.scatter.add.f32 [tilespmem:s12], [sflag:$0x1], $0x1, s3, s12, $0xb8;
	[tilespmem:$0x3200] =	vst v63  }
0x3a: {  	_ =	swait.ge [sflag:s11], $0xC80  }
0x3b: {  	[sflag:s11] =	ssyncset.done $0x0  }
0x3c: {  	[sflag:s11] =	ssyncadd.s32 $0xFFFFF380  }
0x3d: {  	[bflag:$0x0] =	sbarrier.arrive $0xFFFF  }
0x3e: {  	[tilespmem:s10], [sflag:$0x1] =	stream.linear.gather [spmem:s6], $0xC80, $0x38;
	[tilespmem:$0x3200] =	vst v63  }
0x3f: {  	s13 =	sadd.s32 $0x1, s13;
	_ =	swait.ge [sflag:s11], $0xC80  }
0x40: {  	p0 =	sne.s32 s13, s8;
	[sflag:s11] =	ssyncset.done $0x0  }
.Ltmp5:
0x41: {  	[sflag:s11] =	ssyncadd.s32 $0xFFFFF380;
	(pc) =	sbr.rel @p0 .LBB2_1-.Ltmp5, $4  }
0x42: {  	[hbm4b:s7+s3] =	stream.linear.scatter [tilespmem:s10], [sflag:$0x1], $0xC80, $0x38;
	[tilespmem:$0x3200] =	vst v63  }
0x43: {  	_ =	swait.ge [sflag:s11], $0xC80  }
0x44: {  	[sflag:s11] =	ssyncset.done $0x0  }
0x45: {  	[sflag:s11] =	ssyncadd.s32 $0xFFFFF380  }
0x46: {  	_ =	sfence.sel $0x180000  }
0x47: {  	[bflag:$0x0] =	sbarrier.arrive $0xFFFF  }
0x48: {  	p0 =	sne.s32 s1, $0x0;
	_ =	strace $0x90000047  }
0x49: {  	s0 =	sadd.s32 @!p0 $0x100000, s0;
	[bflag:$0x2] =	sbarrier.arrive $0xFFFF  }
0x4a: {  	[sflag:s0] =	ssyncadd.tile.s32 @!p0 $0x1;
	_ =	shalt  }
.Lfunc_end2:
_tile_overlayer_lowered:
.L_overlay_start_2:
0x4b: {  	(tag) =	ssettag $0x2  }
0x4c: {  	s0 =	rddreg [dreg:$0x0];
	s2 =	stileid.u32  }
0x4d: {  	s1 =	rddreg [dreg:$0x1];
	p0 =	sne.s32 s2, $0x0  }
0x4e: {  	s3 =	rddreg [dreg:$0x2];
	[bflag:$0x3] =	sbarrier.arrive $0xFFFF;
	s2 =	simm.s32 @!p0 $0x1C01  }
0x4f: {  	[timem:s3], [sflag:s2] =	dma.local @!p0 [hbm:s0], s1  }
0x50: {  	s0 =	simm.s32 @!p0 $0x1  }
0x51: {  	_ =	swait.ge @!p0 [sflag:s0], s1  }
0x52: {  	s1 =	ssub.s32 @!p0 $0x0, s1;
	[sflag:s0] =	ssyncset.done @!p0 $0x0  }
0x53: {  	[sflag:s0] =	ssyncadd.s32 @!p0 s1  }
0x54: {  	[bflag:$0x3] =	sbarrier.arrive $0xFFFF  }
0x55: {  	_ =	shalt  }

// kernel: kernel.13.cloned.1.call-start
scs
__scs_entry_jumppad:
0x0: {  	(pc) =	sbr.rel $0x88, $3  }
0x1: {  	(tag) =	ssettag $0x0;
	lr =	simm.s32 $0x1  }
0x2: {  	[smem:$0x3F9A] =	sst lr;
	_ =	strace $0xD0000000  }
0x3: {  	_ = 	snop  }
0x4: {  	_ = 	snop  }
0x5: {  	_ = 	snop  }
0x6: {  	_ = 	snop  }
0x7: {  	_ = 	snop  }
__scs_overlays_trampoline_lowered:
0x8: {  	[smem:$0x3FA9] =	sst s0  }
0x9: {  	[smem:$0x3FAA] =	sst s1  }
0xa: {  	[smem:$0x3FAB] =	sst s2  }
0xb: {  	[smem:$0x3FAC] =	sst s3  }
0xc: {  	[smem:$0x3FAD] =	sst s4  }
0xd: {  	[smem:$0x3FAE] =	sst s5  }
0xe: {  	[smem:$0x3FAF] =	sst s6  }
0xf: {  	[smem:$0x3FB0] =	sst s7  }
0x10: {  	[smem:$0x3FB1] =	sst s8  }
0x11: {  	[smem:$0x3FB2] =	sst s9;
	s0 =	simm.s32 @!p0 $0x0  }
0x12: {  	s1 =	sld [smem:$0x3F98];
	s0 =	simm.s32 @p0 $0x1  }
0x13: {  	[smem:$0x3FB3] =	sst s0;
	s0 =	simm.s32 @!p1 $0x0  }
0x14: {  	s2 =	sld [smem:$0x3F97];
	s0 =	simm.s32 @p1 $0x1  }
0x15: {  	[smem:$0x3FB4] =	sst s0;
	s0 =	simm.s32 @!p2 $0x0  }
0x16: {  	s3 =	sld [smem:$0x3FDB];
	s0 =	simm.s32 @p2 $0x1  }
0x17: {  	s4 =	simm.s32 $0x1BF5;
	[smem:$0x3FB6] =	sst s0  }
0x18: {  	s0 =	sld [smem:$0x3F99];
	_ =	swait.ge [sflag:s4], $0x0  }
0x19: {  	s7 =	sld [smem:$0x3F9A]  }
0x1a: {  	s8 =	sadd.s32 $0xFFFFE003, lr  }
0x1b: {  	s9 =	sadd.s32 $0xFFFFFEF7, lr;
	s5 =	simm.s32 $0xFFFFFFFF;
	p2 =	slt.u32 s8, $0xFFFFF086  }
0x1c: {  	p1 =	slt.u32 s9, $0xF7A;
	s5 =	simm.s32 @!p2 $0x0  }
0x1d: {  	s5 =	simm.s32 @p1 $0x1;
	p0 =	seq.s32 s7, s2  }
0x1e: {  	s7 =	smul.u32 @!p0 $0xF7A, s2;
	p2 =	seq.s32 @!p0 s5, $0x0  }
0x1f: {  	s9 =	smul.u32 $0xF7A, s1;
	s8 =	simm.s32 @!p0 $0x1BF5;
	p2 =	por !p2, p0  }
0x20: {  	[sflag:s8] =	ssyncset.s32 @!p0 $0xFFFFF086;
	s6 =	sadd.s32 @!p0 s3, s7;
	s7 =	simm.s32 @!p0 $0x108  }
0x21: {  	s3 =	sadd.s32 s3, s9;
	s6 =	sadd.s32 @!p0 $0x88, s6;
	s7 =	simm.s32 @p2 $0x1082  }
0x22: {  	[simem:s7], [sflag:s8] =	dma.local @!p0 [hbm:s6], $0xF7A  }
0x23: {  	s9 =	sor.u32 $0xD0000000, s2;
	s6 =	simm.s32 $0x108;
	_ =	swait.ge @!p0 [sflag:s8], $0x0  }
0x24: {  	s3 =	sadd.s32 $0x88, s3;
	s6 =	simm.s32 @!p1 $0x1082;
	[sflag:s4] =	ssyncset.s32 $0xFFFFF086  }
0x25: {  	[simem:s6], [sflag:s4] =	dma.local [hbm:s3], $0xF7A  }
0x26: {  	[smem:$0x3F9A] =	sst s1;
	(tag) =	ssettag s2;
	_ =	strace s9  }
0x27: {  	s1 =	sld [smem:$0x3FAA]  }
0x28: {  	s2 =	sld [smem:$0x3FAB]  }
0x29: {  	s4 =	sld [smem:$0x3FAD]  }
0x2a: {  	p0 =	seq.s32 s5, $0x0;
	s5 =	sld [smem:$0x3FAE]  }
0x2b: {  	s6 =	sld [smem:$0x3FAF]  }
0x2c: {  	s7 =	sld [smem:$0x3FB0]  }
0x2d: {  	s3 =	simm.s32 $0x108;
	s8 =	sld [smem:$0x3FB1]  }
0x2e: {  	s3 =	simm.s32 @!p0 $0x1082;
	s9 =	sld [smem:$0x3FB2]  }
0x2f: {  	lr =	sadd.s32 s0, s3;
	s0 =	sld [smem:$0x3FA9]  }
0x30: {  	s3 =	sld [smem:$0x3FAC]  }
0x31: {  	[smem:$0x3FB5] =	sst s10  }
0x32: {  	s10 =	sld [smem:$0x3FB3];
	_ =	sdelay $0x3  }
0x33: {  	p0 =	seq.s32 s10, $0x1;
	s10 =	sld [smem:$0x3FB5];
	_ =	sdelay $0x3  }
0x34: {  	[smem:$0x3FB5] =	sst s10  }
0x35: {  	s10 =	sld [smem:$0x3FB4];
	_ =	sdelay $0x3  }
0x36: {  	p1 =	seq.s32 s10, $0x1;
	s10 =	sld [smem:$0x3FB5];
	_ =	sdelay $0x3  }
0x37: {  	[smem:$0x3FB5] =	sst s10  }
0x38: {  	s10 =	sld [smem:$0x3FB6]  }
0x39: {  	_ = 	snop;
	(pc) =	sbr.ind lr, $3  }
0x3a: {  	_ = 	snop  }
0x3b: {  	_ = 	snop  }
0x3c: {  	p2 =	seq.s32 s10, $0x1;
	s10 =	sld [smem:$0x3FB5]  }
0x3d: {  	_ =	shalt  }
0x3e: {  	_ =	shalt  }
0x3f: {  	_ =	shalt  }
0x40: {  	_ =	shalt  }
0x41: {  	_ =	shalt  }
0x42: {  	_ =	shalt  }
0x43: {  	_ =	shalt  }
0x44: {  	_ =	shalt  }
0x45: {  	_ =	shalt  }
0x46: {  	_ =	shalt  }
0x47: {  	_ =	shalt  }
0x48: {  	_ =	shalt  }
0x49: {  	_ =	shalt  }
0x4a: {  	_ =	shalt  }
0x4b: {  	_ =	shalt  }
0x4c: {  	_ =	shalt  }
0x4d: {  	_ =	shalt  }
0x4e: {  	_ =	shalt  }
0x4f: {  	_ =	shalt  }
0x50: {  	_ =	shalt  }
0x51: {  	_ =	shalt  }
0x52: {  	_ =	shalt  }
0x53: {  	_ =	shalt  }
0x54: {  	_ =	shalt  }
0x55: {  	_ =	shalt  }
0x56: {  	_ =	shalt  }
0x57: {  	_ =	shalt  }
0x58: {  	_ =	shalt  }
0x59: {  	_ =	shalt  }
0x5a: {  	_ =	shalt  }
0x5b: {  	_ =	shalt  }
0x5c: {  	_ =	shalt  }
0x5d: {  	_ =	shalt  }
0x5e: {  	_ =	shalt  }
0x5f: {  	_ =	shalt  }
0x60: {  	_ =	shalt  }
0x61: {  	_ =	shalt  }
0x62: {  	_ =	shalt  }
0x63: {  	_ =	shalt  }
0x64: {  	_ =	shalt  }
0x65: {  	_ =	shalt  }
0x66: {  	_ =	shalt  }
0x67: {  	_ =	shalt  }
0x68: {  	_ =	shalt  }
0x69: {  	_ =	shalt  }
0x6a: {  	_ =	shalt  }
0x6b: {  	_ =	shalt  }
0x6c: {  	_ =	shalt  }
0x6d: {  	_ =	shalt  }
0x6e: {  	_ =	shalt  }
0x6f: {  	_ =	shalt  }
0x70: {  	_ =	shalt  }
0x71: {  	_ =	shalt  }
0x72: {  	_ =	shalt  }
0x73: {  	_ =	shalt  }
0x74: {  	_ =	shalt  }
0x75: {  	_ =	shalt  }
0x76: {  	_ =	shalt  }
0x77: {  	_ =	shalt  }
0x78: {  	_ =	shalt  }
0x79: {  	_ =	shalt  }
0x7a: {  	_ =	shalt  }
0x7b: {  	_ =	shalt  }
0x7c: {  	_ =	shalt  }
0x7d: {  	_ =	shalt  }
0x7e: {  	_ =	shalt  }
0x7f: {  	_ =	shalt  }
0x80: {  	_ =	shalt  }
0x81: {  	_ =	shalt  }
0x82: {  	_ =	shalt  }
0x83: {  	_ =	shalt  }
0x84: {  	_ =	shalt  }
0x85: {  	_ =	shalt  }
0x86: {  	_ =	shalt  }
0x87: {  	_ =	shalt  }
.Lfunc_end0:
.L_simem_size_0:
called_computation.1_lowered:
.L_overlay_start_0:
0x88: {  	s2 =	sld [smem:$0x3FD9]  }
0x89: {  	s3 =	sld [smem:$0x3FFE];
	_ =	sdelay $0x1  }
0x8a: {  	s1 =	srdreg.scid  }
0x8b: {  	s0 =	sand.u32 $0x1, s1  }
0x8c: {  	s17 =	sshll.u32 s0, $0xA;
	s2 =	sadd.s32 s3, s2  }
0x8d: {  	s2 =	sadd.s32 s2, s17  }
0x8e: {  	[smem:$0x3FC1] =	sst s2  }
0x8f: {  	_ = 	snop  }
0x90: {  	s2 =	sld [smem:$0x3FD0];
	(tm) =	ssettm $0x1  }
0x91: {  	s18 =	sld [smem:$0x3FFB];
	_ =	sdelay $0x3  }
0x92: {  	_ =	strace s18  }
0x93: {  	s3 =	sld [smem:$0x3FFC];
	_ =	sdelay $0x3  }
0x94: {  	_ =	strace s3  }
0x95: {  	s3 =	sld [smem:$0x3FFD];
	_ =	sdelay $0x3  }
0x96: {  	_ =	strace s3  }
0x97: {  	_ =	strace $0x8FFFFFFF  }
0x98: {  	s19 =	sld [smem:$0x3FDB];
	_ =	sdelay $0x1  }
0x99: {  	s4 =	simm.s32 $_scs_section_size  }
0x9a: {  	s5 =	simm.s32 $_size__tile_overlayer_lowered;
	s6 =	simm.s32 $_tile_overlayer_lowered  }
0x9b: {  	s22 =	simm.s32 $0x1BFF;
	s21 =	sshll.u32 s6, $0x1;
	s3 =	sadd.s32 s4, s19  }
0x9c: {  	s7 =	simm.s32 $0x0;
	s20 =	sshll.u32 s5, $0x1;
	s5 =	sadd.s32 s21, s3  }
0x9d: {  	[timem:s7], [sflag:s22] =	dma.local [hbm:s5], s20  }
0x9e: {  	_ =	swait.ge [sflag:s22], s20  }
0x9f: {  	s4 =	ssub.s32 $0x0, s20;
	[sflag:s22] =	ssyncset.done $0x0  }
0xa0: {  	[sflag:s22] =	ssyncadd.s32 s4;
	_ =	sdelay $0x1  }
0xa1: {  	s23 =	simm.s32 $0x1B8B  }
0xa2: {  	_ =	swait.ge [sflag:s23], $0x1  }
0xa3: {  	[sflag:s23] =	ssyncset.done $0x0  }
0xa4: {  	s25 =	simm.s32 $0x1B8E;
	s24 =	sld [smem:$0x3FFE];
	[sflag:s23] =	ssyncadd.s32 $0xFFFFFFFF  }
0xa5: {  	s26 =	simm.s32 $execute0_lowered;
	[smem:$0x3FD2] =	sst s25  }
0xa6: {  	s5 =	sshll.u32 s26, $0x1;
	_ =	strace $0x80000049;
	[dreg:$0x1] =	wrdreg $0xFFFFFFFF  }
0xa7: {  	s28 =	simm.s32 $_size_execute0_lowered;
	s3 =	sadd.s32 s3, s5;
	[dreg:$0x0] =	wrdreg $0x0  }
0xa8: {  	s5 =	sshll.u32 s28, $0x1;
	[dreg:$0x2] =	wrdreg s3  }
0xa9: {  	[dreg:$0x3] =	wrdreg s5  }
0xaa: {  	[dreg:$0x4] =	wrdreg $0xC0  }
0xab: {  	_ =	task [dreg:s7], $0x5FFFF  }
0xac: {  	[dreg:$0x1] =	wrdreg $0xFFFFFFFF  }
0xad: {  	[dreg:$0x0] =	wrdreg $0x60  }
0xae: {  	[dreg:$0x2] =	wrdreg s24  }
0xaf: {  	[dreg:$0x3] =	wrdreg s2  }
0xb0: {  	[dreg:$0x4] =	wrdreg $0x1CE800  }
0xb1: {  	[dreg:$0x5] =	wrdreg $0x9  }
0xb2: {  	_ =	task.clear_ibuf [dreg:s7], $0x6FFFF;
	_ =	strace $0x90000049  }
0xb3: {  	s29 =	simm.s32 $0x9;
	_ =	strace $0x8000004B  }
0xb4: {  	_ =	swait.ge [sflag:s29], $0x1  }
0xb5: {  	[sflag:s29] =	ssyncadd.s32 $0xFFFFFFFF  }
0xb6: {  	_ =	strace $0x9000004B  }
0xb7: {  	_ =	sfence  }
0xb8: {  	s30 =	sld [smem:$0x0];
	_ =	sdelay $0x2  }
0xb9: {  	s31 =	sshll.u32 s1, $0xD;
	s1 =	sshrl.u32 s1, $0x2  }
0xba: {  	s3 =	sand.u32 $0x4000, s31;
	s1 =	sadd.s32 s1, s30  }
0xbb: {  	s0 =	sor.u32 s3, s0;
	s1 =	sshll.u32 s1, $0x11  }
0xbc: {  	s0 =	sor.u32 s1, s0  }
0xbd: {  	s0 =	sadd.s32 $0x8F2B, s0  }
0xbe: {  	[sflag:s0] =	ssyncadd.remote.s32 $0x1  }
0xbf: {  	_ =	sfence.sel $0xFFFF  }
0xc0: {  	[dreg:$0x0] =	wrdreg $0xFFFFFFFF;
	(pc) =	sbr.abs _section_cstart, $3  }
0xc1: {  	[dreg:$0x1] =	wrdreg $0xFFFFFFFF  }
0xc2: {  	_ =	task.clear_ibuf [dreg:s7], $0x2FFFF;
	_ =	strace $0x9FFFFFFF  }
0xc3: {  	(tm) =	ssettm $0x7FFFFFFF  }
tec
execute0_lowered:
.L_overlay_start_1:
0x0: {  	(tag) =	ssettag $0x1  }
0x1: {  	s8 =	rddreg [dreg:$0x0]  }
0x2: {  	s2 =	rddreg [dreg:$0x1]  }
0x3: {  	s3 =	rddreg [dreg:$0x2]  }
0x4: {  	s0 =	rddreg [dreg:$0x3];
	s5 =	srdreg.scid  }
0x5: {  	s1 =	stileid.u32;
	s4 =	simm.s32 $0x0;
	s15 =	simm.s32 $0x3200  }
0x6: {  	s16 =	simm.s32 $0xFA00;
	s17 =	simm.s32 $0x1;
	s18 =	simm.s32 $0xC80  }
0x7: {  	s19 =	simm.s32 $0x2580;
	s20 =	simm.s32 $0x1900;
	s21 =	simm.s32 $0x0  }
0x8: {  	s9 =	sand.u32 $0x1, s5;
	s10 =	smul.u32 $0xC80, s1;
	[smem:$0x7FF] =	sst s4  }
0x9: {  	s5 =	sadd.s32 $0x3C00, s8;
	s6 =	sadd.s32 $0x34A00, s8;
	s7 =	sadd.s32 $0x36400, s8  }
0xa: {  	s11 =	smul.u32 $0xC800, s9;
	s12 =	sshll.u32 s9, $0x4;
	s9 =	ssub.s32 $0x2, s9  }
0xb: {  	_ =	strace $0x8000004A;
	s12 =	sor.u32 s1, s12;
	s30 =	sshrl.u32 s9, $0x1  }
0xc: {  	s11 =	sadd.s32 s10, s11;
	s13 =	smul.u32 $0x7, s12;
	s14 =	ssub.s32 s9, s30  }
0xd: {  	s31 =	smin.u32 s12, $0x1A;
	p0 =	slt.u32 s12, $0x1A;
	s11 =	sshrl.u32 s11, $0x3  }
0xe: {  	s12 =	smax.u32 s14, $0x1;
	s14 =	simm.s32 $0x2;
	s11 =	sadd.s32 s11, s8  }
0xf: {  	s8 =	sadd.s32 s10, s3;
	s9 =	sadd.s32 s31, s13;
	s10 =	simm.s32 $0x8  }
0x10: {  	v0 =	vimm.f32 $0.0e+00;
	s13 =	simm.s32 $0x1C200;
	s10 =	simm.s32 @!p0 $0x7;
	s11 =	sadd.s32 $0x37E00, s11  }
.LBB2_1:
0x11: {  	s22 =	simm.s32 $0x40;
	s23 =	simm.s32 $0x0  }
.LBB2_2:
0x12: {  	p0 =	sne.s32 s22, $0x31C0;
	[tilespmem:s23+$0x1C200] =	vst v0;
	s23 =	smov.u32 s22;
	s22 =	sadd.s32 $0x40, s22  }
.Ltmp0:
0x13: {  	(pc) =	sbr.rel @p0 .LBB2_2-.Ltmp0, $2  }
0x14: {  	_ =	sdelay $0x2  }
0x15: {  	s23 =	sshra.s32 s23, $0x2  }
0x16: {  	[tilespmem:s23+$0x1C200] =	vst v0  }
0x17: {  	[spmem:s8] =	stream.linear.scatter [tilespmem:s13], [sflag:$0x2], $0xC80, $0x38;
	[tilespmem:$0x1DB00] =	vst v63  }
0x18: {  	_ =	swait.ge [sflag:s14], $0xC80  }
0x19: {  	[sflag:s14] =	ssyncset.done $0x0  }
0x1a: {  	s22 =	simm.s32 $0x0;
	[sflag:s14] =	ssyncadd.s32 $0xFFFFF380  }
0x1b: {  	[tilespmem:s15], [sflag:$0x1] =	stream.linear.gather [hbm4b:s6+s22], $0xC800, $0x38;
	[tilespmem:$0x1DB00] =	vst v63  }
0x1c: {  	_ = 	snop  }
0x1d: {  	[tilespmem:s16], [sflag:$0x1] =	stream.linear.gather [hbm4b:s7+s22], $0xC800, $0x38;
	[tilespmem:$0x1DB00] =	vst v63  }
0x1e: {  	_ =	swait.ge [sflag:s17], $0xC800  }
0x1f: {  	[sflag:s17] =	ssyncset.done $0x0  }
0x20: {  	[sflag:s17] =	ssyncadd.s32 $0xFFFF3800  }
0x21: {  	_ =	swait.ge [sflag:s17], $0xC800  }
0x22: {  	[sflag:s17] =	ssyncset.done $0x0  }
0x23: {  	[sflag:s17] =	ssyncadd.s32 $0xFFFF3800  }
0x24: {  	[bflag:$0x0] =	sbarrier.arrive $0xFFFF  }
.LBB2_4:
0x25: {  	s23 =	sadd.s32 s22, s9  }
0x26: {  	s23 =	smul.u32 $0xC80, s23;
	_ =	sdelay $0x1  }
0x27: {  	s23 =	sshrl.u32 s23, $0x3  }
0x28: {  	s24 =	sadd.s32 s5, s23  }
0x29: {  	[tilespmem:s4], [sflag:$0x1] =	stream.linear.gather [hbm4b:s24+s4], $0xC80, $0x38;
	[tilespmem:$0x1DB00] =	vst v63  }
0x2a: {  	s24 =	sadd.s32 $0x186A0, s24  }
0x2b: {  	[tilespmem:s18], [sflag:$0x1] =	stream.linear.gather [hbm4b:s24+s4], $0xC80, $0x38;
	[tilespmem:$0x1DB00] =	vst v63  }
0x2c: {  	_ =	swait.ge [sflag:s17], $0xC80  }
0x2d: {  	[sflag:s17] =	ssyncset.done $0x0  }
0x2e: {  	[sflag:s17] =	ssyncadd.s32 $0xFFFFF380  }
0x2f: {  	_ =	swait.ge [sflag:s17], $0xC80  }
0x30: {  	[sflag:s17] =	ssyncset.done $0x0  }
0x31: {  	s25 =	simm.s32 $0x40;
	[sflag:s17] =	ssyncadd.s32 $0xFFFFF380  }
0x32: {  	s24 =	simm.s32 $0xCC0;
	v1 =	vld [tilespmem:s25+$0x30]  }
0x33: {  	v2 =	vld [tilespmem:s24+$0x30]  }
0x34: {  	v3 =	vld [tilespmem:s24+$0xFFFFFFC0]  }
0x35: {  	v4 =	vld [tilespmem:s25+$0xFFFFFFD0]  }
0x36: {  	v5 =	vld [tilespmem:s24+$0xFFFFFFD0]  }
0x37: {  	v6 =	vld [tilespmem:s25+$0xFFFFFFE0]  }
0x38: {  	v7 =	vld [tilespmem:s24+$0xFFFFFFE0]  }
0x39: {  	v8 =	vld [tilespmem:s25+$0xFFFFFFF0]  }
0x3a: {  	v10 =	vld [tilespmem:s24+$0xFFFFFFF0]  }
0x3b: {  	v11 =	vld [tilespmem:s25+$0x0]  }
0x3c: {  	v12 =	vld [tilespmem:s24+$0x0]  }
0x3d: {  	v13 =	vld [tilespmem:s25+$0x10]  }
0x3e: {  	v14 =	vld [tilespmem:s24+$0x10]  }
0x3f: {  	v15 =	vld [tilespmem:s25+$0x20]  }
0x40: {  	v16 =	vld [tilespmem:s24+$0x20]  }
0x41: {  	v17 =	vld [tilespmem:s25+$0xFFFFFFC0]  }
0x42: {  	v9 =	vld.idx.msk [tilespmem:v1+s15+$0x0], $0xffff  }
0x43: {  	v2 =	vld.idx.msk [tilespmem:v2+s15+$0x0], $0xffff  }
0x44: {  	v1 =	vld.idx.msk [tilespmem:v1+s16+$0x0], $0xffff  }
0x45: {  	v3 =	vld.idx.msk [tilespmem:v3+s15+$0x0], $0xffff  }
0x46: {  	v18 =	vld.idx.msk [tilespmem:v4+s15+$0x0], $0xffff  }
0x47: {  	v5 =	vld.idx.msk [tilespmem:v5+s15+$0x0], $0xffff  }
0x48: {  	v4 =	vld.idx.msk [tilespmem:v4+s16+$0x0], $0xffff  }
0x49: {  	v19 =	vld.idx.msk [tilespmem:v6+s15+$0x0], $0xffff  }
0x4a: {  	v7 =	vld.idx.msk [tilespmem:v7+s15+$0x0], $0xffff  }
0x4b: {  	v6 =	vld.idx.msk [tilespmem:v6+s16+$0x0], $0xffff  }
0x4c: {  	v20 =	vld.idx.msk [tilespmem:v17+s15+$0x0], $0xffff  }
0x4d: {  	v17 =	vld.idx.msk [tilespmem:v17+s16+$0x0], $0xffff  }
0x4e: {  	v21 =	vld.idx.msk [tilespmem:v8+s15+$0x0], $0xffff;
	v9 =	vmul.f32 v2, v9  }
0x4f: {  	s25 =	simm.s32 $0x1940;
	v10 =	vld.idx.msk [tilespmem:v10+s15+$0x0], $0xffff;
	v1 =	vmul.f32 v1, v2;
	v2 =	vmul.f32 v5, v18  }
0x50: {  	v8 =	vld.idx.msk [tilespmem:v8+s16+$0x0], $0xffff;
	[tilespmem:s25+$0x30] =	vst v9  }
0x51: {  	s26 =	simm.s32 $0x25C0;
	v12 =	vld.idx.msk [tilespmem:v12+s15+$0x0], $0xffff;
	[tilespmem:s25+$0xFFFFFFD0] =	vst v2;
	v2 =	vmul.f32 v7, v19  }
0x52: {  	v9 =	vld.idx.msk [tilespmem:v11+s15+$0x0], $0xffff;
	[tilespmem:s26+$0x30] =	vst v1;
	v1 =	vmul.f32 v4, v5  }
0x53: {  	v4 =	vmul.f32 v6, v7;
	v6 =	vld.idx.msk [tilespmem:v11+s16+$0x0], $0xffff;
	[tilespmem:s25+$0xFFFFFFE0] =	vst v2  }
0x54: {  	v5 =	vmul.f32 v3, v20;
	v2 =	vld.idx.msk [tilespmem:v14+s15+$0x0], $0xffff;
	[tilespmem:s26+$0xFFFFFFD0] =	vst v1  }
0x55: {  	v3 =	vmul.f32 v17, v3;
	v1 =	vld.idx.msk [tilespmem:v13+s15+$0x0], $0xffff;
	[tilespmem:s26+$0xFFFFFFE0] =	vst v4  }
0x56: {  	[tilespmem:s25+$0xFFFFFFC0] =	vst v5;
	v4 =	vmul.f32 v10, v21;
	v5 =	vld.idx.msk [tilespmem:v13+s16+$0x0], $0xffff  }
0x57: {  	v7 =	vmul.f32 v8, v10;
	[tilespmem:s26+$0xFFFFFFC0] =	vst v3;
	v3 =	vld.idx.msk [tilespmem:v15+s15+$0x0], $0xffff  }
0x58: {  	[tilespmem:s25+$0xFFFFFFF0] =	vst v4;
	v4 =	vld.idx.msk [tilespmem:v16+s15+$0x0], $0xffff;
	v8 =	vmul.f32 v12, v9  }
0x59: {  	s28 =	simm.s32 $0x0;
	s29 =	simm.s32 $0xC0;
	[tilespmem:s26+$0xFFFFFFF0] =	vst v7;
	v7 =	vmul.f32 v6, v12;
	v6 =	vld.idx.msk [tilespmem:v15+s16+$0x0], $0xffff  }
.LBB2_5:
0x5a: {  	v9 =	vld [tilespmem:s29+$0x30];
	[tilespmem:s25+$0x0] =	vst v8;
	s24 =	sadd.s32 $0x80, s24  }
0x5b: {  	v1 =	vmul.f32 v2, v1;
	v8 =	vld [tilespmem:s24+$0x30];
	[tilespmem:s26+$0x0] =	vst v7  }
0x5c: {  	s28 =	sadd.s32 $0x8, s28;
	v2 =	vmul.f32 v5, v2;
	v7 =	vld [tilespmem:s24+$0xFFFFFFC0]  }
0x5d: {  	p0 =	slt.u32 s28, $0xC0;
	v5 =	vld [tilespmem:s29+$0xFFFFFFD0];
	[tilespmem:s25+$0x10] =	vst v1  }
0x5e: {  	v1 =	vld [tilespmem:s24+$0xFFFFFFD0];
	[tilespmem:s26+$0x10] =	vst v2;
	v2 =	vmul.f32 v4, v3  }
0x5f: {  	v4 =	vmul.f32 v6, v4;
	v3 =	vld [tilespmem:s29+$0xFFFFFFE0]  }
0x60: {  	v6 =	vld [tilespmem:s24+$0xFFFFFFE0];
	[tilespmem:s25+$0x20] =	vst v2  }
0x61: {  	v2 =	vld [tilespmem:s29+$0xFFFFFFF0];
	[tilespmem:s26+$0x20] =	vst v4  }
0x62: {  	v4 =	vld.idx.msk [tilespmem:v9+s15+$0x0], $0xffff  }
0x63: {  	v8 =	vld.idx.msk [tilespmem:v8+s15+$0x0], $0xffff  }
0x64: {  	v9 =	vld.idx.msk [tilespmem:v9+s16+$0x0], $0xffff  }
0x65: {  	v10 =	vld [tilespmem:s24+$0xFFFFFFF0]  }
0x66: {  	v11 =	vld [tilespmem:s29+$0x0]  }
0x67: {  	v12 =	vld [tilespmem:s24+$0x0]  }
0x68: {  	v13 =	vld [tilespmem:s29+$0x10]  }
0x69: {  	v4 =	vmul.f32 v8, v4;
	v14 =	vld [tilespmem:s24+$0x10]  }
0x6a: {  	s25 =	sadd.s32 $0x80, s25;
	v8 =	vmul.f32 v9, v8;
	v15 =	vld [tilespmem:s29+$0x20]  }
0x6b: {  	s26 =	sadd.s32 $0x80, s26;
	v9 =	vld [tilespmem:s24+$0x20];
	[tilespmem:s25+$0x30] =	vst v4  }
0x6c: {  	v4 =	vld [tilespmem:s29+$0xFFFFFFC0];
	[tilespmem:s26+$0x30] =	vst v8  }
0x6d: {  	v7 =	vld.idx.msk [tilespmem:v7+s15+$0x0], $0xffff  }
0x6e: {  	v8 =	vld.idx.msk [tilespmem:v5+s15+$0x0], $0xffff  }
0x6f: {  	v1 =	vld.idx.msk [tilespmem:v1+s15+$0x0], $0xffff  }
0x70: {  	v5 =	vld.idx.msk [tilespmem:v5+s16+$0x0], $0xffff  }
0x71: {  	v16 =	vld.idx.msk [tilespmem:v3+s15+$0x0], $0xffff  }
0x72: {  	v6 =	vld.idx.msk [tilespmem:v6+s15+$0x0], $0xffff  }
0x73: {  	v3 =	vld.idx.msk [tilespmem:v3+s16+$0x0], $0xffff  }
0x74: {  	v17 =	vld.idx.msk [tilespmem:v4+s15+$0x0], $0xffff  }
0x75: {  	v8 =	vmul.f32 v1, v8;
	v4 =	vld.idx.msk [tilespmem:v4+s16+$0x0], $0xffff  }
0x76: {  	v1 =	vmul.f32 v5, v1;
	v5 =	vld.idx.msk [tilespmem:v2+s15+$0x0], $0xffff  }
0x77: {  	[tilespmem:s25+$0xFFFFFFD0] =	vst v8;
	v8 =	vld.idx.msk [tilespmem:v10+s15+$0x0], $0xffff  }
0x78: {  	[tilespmem:s26+$0xFFFFFFD0] =	vst v1;
	v1 =	vmul.f32 v6, v16;
	v10 =	vld.idx.msk [tilespmem:v2+s16+$0x0], $0xffff  }
0x79: {  	v2 =	vmul.f32 v3, v6;
	v6 =	vld.idx.msk [tilespmem:v11+s15+$0x0], $0xffff  }
0x7a: {  	v3 =	vmul.f32 v7, v17;
	[tilespmem:s25+$0xFFFFFFE0] =	vst v1;
	v12 =	vld.idx.msk [tilespmem:v12+s15+$0x0], $0xffff  }
0x7b: {  	v4 =	vmul.f32 v4, v7;
	[tilespmem:s26+$0xFFFFFFE0] =	vst v2;
	v7 =	vld.idx.msk [tilespmem:v11+s16+$0x0], $0xffff  }
0x7c: {  	[tilespmem:s25+$0xFFFFFFC0] =	vst v3;
	v1 =	vld.idx.msk [tilespmem:v13+s15+$0x0], $0xffff  }
.Ltmp1:
0x7d: {  	v3 =	vmul.f32 v8, v5;
	[tilespmem:s26+$0xFFFFFFC0] =	vst v4;
	v2 =	vld.idx.msk [tilespmem:v14+s15+$0x0], $0xffff;
	(pc) =	sbr.rel @p0 .LBB2_5-.Ltmp1, $4  }
0x7e: {  	v4 =	vmul.f32 v10, v8;
	v5 =	vld.idx.msk [tilespmem:v13+s16+$0x0], $0xffff  }
0x7f: {  	[tilespmem:s25+$0xFFFFFFF0] =	vst v3;
	v3 =	vld.idx.msk [tilespmem:v15+s15+$0x0], $0xffff  }
0x80: {  	v8 =	vmul.f32 v12, v6;
	[tilespmem:s26+$0xFFFFFFF0] =	vst v4;
	v4 =	vld.idx.msk [tilespmem:v9+s15+$0x0], $0xffff  }
0x81: {  	s29 =	sadd.s32 $0x80, s29;
	v7 =	vmul.f32 v7, v12;
	v6 =	vld.idx.msk [tilespmem:v15+s16+$0x0], $0xffff  }
0x82: {  	_ = 	snop  }
0x83: {  	[tilespmem:s25+$0x0] =	vst v8;
	v1 =	vmul.f32 v2, v1  }
0x84: {  	[tilespmem:s26+$0x0] =	vst v7;
	v2 =	vmul.f32 v5, v2  }
0x85: {  	[tilespmem:s25+$0x10] =	vst v1;
	v1 =	vmul.f32 v4, v3  }
0x86: {  	[tilespmem:s26+$0x10] =	vst v2;
	v2 =	vmul.f32 v6, v4  }
0x87: {  	[tilespmem:s25+$0x20] =	vst v1  }
0x88: {  	[tilespmem:s26+$0x20] =	vst v2  }
0x89: {  	[spmem:s3] =	stream.indirect.scatter.add.f32 [tilespmem:s19], [sflag:$0x2], $0x1, s18, s18, $0xb8;
	[tilespmem:$0x1DB00] =	vst v63  }
0x8a: {  	s22 =	sadd.s32 $0x1, s22;
	_ =	swait.ge [sflag:s14], $0xC80  }
0x8b: {  	p0 =	sne.s32 s22, s10;
	[sflag:s14] =	ssyncset.done $0x0  }
.Ltmp2:
0x8c: {  	s23 =	sadd.s32 s2, s23;
	[sflag:s14] =	ssyncadd.s32 $0xFFFFF380;
	(pc) =	sbr.rel @p0 .LBB2_4-.Ltmp2, $4  }
0x8d: {  	[hbm4b:s23+s4] =	stream.linear.scatter [tilespmem:s20], [sflag:$0x2], $0xC80, $0x38;
	[tilespmem:$0x1DB00] =	vst v63  }
0x8e: {  	_ =	swait.ge [sflag:s14], $0xC80  }
0x8f: {  	[sflag:s14] =	ssyncset.done $0x0  }
0x90: {  	[sflag:s14] =	ssyncadd.s32 $0xFFFFF380  }
0x91: {  	[bflag:$0x0] =	sbarrier.arrive $0xFFFF  }
0x92: {  	[tilespmem:s13], [sflag:$0x2] =	stream.linear.gather [spmem:s8], $0xC80, $0x38;
	[tilespmem:$0x1DB00] =	vst v63  }
0x93: {  	s21 =	sadd.s32 $0x1, s21;
	_ =	swait.ge [sflag:s14], $0xC80  }
0x94: {  	p0 =	sne.s32 s21, s12;
	[sflag:s14] =	ssyncset.done $0x0  }
.Ltmp3:
0x95: {  	[sflag:s14] =	ssyncadd.s32 $0xFFFFF380;
	(pc) =	sbr.rel @p0 .LBB2_1-.Ltmp3, $4  }
0x96: {  	[hbm4b:s11+s4] =	stream.linear.scatter [tilespmem:s13], [sflag:$0x2], $0xC80, $0x38;
	[tilespmem:$0x1DB00] =	vst v63  }
0x97: {  	_ =	swait.ge [sflag:s14], $0xC80  }
0x98: {  	[sflag:s14] =	ssyncset.done $0x0  }
0x99: {  	[sflag:s14] =	ssyncadd.s32 $0xFFFFF380  }
0x9a: {  	_ =	sfence.sel $0x180000  }
0x9b: {  	[bflag:$0x0] =	sbarrier.arrive $0xFFFF  }
0x9c: {  	p0 =	sne.s32 s1, $0x0;
	_ =	strace $0x9000004A  }
0x9d: {  	s0 =	sadd.s32 @!p0 $0x100000, s0;
	[bflag:$0x2] =	sbarrier.arrive $0xFFFF  }
0x9e: {  	[sflag:s0] =	ssyncadd.tile.s32 @!p0 $0x1;
	_ =	shalt  }
.Lfunc_end2:
_tile_overlayer_lowered:
.L_overlay_start_2:
0x9f: {  	(tag) =	ssettag $0x2  }
0xa0: {  	s0 =	rddreg [dreg:$0x0];
	s2 =	stileid.u32  }
0xa1: {  	s1 =	rddreg [dreg:$0x1];
	p0 =	sne.s32 s2, $0x0  }
0xa2: {  	s3 =	rddreg [dreg:$0x2];
	[bflag:$0x3] =	sbarrier.arrive $0xFFFF;
	s2 =	simm.s32 @!p0 $0x1C02  }
0xa3: {  	[timem:s3], [sflag:s2] =	dma.local @!p0 [hbm:s0], s1  }
0xa4: {  	s0 =	simm.s32 @!p0 $0x2  }
0xa5: {  	_ =	swait.ge @!p0 [sflag:s0], s1  }
0xa6: {  	s1 =	ssub.s32 @!p0 $0x0, s1;
	[sflag:s0] =	ssyncset.done @!p0 $0x0  }
0xa7: {  	[sflag:s0] =	ssyncadd.s32 @!p0 s1  }
0xa8: {  	[bflag:$0x3] =	sbarrier.arrive $0xFFFF  }
0xa9: {  	_ =	shalt  }

// kernel: kernel.16.cloned.1.call-start
scs
__scs_entry_jumppad:
0x0: {  	(pc) =	sbr.rel $0x88, $3  }
0x1: {  	(tag) =	ssettag $0x0;
	lr =	simm.s32 $0x1  }
0x2: {  	[smem:$0x3F9A] =	sst lr;
	_ =	strace $0xD0000000  }
0x3: {  	_ = 	snop  }
0x4: {  	_ = 	snop  }
0x5: {  	_ = 	snop  }
0x6: {  	_ = 	snop  }
0x7: {  	_ = 	snop  }
__scs_overlays_trampoline_lowered:
0x8: {  	[smem:$0x3FA9] =	sst s0  }
0x9: {  	[smem:$0x3FAA] =	sst s1  }
0xa: {  	[smem:$0x3FAB] =	sst s2  }
0xb: {  	[smem:$0x3FAC] =	sst s3  }
0xc: {  	[smem:$0x3FAD] =	sst s4  }
0xd: {  	[smem:$0x3FAE] =	sst s5  }
0xe: {  	[smem:$0x3FAF] =	sst s6  }
0xf: {  	[smem:$0x3FB0] =	sst s7  }
0x10: {  	[smem:$0x3FB1] =	sst s8  }
0x11: {  	[smem:$0x3FB2] =	sst s9;
	s0 =	simm.s32 @!p0 $0x0  }
0x12: {  	s1 =	sld [smem:$0x3F98];
	s0 =	simm.s32 @p0 $0x1  }
0x13: {  	[smem:$0x3FB3] =	sst s0;
	s0 =	simm.s32 @!p1 $0x0  }
0x14: {  	s2 =	sld [smem:$0x3F97];
	s0 =	simm.s32 @p1 $0x1  }
0x15: {  	[smem:$0x3FB4] =	sst s0;
	s0 =	simm.s32 @!p2 $0x0  }
0x16: {  	s3 =	sld [smem:$0x3FDB];
	s0 =	simm.s32 @p2 $0x1  }
0x17: {  	s4 =	simm.s32 $0x1BF5;
	[smem:$0x3FB6] =	sst s0  }
0x18: {  	s0 =	sld [smem:$0x3F99];
	_ =	swait.ge [sflag:s4], $0x0  }
0x19: {  	s7 =	sld [smem:$0x3F9A]  }
0x1a: {  	s8 =	sadd.s32 $0xFFFFE003, lr  }
0x1b: {  	s9 =	sadd.s32 $0xFFFFFEF7, lr;
	s5 =	simm.s32 $0xFFFFFFFF;
	p2 =	slt.u32 s8, $0xFFFFF086  }
0x1c: {  	p1 =	slt.u32 s9, $0xF7A;
	s5 =	simm.s32 @!p2 $0x0  }
0x1d: {  	s5 =	simm.s32 @p1 $0x1;
	p0 =	seq.s32 s7, s2  }
0x1e: {  	s7 =	smul.u32 @!p0 $0xF7A, s2;
	p2 =	seq.s32 @!p0 s5, $0x0  }
0x1f: {  	s9 =	smul.u32 $0xF7A, s1;
	s8 =	simm.s32 @!p0 $0x1BF5;
	p2 =	por !p2, p0  }
0x20: {  	[sflag:s8] =	ssyncset.s32 @!p0 $0xFFFFF086;
	s6 =	sadd.s32 @!p0 s3, s7;
	s7 =	simm.s32 @!p0 $0x108  }
0x21: {  	s3 =	sadd.s32 s3, s9;
	s6 =	sadd.s32 @!p0 $0x88, s6;
	s7 =	simm.s32 @p2 $0x1082  }
0x22: {  	[simem:s7], [sflag:s8] =	dma.local @!p0 [hbm:s6], $0xF7A  }
0x23: {  	s9 =	sor.u32 $0xD0000000, s2;
	s6 =	simm.s32 $0x108;
	_ =	swait.ge @!p0 [sflag:s8], $0x0  }
0x24: {  	s3 =	sadd.s32 $0x88, s3;
	s6 =	simm.s32 @!p1 $0x1082;
	[sflag:s4] =	ssyncset.s32 $0xFFFFF086  }
0x25: {  	[simem:s6], [sflag:s4] =	dma.local [hbm:s3], $0xF7A  }
0x26: {  	[smem:$0x3F9A] =	sst s1;
	(tag) =	ssettag s2;
	_ =	strace s9  }
0x27: {  	s1 =	sld [smem:$0x3FAA]  }
0x28: {  	s2 =	sld [smem:$0x3FAB]  }
0x29: {  	s4 =	sld [smem:$0x3FAD]  }
0x2a: {  	p0 =	seq.s32 s5, $0x0;
	s5 =	sld [smem:$0x3FAE]  }
0x2b: {  	s6 =	sld [smem:$0x3FAF]  }
0x2c: {  	s7 =	sld [smem:$0x3FB0]  }
0x2d: {  	s3 =	simm.s32 $0x108;
	s8 =	sld [smem:$0x3FB1]  }
0x2e: {  	s3 =	simm.s32 @!p0 $0x1082;
	s9 =	sld [smem:$0x3FB2]  }
0x2f: {  	lr =	sadd.s32 s0, s3;
	s0 =	sld [smem:$0x3FA9]  }
0x30: {  	s3 =	sld [smem:$0x3FAC]  }
0x31: {  	[smem:$0x3FB5] =	sst s10  }
0x32: {  	s10 =	sld [smem:$0x3FB3];
	_ =	sdelay $0x3  }
0x33: {  	p0 =	seq.s32 s10, $0x1;
	s10 =	sld [smem:$0x3FB5];
	_ =	sdelay $0x3  }
0x34: {  	[smem:$0x3FB5] =	sst s10  }
0x35: {  	s10 =	sld [smem:$0x3FB4];
	_ =	sdelay $0x3  }
0x36: {  	p1 =	seq.s32 s10, $0x1;
	s10 =	sld [smem:$0x3FB5];
	_ =	sdelay $0x3  }
0x37: {  	[smem:$0x3FB5] =	sst s10  }
0x38: {  	s10 =	sld [smem:$0x3FB6]  }
0x39: {  	_ = 	snop;
	(pc) =	sbr.ind lr, $3  }
0x3a: {  	_ = 	snop  }
0x3b: {  	_ = 	snop  }
0x3c: {  	p2 =	seq.s32 s10, $0x1;
	s10 =	sld [smem:$0x3FB5]  }
0x3d: {  	_ =	shalt  }
0x3e: {  	_ =	shalt  }
0x3f: {  	_ =	shalt  }
0x40: {  	_ =	shalt  }
0x41: {  	_ =	shalt  }
0x42: {  	_ =	shalt  }
0x43: {  	_ =	shalt  }
0x44: {  	_ =	shalt  }
0x45: {  	_ =	shalt  }
0x46: {  	_ =	shalt  }
0x47: {  	_ =	shalt  }
0x48: {  	_ =	shalt  }
0x49: {  	_ =	shalt  }
0x4a: {  	_ =	shalt  }
0x4b: {  	_ =	shalt  }
0x4c: {  	_ =	shalt  }
0x4d: {  	_ =	shalt  }
0x4e: {  	_ =	shalt  }
0x4f: {  	_ =	shalt  }
0x50: {  	_ =	shalt  }
0x51: {  	_ =	shalt  }
0x52: {  	_ =	shalt  }
0x53: {  	_ =	shalt  }
0x54: {  	_ =	shalt  }
0x55: {  	_ =	shalt  }
0x56: {  	_ =	shalt  }
0x57: {  	_ =	shalt  }
0x58: {  	_ =	shalt  }
0x59: {  	_ =	shalt  }
0x5a: {  	_ =	shalt  }
0x5b: {  	_ =	shalt  }
0x5c: {  	_ =	shalt  }
0x5d: {  	_ =	shalt  }
0x5e: {  	_ =	shalt  }
0x5f: {  	_ =	shalt  }
0x60: {  	_ =	shalt  }
0x61: {  	_ =	shalt  }
0x62: {  	_ =	shalt  }
0x63: {  	_ =	shalt  }
0x64: {  	_ =	shalt  }
0x65: {  	_ =	shalt  }
0x66: {  	_ =	shalt  }
0x67: {  	_ =	shalt  }
0x68: {  	_ =	shalt  }
0x69: {  	_ =	shalt  }
0x6a: {  	_ =	shalt  }
0x6b: {  	_ =	shalt  }
0x6c: {  	_ =	shalt  }
0x6d: {  	_ =	shalt  }
0x6e: {  	_ =	shalt  }
0x6f: {  	_ =	shalt  }
0x70: {  	_ =	shalt  }
0x71: {  	_ =	shalt  }
0x72: {  	_ =	shalt  }
0x73: {  	_ =	shalt  }
0x74: {  	_ =	shalt  }
0x75: {  	_ =	shalt  }
0x76: {  	_ =	shalt  }
0x77: {  	_ =	shalt  }
0x78: {  	_ =	shalt  }
0x79: {  	_ =	shalt  }
0x7a: {  	_ =	shalt  }
0x7b: {  	_ =	shalt  }
0x7c: {  	_ =	shalt  }
0x7d: {  	_ =	shalt  }
0x7e: {  	_ =	shalt  }
0x7f: {  	_ =	shalt  }
0x80: {  	_ =	shalt  }
0x81: {  	_ =	shalt  }
0x82: {  	_ =	shalt  }
0x83: {  	_ =	shalt  }
0x84: {  	_ =	shalt  }
0x85: {  	_ =	shalt  }
0x86: {  	_ =	shalt  }
0x87: {  	_ =	shalt  }
.Lfunc_end0:
.L_simem_size_0:
called_computation.2_lowered:
.L_overlay_start_0:
0x88: {  	s2 =	sld [smem:$0x3FD9]  }
0x89: {  	s3 =	sld [smem:$0x3FFE];
	_ =	sdelay $0x1  }
0x8a: {  	s1 =	srdreg.scid  }
0x8b: {  	s0 =	sand.u32 $0x1, s1  }
0x8c: {  	s17 =	sshll.u32 s0, $0xA;
	s2 =	sadd.s32 s3, s2  }
0x8d: {  	s2 =	sadd.s32 s2, s17  }
0x8e: {  	[smem:$0x3FC1] =	sst s2  }
0x8f: {  	_ = 	snop  }
0x90: {  	s2 =	sld [smem:$0x3FD0];
	(tm) =	ssettm $0x1  }
0x91: {  	s18 =	sld [smem:$0x3FFB];
	_ =	sdelay $0x3  }
0x92: {  	_ =	strace s18  }
0x93: {  	s3 =	sld [smem:$0x3FFC];
	_ =	sdelay $0x3  }
0x94: {  	_ =	strace s3  }
0x95: {  	s3 =	sld [smem:$0x3FFD];
	_ =	sdelay $0x3  }
0x96: {  	_ =	strace s3  }
0x97: {  	_ =	strace $0x8FFFFFFF  }
0x98: {  	s19 =	sld [smem:$0x3FDB];
	_ =	sdelay $0x1  }
0x99: {  	s4 =	simm.s32 $_scs_section_size  }
0x9a: {  	s5 =	simm.s32 $_size__tile_overlayer_lowered;
	s6 =	simm.s32 $_tile_overlayer_lowered  }
0x9b: {  	s22 =	simm.s32 $0x1BFF;
	s21 =	sshll.u32 s6, $0x1;
	s3 =	sadd.s32 s4, s19  }
0x9c: {  	s7 =	simm.s32 $0x0;
	s20 =	sshll.u32 s5, $0x1;
	s5 =	sadd.s32 s21, s3  }
0x9d: {  	[timem:s7], [sflag:s22] =	dma.local [hbm:s5], s20  }
0x9e: {  	_ =	swait.ge [sflag:s22], s20  }
0x9f: {  	s4 =	ssub.s32 $0x0, s20;
	[sflag:s22] =	ssyncset.done $0x0  }
0xa0: {  	[sflag:s22] =	ssyncadd.s32 s4;
	_ =	sdelay $0x1  }
0xa1: {  	s23 =	simm.s32 $0x1B8B  }
0xa2: {  	_ =	swait.ge [sflag:s23], $0x1  }
0xa3: {  	[sflag:s23] =	ssyncset.done $0x0  }
0xa4: {  	s25 =	simm.s32 $0x1B8E;
	s24 =	sld [smem:$0x3FFE];
	[sflag:s23] =	ssyncadd.s32 $0xFFFFFFFF  }
0xa5: {  	s26 =	simm.s32 $execute0_lowered;
	[smem:$0x3FD2] =	sst s25  }
0xa6: {  	s5 =	sshll.u32 s26, $0x1;
	_ =	strace $0x8000004C;
	[dreg:$0x1] =	wrdreg $0xFFFFFFFF  }
0xa7: {  	s28 =	simm.s32 $_size_execute0_lowered;
	s3 =	sadd.s32 s3, s5;
	[dreg:$0x0] =	wrdreg $0x0  }
0xa8: {  	s5 =	sshll.u32 s28, $0x1;
	[dreg:$0x2] =	wrdreg s3  }
0xa9: {  	[dreg:$0x3] =	wrdreg s5  }
0xaa: {  	[dreg:$0x4] =	wrdreg $0xC0  }
0xab: {  	_ =	task [dreg:s7], $0x5FFFF  }
0xac: {  	[dreg:$0x1] =	wrdreg $0xFFFFFFFF  }
0xad: {  	[dreg:$0x0] =	wrdreg $0x60  }
0xae: {  	[dreg:$0x2] =	wrdreg s24  }
0xaf: {  	[dreg:$0x3] =	wrdreg s2  }
0xb0: {  	[dreg:$0x4] =	wrdreg $0x113000  }
0xb1: {  	[dreg:$0x5] =	wrdreg $0x11F800  }
0xb2: {  	[dreg:$0x6] =	wrdreg $0x9  }
0xb3: {  	_ =	task.clear_ibuf [dreg:s7], $0x7FFFF;
	_ =	strace $0x9000004C  }
0xb4: {  	s29 =	simm.s32 $0x9;
	_ =	strace $0x8000004E  }
0xb5: {  	_ =	swait.ge [sflag:s29], $0x1  }
0xb6: {  	[sflag:s29] =	ssyncadd.s32 $0xFFFFFFFF  }
0xb7: {  	_ =	strace $0x9000004E  }
0xb8: {  	_ =	sfence  }
0xb9: {  	s30 =	sld [smem:$0x0];
	_ =	sdelay $0x2  }
0xba: {  	s31 =	sshll.u32 s1, $0xD;
	s1 =	sshrl.u32 s1, $0x2  }
0xbb: {  	s3 =	sand.u32 $0x4000, s31;
	s1 =	sadd.s32 s1, s30  }
0xbc: {  	s0 =	sor.u32 s3, s0;
	s1 =	sshll.u32 s1, $0x11  }
0xbd: {  	s0 =	sor.u32 s1, s0  }
0xbe: {  	s0 =	sadd.s32 $0x8F2B, s0  }
0xbf: {  	[sflag:s0] =	ssyncadd.remote.s32 $0x1  }
0xc0: {  	_ =	sfence.sel $0xFFFF  }
0xc1: {  	[dreg:$0x0] =	wrdreg $0xFFFFFFFF;
	(pc) =	sbr.abs _section_cstart, $3  }
0xc2: {  	[dreg:$0x1] =	wrdreg $0xFFFFFFFF  }
0xc3: {  	_ =	task.clear_ibuf [dreg:s7], $0x2FFFF;
	_ =	strace $0x9FFFFFFF  }
0xc4: {  	(tm) =	ssettm $0x7FFFFFFF  }
0xc5: {  	_ =	shalt  }
tec
execute0_lowered:
.L_overlay_start_1:
0x0: {  	(tag) =	ssettag $0x1  }
0x1: {  	s8 =	rddreg [dreg:$0x0]  }
0x2: {  	s1 =	rddreg [dreg:$0x1]  }
0x3: {  	s3 =	rddreg [dreg:$0x2]  }
0x4: {  	s4 =	rddreg [dreg:$0x3]  }
0x5: {  	s0 =	rddreg [dreg:$0x4]  }
0x6: {  	s6 =	srdreg.scid;
	s2 =	stileid.u32  }
0x7: {  	s5 =	simm.s32 $0x0;
	s15 =	simm.s32 $0x10680;
	s16 =	simm.s32 $0x2  }
0x8: {  	s17 =	simm.s32 $0x3E80;
	s18 =	simm.s32 $0xC80;
	s19 =	simm.s32 $0x1900  }
0x9: {  	s20 =	simm.s32 $0x1;
	s21 =	simm.s32 $0x2580;
	s22 =	simm.s32 $0x3200  }
0xa: {  	s23 =	simm.s32 $0x0;
	s9 =	sand.u32 $0x1, s6;
	s10 =	smul.u32 $0xC80, s2  }
0xb: {  	[smem:$0x7FF] =	sst s5;
	s6 =	sadd.s32 $0x3C00, s8;
	s7 =	sadd.s32 $0x34A00, s8  }
0xc: {  	s11 =	smul.u32 $0xC800, s9;
	s12 =	ssub.s32 $0x2, s9;
	s9 =	sshll.u32 s9, $0x4  }
0xd: {  	_ =	strace $0x8000004D;
	s29 =	sshrl.u32 s12, $0x1;
	s9 =	sor.u32 s2, s9  }
0xe: {  	s11 =	sadd.s32 s10, s11;
	s14 =	ssub.s32 s12, s29;
	s30 =	smul.u32 $0x7, s9  }
0xf: {  	s31 =	smin.u32 s9, $0x1A;
	p0 =	slt.u32 s9, $0x1A;
	s9 =	simm.s32 $0x8  }
0x10: {  	s11 =	sshrl.u32 s11, $0x3;
	s9 =	simm.s32 @!p0 $0x7;
	s14 =	smax.u32 s14, $0x1  }
0x11: {  	s13 =	sadd.s32 s11, s8;
	s8 =	sadd.s32 s10, s3;
	s10 =	sadd.s32 s10, s4  }
0x12: {  	v0 =	vimm.f32 $0.0e+00;
	s11 =	sadd.s32 s31, s30;
	s12 =	sadd.s32 $0x36400, s13;
	s13 =	sadd.s32 $0x39600, s13  }
.LBB2_1:
0x13: {  	s24 =	simm.s32 $0x40;
	s25 =	simm.s32 $0x0  }
.LBB2_2:
0x14: {  	p0 =	sne.s32 s24, $0x31C0;
	[tilespmem:s25+$0x10680] =	vst v0;
	s25 =	smov.u32 s24;
	s24 =	sadd.s32 $0x40, s24  }
.Ltmp0:
0x15: {  	(pc) =	sbr.rel @p0 .LBB2_2-.Ltmp0, $2  }
0x16: {  	_ =	sdelay $0x2  }
0x17: {  	s25 =	sshra.s32 s25, $0x2  }
0x18: {  	[tilespmem:s25+$0x10680] =	vst v0  }
0x19: {  	[spmem:s8] =	stream.linear.scatter [tilespmem:s15], [sflag:$0x2], $0xC80, $0x38;
	[tilespmem:$0x12C00] =	vst v63  }
0x1a: {  	_ =	swait.ge [sflag:s16], $0xC80  }
0x1b: {  	[sflag:s16] =	ssyncset.done $0x0  }
0x1c: {  	s24 =	simm.s32 $0x40;
	s25 =	simm.s32 $0x0;
	[sflag:s16] =	ssyncadd.s32 $0xFFFFF380  }
.LBB2_4:
0x1d: {  	p0 =	sne.s32 s24, $0x31C0;
	[tilespmem:s25+$0x10680] =	vst v0;
	s25 =	smov.u32 s24;
	s24 =	sadd.s32 $0x40, s24  }
.Ltmp1:
0x1e: {  	(pc) =	sbr.rel @p0 .LBB2_4-.Ltmp1, $2  }
0x1f: {  	_ =	sdelay $0x2  }
0x20: {  	s25 =	sshra.s32 s25, $0x2  }
0x21: {  	[tilespmem:s25+$0x10680] =	vst v0  }
0x22: {  	[spmem:s10] =	stream.linear.scatter [tilespmem:s15], [sflag:$0x2], $0xC80, $0x38;
	[tilespmem:$0x12C00] =	vst v63  }
0x23: {  	_ =	swait.ge [sflag:s16], $0xC80  }
0x24: {  	[sflag:s16] =	ssyncset.done $0x0  }
0x25: {  	s24 =	simm.s32 $0x0;
	[sflag:s16] =	ssyncadd.s32 $0xFFFFF380  }
0x26: {  	[tilespmem:s17], [sflag:$0x2] =	stream.linear.gather [hbm4b:s7+s24], $0xC800, $0x38;
	[tilespmem:$0x12C00] =	vst v63  }
0x27: {  	_ =	swait.ge [sflag:s16], $0xC800  }
0x28: {  	[sflag:s16] =	ssyncset.done $0x0  }
0x29: {  	[sflag:s16] =	ssyncadd.s32 $0xFFFF3800  }
0x2a: {  	[bflag:$0x0] =	sbarrier.arrive $0xFFFF  }
.LBB2_6:
0x2b: {  	s25 =	sadd.s32 s24, s11  }
0x2c: {  	s25 =	smul.u32 $0xC80, s25;
	_ =	sdelay $0x1  }
0x2d: {  	s25 =	sshrl.u32 s25, $0x3  }
0x2e: {  	s26 =	sadd.s32 s6, s25  }
0x2f: {  	[tilespmem:s5], [sflag:$0x1] =	stream.linear.gather [hbm4b:s26+s5], $0xC80, $0x38;
	[tilespmem:$0x12C00] =	vst v63  }
0x30: {  	s26 =	sadd.s32 $0x186A0, s26  }
0x31: {  	[tilespmem:s18], [sflag:$0x1] =	stream.linear.gather [hbm4b:s26+s5], $0xC80, $0x38;
	[tilespmem:$0x12C00] =	vst v63  }
0x32: {  	s25 =	sadd.s32 s1, s25  }
0x33: {  	[tilespmem:s19], [sflag:$0x1] =	stream.linear.gather [hbm4b:s25+s5], $0xC80, $0x38;
	[tilespmem:$0x12C00] =	vst v63  }
0x34: {  	_ =	swait.ge [sflag:s20], $0xC80  }
0x35: {  	[sflag:s20] =	ssyncset.done $0x0  }
0x36: {  	[sflag:s20] =	ssyncadd.s32 $0xFFFFF380  }
0x37: {  	_ =	swait.ge [sflag:s20], $0xC80  }
0x38: {  	[sflag:s20] =	ssyncset.done $0x0  }
0x39: {  	[sflag:s20] =	ssyncadd.s32 $0xFFFFF380  }
0x3a: {  	_ =	swait.ge [sflag:s20], $0xC80  }
0x3b: {  	[sflag:s20] =	ssyncset.done $0x0  }
0x3c: {  	s31 =	simm.s32 $0x40;
	[sflag:s20] =	ssyncadd.s32 $0xFFFFF380  }
0x3d: {  	v1 =	vld [tilespmem:s31+$0x30]  }
0x3e: {  	v2 =	vld [tilespmem:s31+$0xFFFFFFD0]  }
0x3f: {  	v3 =	vld [tilespmem:s31+$0xFFFFFFE0]  }
0x40: {  	v4 =	vld [tilespmem:s31+$0xFFFFFFF0]  }
0x41: {  	v5 =	vld [tilespmem:s31+$0x0]  }
0x42: {  	v6 =	vld [tilespmem:s31+$0x10]  }
0x43: {  	v8 =	vld [tilespmem:s31+$0xFFFFFFC0]  }
0x44: {  	v7 =	vld [tilespmem:s31+$0x20]  }
0x45: {  	v1 =	vld.idx.msk [tilespmem:v1+s17+$0x0], $0xffff  }
0x46: {  	v2 =	vld.idx.msk [tilespmem:v2+s17+$0x0], $0xffff  }
0x47: {  	v10 =	vld.idx.msk [tilespmem:v3+s17+$0x0], $0xffff  }
0x48: {  	v4 =	vld.idx.msk [tilespmem:v4+s17+$0x0], $0xffff  }
0x49: {  	v11 =	vld.idx.msk [tilespmem:v5+s17+$0x0], $0xffff  }
0x4a: {  	v12 =	vld.idx.msk [tilespmem:v6+s17+$0x0], $0xffff  }
0x4b: {  	s25 =	simm.s32 $0x1940;
	v13 =	vld.idx.msk [tilespmem:v8+s17+$0x0], $0xffff  }
0x4c: {  	v9 =	vld [tilespmem:s25+$0x30]  }
0x4d: {  	v20 =	vld [tilespmem:s25+$0xFFFFFFC0]  }
0x4e: {  	v17 =	vld.idx.msk [tilespmem:v7+s17+$0x0], $0xffff;
	v3 =	vmax.f32 v1, $0.0e+00;
	v18 =	vmax.f32 v2, $0.0e+00;
	v1 =	vmin.f32 v1, $0.0e+00  }
0x4f: {  	v16 =	vld [tilespmem:s25+$0xFFFFFFD0];
	v5 =	vmin.f32 v10, $0.0e+00;
	v8 =	vmax.f32 v4, $0.0e+00;
	v4 =	vmin.f32 v4, $0.0e+00  }
0x50: {  	v14 =	vld [tilespmem:s25+$0xFFFFFFE0];
	v7 =	vmax.f32 v11, $0.0e+00;
	v6 =	vmax.f32 v12, $0.0e+00;
	v22 =	vmin.f32 v13, $0.0e+00  }
0x51: {  	v19 =	vmul.f32 v3, v9;
	v3 =	vmin.f32 v2, $0.0e+00;
	v2 =	vmin.f32 v11, $0.0e+00;
	v11 =	vld [tilespmem:s25+$0xFFFFFFF0]  }
0x52: {  	s26 =	simm.s32 $0x25C0;
	v15 =	vld [tilespmem:s25+$0x0];
	v21 =	vmul.f32 v1, v9;
	v9 =	vmax.f32 v10, $0.0e+00;
	v10 =	vmax.f32 v13, $0.0e+00  }
0x53: {  	s28 =	simm.s32 $0x3240;
	v1 =	vmin.f32 v12, $0.0e+00;
	v13 =	vld [tilespmem:s25+$0x10];
	v12 =	vmax.f32 v17, $0.0e+00;
	[tilespmem:s26+$0x30] =	vst v19;
	v19 =	vmul.f32 v10, v20  }
0x54: {  	s29 =	simm.s32 $0x0;
	s30 =	simm.s32 $0xC0;
	v18 =	vmul.f32 v18, v16;
	v10 =	vmin.f32 v17, $0.0e+00;
	v20 =	vmul.f32 v22, v20;
	v17 =	vld [tilespmem:s25+$0x20];
	[tilespmem:s28+$0x30] =	vst v21  }
.LBB2_7:
0x55: {  	v21 =	vld [tilespmem:s30+$0x30];
	[tilespmem:s26+$0xFFFFFFC0] =	vst v19;
	v3 =	vmul.f32 v3, v16;
	v9 =	vmul.f32 v9, v14  }
0x56: {  	s29 =	sadd.s32 $0x8, s29;
	v5 =	vmul.f32 v5, v14;
	v16 =	vld [tilespmem:s30+$0xFFFFFFD0];
	[tilespmem:s28+$0xFFFFFFC0] =	vst v20;
	v8 =	vmul.f32 v8, v11  }
0x57: {  	p0 =	slt.u32 s29, $0xC0;
	v4 =	vmul.f32 v4, v11;
	v14 =	vld [tilespmem:s30+$0xFFFFFFE0];
	[tilespmem:s26+$0xFFFFFFD0] =	vst v18;
	v7 =	vmul.f32 v7, v15  }
0x58: {  	v2 =	vmul.f32 v2, v15;
	v11 =	vld [tilespmem:s30+$0xFFFFFFF0];
	[tilespmem:s28+$0xFFFFFFD0] =	vst v3;
	v3 =	vmul.f32 v6, v13  }
0x59: {  	v1 =	vmul.f32 v1, v13;
	v6 =	vld [tilespmem:s30+$0x0];
	[tilespmem:s26+$0xFFFFFFE0] =	vst v9;
	v9 =	vmul.f32 v12, v17  }
0x5a: {  	v12 =	vld [tilespmem:s30+$0x10];
	[tilespmem:s28+$0xFFFFFFE0] =	vst v5;
	v5 =	vmul.f32 v10, v17  }
0x5b: {  	v10 =	vld [tilespmem:s30+$0x20];
	[tilespmem:s26+$0xFFFFFFF0] =	vst v8  }
0x5c: {  	v8 =	vld [tilespmem:s30+$0xFFFFFFC0];
	[tilespmem:s28+$0xFFFFFFF0] =	vst v4  }
0x5d: {  	v4 =	vld.idx.msk [tilespmem:v21+s17+$0x0], $0xffff;
	[tilespmem:s26+$0x0] =	vst v7  }
0x5e: {  	s25 =	sadd.s32 $0x80, s25;
	v7 =	vld.idx.msk [tilespmem:v16+s17+$0x0], $0xffff;
	[tilespmem:s28+$0x0] =	vst v2  }
0x5f: {  	v2 =	vld [tilespmem:s25+$0x30];
	[tilespmem:s26+$0x10] =	vst v3  }
0x60: {  	v13 =	vld.idx.msk [tilespmem:v14+s17+$0x0], $0xffff;
	[tilespmem:s28+$0x10] =	vst v1  }
0x61: {  	v1 =	vld.idx.msk [tilespmem:v11+s17+$0x0], $0xffff;
	[tilespmem:s26+$0x20] =	vst v9  }
0x62: {  	v6 =	vld.idx.msk [tilespmem:v6+s17+$0x0], $0xffff;
	[tilespmem:s28+$0x20] =	vst v5  }
0x63: {  	v3 =	vmax.f32 v4, $0.0e+00;
	v12 =	vld.idx.msk [tilespmem:v12+s17+$0x0], $0xffff  }
0x64: {  	v4 =	vmin.f32 v4, $0.0e+00;
	v17 =	vmax.f32 v7, $0.0e+00;
	v15 =	vld.idx.msk [tilespmem:v8+s17+$0x0], $0xffff;
	v8 =	vmul.f32 v3, v2  }
0x65: {  	s26 =	sadd.s32 $0x80, s26;
	v3 =	vmin.f32 v7, $0.0e+00;
	v2 =	vmul.f32 v4, v2;
	v10 =	vld.idx.msk [tilespmem:v10+s17+$0x0], $0xffff  }
0x66: {  	s28 =	sadd.s32 $0x80, s28;
	v9 =	vmax.f32 v13, $0.0e+00;
	v5 =	vmin.f32 v13, $0.0e+00;
	v18 =	vld [tilespmem:s25+$0xFFFFFFC0];
	[tilespmem:s26+$0x30] =	vst v8  }
0x67: {  	v8 =	vmax.f32 v1, $0.0e+00;
	v4 =	vmin.f32 v1, $0.0e+00;
	v16 =	vld [tilespmem:s25+$0xFFFFFFD0];
	[tilespmem:s28+$0x30] =	vst v2  }
.Ltmp2:
0x68: {  	v7 =	vmax.f32 v6, $0.0e+00;
	v2 =	vmin.f32 v6, $0.0e+00;
	v14 =	vld [tilespmem:s25+$0xFFFFFFE0];
	(pc) =	sbr.rel @p0 .LBB2_7-.Ltmp2, $4  }
0x69: {  	v6 =	vmax.f32 v12, $0.0e+00;
	v1 =	vmin.f32 v12, $0.0e+00;
	v11 =	vld [tilespmem:s25+$0xFFFFFFF0]  }
0x6a: {  	v12 =	vmax.f32 v15, $0.0e+00;
	v20 =	vmin.f32 v15, $0.0e+00;
	v15 =	vld [tilespmem:s25+$0x0]  }
0x6b: {  	v19 =	vmul.f32 v12, v18;
	v13 =	vld [tilespmem:s25+$0x10];
	v12 =	vmax.f32 v10, $0.0e+00;
	v10 =	vmin.f32 v10, $0.0e+00  }
0x6c: {  	s30 =	sadd.s32 $0x80, s30;
	v20 =	vmul.f32 v20, v18;
	v18 =	vmul.f32 v17, v16;
	v17 =	vld [tilespmem:s25+$0x20]  }
0x6d: {  	[tilespmem:s26+$0xFFFFFFC0] =	vst v19  }
0x6e: {  	v3 =	vmul.f32 v3, v16;
	[tilespmem:s28+$0xFFFFFFC0] =	vst v20  }
0x6f: {  	v9 =	vmul.f32 v9, v14;
	[tilespmem:s26+$0xFFFFFFD0] =	vst v18  }
0x70: {  	v5 =	vmul.f32 v5, v14;
	[tilespmem:s28+$0xFFFFFFD0] =	vst v3  }
0x71: {  	v3 =	vmul.f32 v8, v11;
	[tilespmem:s26+$0xFFFFFFE0] =	vst v9  }
0x72: {  	v63 =	vmul.f32 v7, v15;
	[tilespmem:s28+$0xFFFFFFE0] =	vst v5  }
0x73: {  	v4 =	vmul.f32 v4, v11;
	[tilespmem:s26+$0xFFFFFFF0] =	vst v3  }
0x74: {  	v2 =	vmul.f32 v2, v15;
	[tilespmem:s26+$0x0] =	vst v63  }
0x75: {  	v3 =	vmul.f32 v6, v13;
	[tilespmem:s28+$0xFFFFFFF0] =	vst v4  }
0x76: {  	v1 =	vmul.f32 v1, v13;
	[tilespmem:s28+$0x0] =	vst v2  }
0x77: {  	v2 =	vmul.f32 v12, v17;
	[tilespmem:s26+$0x10] =	vst v3  }
0x78: {  	v3 =	vmul.f32 v10, v17;
	[tilespmem:s28+$0x10] =	vst v1  }
0x79: {  	[tilespmem:s26+$0x20] =	vst v2  }
0x7a: {  	[tilespmem:s28+$0x20] =	vst v3  }
0x7b: {  	[spmem:s3] =	stream.indirect.scatter.add.f32 [tilespmem:s21], [sflag:$0x2], $0x1, s18, s18, $0xb8;
	[tilespmem:$0x12C00] =	vst v63  }
0x7c: {  	s24 =	sadd.s32 $0x1, s24;
	_ =	swait.ge [sflag:s16], $0xC80  }
0x7d: {  	p0 =	sne.s32 s24, s9;
	[sflag:s16] =	ssyncset.done $0x0  }
.Ltmp3:
0x7e: {  	[sflag:s16] =	ssyncadd.s32 $0xFFFFF380;
	(pc) =	sbr.rel @p0 .LBB2_6-.Ltmp3, $4  }
0x7f: {  	[spmem:s4] =	stream.indirect.scatter.add.f32 [tilespmem:s22], [sflag:$0x2], $0x1, s18, s18, $0xb8;
	[tilespmem:$0x12C00] =	vst v63  }
0x80: {  	_ =	swait.ge [sflag:s16], $0xC80  }
0x81: {  	[sflag:s16] =	ssyncset.done $0x0  }
0x82: {  	[sflag:s16] =	ssyncadd.s32 $0xFFFFF380  }
0x83: {  	[bflag:$0x0] =	sbarrier.arrive $0xFFFF  }
0x84: {  	[tilespmem:s15], [sflag:$0x2] =	stream.linear.gather [spmem:s8], $0xC80, $0x38;
	[tilespmem:$0x12C00] =	vst v63  }
0x85: {  	_ =	swait.ge [sflag:s16], $0xC80  }
0x86: {  	[sflag:s16] =	ssyncset.done $0x0  }
0x87: {  	[sflag:s16] =	ssyncadd.s32 $0xFFFFF380  }
0x88: {  	[hbm4b:s12+s5] =	stream.linear.scatter [tilespmem:s15], [sflag:$0x2], $0xC80, $0x38;
	[tilespmem:$0x12C00] =	vst v63  }
0x89: {  	_ =	swait.ge [sflag:s16], $0xC80  }
0x8a: {  	[sflag:s16] =	ssyncset.done $0x0  }
0x8b: {  	[sflag:s16] =	ssyncadd.s32 $0xFFFFF380  }
0x8c: {  	[tilespmem:s15], [sflag:$0x2] =	stream.linear.gather [spmem:s10], $0xC80, $0x38;
	[tilespmem:$0x12C00] =	vst v63  }
0x8d: {  	s23 =	sadd.s32 $0x1, s23;
	_ =	swait.ge [sflag:s16], $0xC80  }
0x8e: {  	p0 =	sne.s32 s23, s14;
	[sflag:s16] =	ssyncset.done $0x0  }
.Ltmp4:
0x8f: {  	[sflag:s16] =	ssyncadd.s32 $0xFFFFF380;
	(pc) =	sbr.rel @p0 .LBB2_1-.Ltmp4, $4  }
0x90: {  	[hbm4b:s13+s5] =	stream.linear.scatter [tilespmem:s15], [sflag:$0x2], $0xC80, $0x38;
	[tilespmem:$0x12C00] =	vst v63  }
0x91: {  	_ =	swait.ge [sflag:s16], $0xC80  }
0x92: {  	[sflag:s16] =	ssyncset.done $0x0  }
0x93: {  	[sflag:s16] =	ssyncadd.s32 $0xFFFFF380  }
0x94: {  	_ =	sfence.sel $0x180000  }
0x95: {  	[bflag:$0x0] =	sbarrier.arrive $0xFFFF  }
0x96: {  	p0 =	sne.s32 s2, $0x0;
	_ =	strace $0x9000004D  }
0x97: {  	s0 =	sadd.s32 @!p0 $0x100000, s0;
	[bflag:$0x2] =	sbarrier.arrive $0xFFFF  }
0x98: {  	[sflag:s0] =	ssyncadd.tile.s32 @!p0 $0x1;
	_ =	shalt  }
.Lfunc_end2:
_tile_overlayer_lowered:
.L_overlay_start_2:
0x99: {  	(tag) =	ssettag $0x2  }
0x9a: {  	s0 =	rddreg [dreg:$0x0];
	s2 =	stileid.u32  }
0x9b: {  	s1 =	rddreg [dreg:$0x1];
	p0 =	sne.s32 s2, $0x0  }
0x9c: {  	s3 =	rddreg [dreg:$0x2];
	[bflag:$0x3] =	sbarrier.arrive $0xFFFF;
	s2 =	simm.s32 @!p0 $0x1C02  }
0x9d: {  	[timem:s3], [sflag:s2] =	dma.local @!p0 [hbm:s0], s1  }
0x9e: {  	s0 =	simm.s32 @!p0 $0x2  }
0x9f: {  	_ =	swait.ge @!p0 [sflag:s0], s1  }
0xa0: {  	s1 =	ssub.s32 @!p0 $0x0, s1;
	[sflag:s0] =	ssyncset.done @!p0 $0x0  }
0xa1: {  	[sflag:s0] =	ssyncadd.s32 @!p0 s1  }
0xa2: {  	[bflag:$0x3] =	sbarrier.arrive $0xFFFF  }
0xa3: {  	_ =	shalt  }

// kernel: kernel.19.cloned.1.call-start
scs
__scs_entry_jumppad:
0x0: {  	(pc) =	sbr.rel $0x88, $3  }
0x1: {  	(tag) =	ssettag $0x0;
	lr =	simm.s32 $0x1  }
0x2: {  	[smem:$0x3F9A] =	sst lr;
	_ =	strace $0xD0000000  }
0x3: {  	_ = 	snop  }
0x4: {  	_ = 	snop  }
0x5: {  	_ = 	snop  }
0x6: {  	_ = 	snop  }
0x7: {  	_ = 	snop  }
__scs_overlays_trampoline_lowered:
0x8: {  	[smem:$0x3FA9] =	sst s0  }
0x9: {  	[smem:$0x3FAA] =	sst s1  }
0xa: {  	[smem:$0x3FAB] =	sst s2  }
0xb: {  	[smem:$0x3FAC] =	sst s3  }
0xc: {  	[smem:$0x3FAD] =	sst s4  }
0xd: {  	[smem:$0x3FAE] =	sst s5  }
0xe: {  	[smem:$0x3FAF] =	sst s6  }
0xf: {  	[smem:$0x3FB0] =	sst s7  }
0x10: {  	[smem:$0x3FB1] =	sst s8  }
0x11: {  	[smem:$0x3FB2] =	sst s9;
	s0 =	simm.s32 @!p0 $0x0  }
0x12: {  	s1 =	sld [smem:$0x3F98];
	s0 =	simm.s32 @p0 $0x1  }
0x13: {  	[smem:$0x3FB3] =	sst s0;
	s0 =	simm.s32 @!p1 $0x0  }
0x14: {  	s2 =	sld [smem:$0x3F97];
	s0 =	simm.s32 @p1 $0x1  }
0x15: {  	[smem:$0x3FB4] =	sst s0;
	s0 =	simm.s32 @!p2 $0x0  }
0x16: {  	s3 =	sld [smem:$0x3FDB];
	s0 =	simm.s32 @p2 $0x1  }
0x17: {  	s4 =	simm.s32 $0x1BF5;
	[smem:$0x3FB6] =	sst s0  }
0x18: {  	s0 =	sld [smem:$0x3F99];
	_ =	swait.ge [sflag:s4], $0x0  }
0x19: {  	s7 =	sld [smem:$0x3F9A]  }
0x1a: {  	s8 =	sadd.s32 $0xFFFFE003, lr  }
0x1b: {  	s9 =	sadd.s32 $0xFFFFFEF7, lr;
	s5 =	simm.s32 $0xFFFFFFFF;
	p2 =	slt.u32 s8, $0xFFFFF086  }
0x1c: {  	p1 =	slt.u32 s9, $0xF7A;
	s5 =	simm.s32 @!p2 $0x0  }
0x1d: {  	s5 =	simm.s32 @p1 $0x1;
	p0 =	seq.s32 s7, s2  }
0x1e: {  	s7 =	smul.u32 @!p0 $0xF7A, s2;
	p2 =	seq.s32 @!p0 s5, $0x0  }
0x1f: {  	s9 =	smul.u32 $0xF7A, s1;
	s8 =	simm.s32 @!p0 $0x1BF5;
	p2 =	por !p2, p0  }
0x20: {  	[sflag:s8] =	ssyncset.s32 @!p0 $0xFFFFF086;
	s6 =	sadd.s32 @!p0 s3, s7;
	s7 =	simm.s32 @!p0 $0x108  }
0x21: {  	s3 =	sadd.s32 s3, s9;
	s6 =	sadd.s32 @!p0 $0x88, s6;
	s7 =	simm.s32 @p2 $0x1082  }
0x22: {  	[simem:s7], [sflag:s8] =	dma.local @!p0 [hbm:s6], $0xF7A  }
0x23: {  	s9 =	sor.u32 $0xD0000000, s2;
	s6 =	simm.s32 $0x108;
	_ =	swait.ge @!p0 [sflag:s8], $0x0  }
0x24: {  	s3 =	sadd.s32 $0x88, s3;
	s6 =	simm.s32 @!p1 $0x1082;
	[sflag:s4] =	ssyncset.s32 $0xFFFFF086  }
0x25: {  	[simem:s6], [sflag:s4] =	dma.local [hbm:s3], $0xF7A  }
0x26: {  	[smem:$0x3F9A] =	sst s1;
	(tag) =	ssettag s2;
	_ =	strace s9  }
0x27: {  	s1 =	sld [smem:$0x3FAA]  }
0x28: {  	s2 =	sld [smem:$0x3FAB]  }
0x29: {  	s4 =	sld [smem:$0x3FAD]  }
0x2a: {  	p0 =	seq.s32 s5, $0x0;
	s5 =	sld [smem:$0x3FAE]  }
0x2b: {  	s6 =	sld [smem:$0x3FAF]  }
0x2c: {  	s7 =	sld [smem:$0x3FB0]  }
0x2d: {  	s3 =	simm.s32 $0x108;
	s8 =	sld [smem:$0x3FB1]  }
0x2e: {  	s3 =	simm.s32 @!p0 $0x1082;
	s9 =	sld [smem:$0x3FB2]  }
0x2f: {  	lr =	sadd.s32 s0, s3;
	s0 =	sld [smem:$0x3FA9]  }
0x30: {  	s3 =	sld [smem:$0x3FAC]  }
0x31: {  	[smem:$0x3FB5] =	sst s10  }
0x32: {  	s10 =	sld [smem:$0x3FB3];
	_ =	sdelay $0x3  }
0x33: {  	p0 =	seq.s32 s10, $0x1;
	s10 =	sld [smem:$0x3FB5];
	_ =	sdelay $0x3  }
0x34: {  	[smem:$0x3FB5] =	sst s10  }
0x35: {  	s10 =	sld [smem:$0x3FB4];
	_ =	sdelay $0x3  }
0x36: {  	p1 =	seq.s32 s10, $0x1;
	s10 =	sld [smem:$0x3FB5];
	_ =	sdelay $0x3  }
0x37: {  	[smem:$0x3FB5] =	sst s10  }
0x38: {  	s10 =	sld [smem:$0x3FB6]  }
0x39: {  	_ = 	snop;
	(pc) =	sbr.ind lr, $3  }
0x3a: {  	_ = 	snop  }
0x3b: {  	_ = 	snop  }
0x3c: {  	p2 =	seq.s32 s10, $0x1;
	s10 =	sld [smem:$0x3FB5]  }
0x3d: {  	_ =	shalt  }
0x3e: {  	_ =	shalt  }
0x3f: {  	_ =	shalt  }
0x40: {  	_ =	shalt  }
0x41: {  	_ =	shalt  }
0x42: {  	_ =	shalt  }
0x43: {  	_ =	shalt  }
0x44: {  	_ =	shalt  }
0x45: {  	_ =	shalt  }
0x46: {  	_ =	shalt  }
0x47: {  	_ =	shalt  }
0x48: {  	_ =	shalt  }
0x49: {  	_ =	shalt  }
0x4a: {  	_ =	shalt  }
0x4b: {  	_ =	shalt  }
0x4c: {  	_ =	shalt  }
0x4d: {  	_ =	shalt  }
0x4e: {  	_ =	shalt  }
0x4f: {  	_ =	shalt  }
0x50: {  	_ =	shalt  }
0x51: {  	_ =	shalt  }
0x52: {  	_ =	shalt  }
0x53: {  	_ =	shalt  }
0x54: {  	_ =	shalt  }
0x55: {  	_ =	shalt  }
0x56: {  	_ =	shalt  }
0x57: {  	_ =	shalt  }
0x58: {  	_ =	shalt  }
0x59: {  	_ =	shalt  }
0x5a: {  	_ =	shalt  }
0x5b: {  	_ =	shalt  }
0x5c: {  	_ =	shalt  }
0x5d: {  	_ =	shalt  }
0x5e: {  	_ =	shalt  }
0x5f: {  	_ =	shalt  }
0x60: {  	_ =	shalt  }
0x61: {  	_ =	shalt  }
0x62: {  	_ =	shalt  }
0x63: {  	_ =	shalt  }
0x64: {  	_ =	shalt  }
0x65: {  	_ =	shalt  }
0x66: {  	_ =	shalt  }
0x67: {  	_ =	shalt  }
0x68: {  	_ =	shalt  }
0x69: {  	_ =	shalt  }
0x6a: {  	_ =	shalt  }
0x6b: {  	_ =	shalt  }
0x6c: {  	_ =	shalt  }
0x6d: {  	_ =	shalt  }
0x6e: {  	_ =	shalt  }
0x6f: {  	_ =	shalt  }
0x70: {  	_ =	shalt  }
0x71: {  	_ =	shalt  }
0x72: {  	_ =	shalt  }
0x73: {  	_ =	shalt  }
0x74: {  	_ =	shalt  }
0x75: {  	_ =	shalt  }
0x76: {  	_ =	shalt  }
0x77: {  	_ =	shalt  }
0x78: {  	_ =	shalt  }
0x79: {  	_ =	shalt  }
0x7a: {  	_ =	shalt  }
0x7b: {  	_ =	shalt  }
0x7c: {  	_ =	shalt  }
0x7d: {  	_ =	shalt  }
0x7e: {  	_ =	shalt  }
0x7f: {  	_ =	shalt  }
0x80: {  	_ =	shalt  }
0x81: {  	_ =	shalt  }
0x82: {  	_ =	shalt  }
0x83: {  	_ =	shalt  }
0x84: {  	_ =	shalt  }
0x85: {  	_ =	shalt  }
0x86: {  	_ =	shalt  }
0x87: {  	_ =	shalt  }
.Lfunc_end0:
.L_simem_size_0:
called_computation.3_lowered:
.L_overlay_start_0:
0x88: {  	s2 =	sld [smem:$0x3FD9]  }
0x89: {  	s3 =	sld [smem:$0x3FFE];
	_ =	sdelay $0x1  }
0x8a: {  	s1 =	srdreg.scid  }
0x8b: {  	s0 =	sand.u32 $0x1, s1  }
0x8c: {  	s17 =	sshll.u32 s0, $0xA;
	s2 =	sadd.s32 s3, s2  }
0x8d: {  	s2 =	sadd.s32 s2, s17  }
0x8e: {  	[smem:$0x3FC1] =	sst s2  }
0x8f: {  	_ = 	snop  }
0x90: {  	s2 =	sld [smem:$0x3FD0];
	(tm) =	ssettm $0x1  }
0x91: {  	s18 =	sld [smem:$0x3FFB];
	_ =	sdelay $0x3  }
0x92: {  	_ =	strace s18  }
0x93: {  	s3 =	sld [smem:$0x3FFC];
	_ =	sdelay $0x3  }
0x94: {  	_ =	strace s3  }
0x95: {  	s3 =	sld [smem:$0x3FFD];
	_ =	sdelay $0x3  }
0x96: {  	_ =	strace s3  }
0x97: {  	_ =	strace $0x8FFFFFFF  }
0x98: {  	s19 =	sld [smem:$0x3FDB];
	_ =	sdelay $0x1  }
0x99: {  	s4 =	simm.s32 $_scs_section_size  }
0x9a: {  	s5 =	simm.s32 $_size__tile_overlayer_lowered;
	s6 =	simm.s32 $_tile_overlayer_lowered  }
0x9b: {  	s22 =	simm.s32 $0x1BFF;
	s21 =	sshll.u32 s6, $0x1;
	s3 =	sadd.s32 s4, s19  }
0x9c: {  	s7 =	simm.s32 $0x0;
	s20 =	sshll.u32 s5, $0x1;
	s5 =	sadd.s32 s21, s3  }
0x9d: {  	[timem:s7], [sflag:s22] =	dma.local [hbm:s5], s20  }
0x9e: {  	_ =	swait.ge [sflag:s22], s20  }
0x9f: {  	s4 =	ssub.s32 $0x0, s20;
	[sflag:s22] =	ssyncset.done $0x0  }
0xa0: {  	[sflag:s22] =	ssyncadd.s32 s4;
	_ =	sdelay $0x1  }
0xa1: {  	s23 =	simm.s32 $0x1B8B  }
0xa2: {  	_ =	swait.ge [sflag:s23], $0x1  }
0xa3: {  	[sflag:s23] =	ssyncset.done $0x0  }
0xa4: {  	s25 =	simm.s32 $0x1B8E;
	s24 =	sld [smem:$0x3FFE];
	[sflag:s23] =	ssyncadd.s32 $0xFFFFFFFF  }
0xa5: {  	s26 =	simm.s32 $execute0_lowered;
	[smem:$0x3FD2] =	sst s25  }
0xa6: {  	s5 =	sshll.u32 s26, $0x1;
	_ =	strace $0x8000004F;
	[dreg:$0x1] =	wrdreg $0xFFFFFFFF  }
0xa7: {  	s28 =	simm.s32 $_size_execute0_lowered;
	s3 =	sadd.s32 s3, s5;
	[dreg:$0x0] =	wrdreg $0x0  }
0xa8: {  	s5 =	sshll.u32 s28, $0x1;
	[dreg:$0x2] =	wrdreg s3  }
0xa9: {  	[dreg:$0x3] =	wrdreg s5  }
0xaa: {  	[dreg:$0x4] =	wrdreg $0xC0  }
0xab: {  	_ =	task [dreg:s7], $0x5FFFF  }
0xac: {  	[dreg:$0x1] =	wrdreg $0xFFFFFFFF  }
0xad: {  	[dreg:$0x0] =	wrdreg $0x60  }
0xae: {  	[dreg:$0x2] =	wrdreg s24  }
0xaf: {  	[dreg:$0x3] =	wrdreg s2  }
0xb0: {  	[dreg:$0x4] =	wrdreg $0x9  }
0xb1: {  	_ =	task.clear_ibuf [dreg:s7], $0x5FFFF;
	_ =	strace $0x9000004F  }
0xb2: {  	s29 =	simm.s32 $0x9;
	_ =	strace $0x80000051  }
0xb3: {  	_ =	swait.ge [sflag:s29], $0x1  }
0xb4: {  	[sflag:s29] =	ssyncadd.s32 $0xFFFFFFFF  }
0xb5: {  	_ =	strace $0x90000051  }
0xb6: {  	_ =	sfence  }
0xb7: {  	s30 =	sld [smem:$0x0];
	_ =	sdelay $0x2  }
0xb8: {  	s31 =	sshll.u32 s1, $0xD;
	s1 =	sshrl.u32 s1, $0x2  }
0xb9: {  	s3 =	sand.u32 $0x4000, s31;
	s1 =	sadd.s32 s1, s30  }
0xba: {  	s0 =	sor.u32 s3, s0;
	s1 =	sshll.u32 s1, $0x11  }
0xbb: {  	s0 =	sor.u32 s1, s0  }
0xbc: {  	s0 =	sadd.s32 $0x8F2B, s0  }
0xbd: {  	[sflag:s0] =	ssyncadd.remote.s32 $0x1  }
0xbe: {  	_ =	sfence.sel $0xFFFF  }
0xbf: {  	[dreg:$0x0] =	wrdreg $0xFFFFFFFF;
	(pc) =	sbr.abs _section_cstart, $3  }
0xc0: {  	[dreg:$0x1] =	wrdreg $0xFFFFFFFF  }
0xc1: {  	_ =	task.clear_ibuf [dreg:s7], $0x2FFFF;
	_ =	strace $0x9FFFFFFF  }
0xc2: {  	(tm) =	ssettm $0x7FFFFFFF  }
0xc3: {  	_ =	shalt  }
tec
execute0_lowered:
.L_overlay_start_1:
0x0: {  	(tag) =	ssettag $0x1  }
0x1: {  	s0 =	rddreg [dreg:$0x0]  }
0x2: {  	s1 =	rddreg [dreg:$0x1]  }
0x3: {  	s2 =	simm.s32 $0x0;
	s3 =	srdreg.scid;
	s11 =	simm.s32 $0x11300  }
0x4: {  	s12 =	simm.s32 $0x1;
	s13 =	simm.s32 $0xC80;
	s14 =	simm.s32 $0x1900  }
0x5: {  	s15 =	simm.s32 $0x2580;
	s16 =	simm.s32 $0x3200;
	s17 =	simm.s32 $0x3E80  }
0x6: {  	s18 =	simm.s32 $0x0;
	[smem:$0x7FF] =	sst s2;
	s5 =	sand.u32 $0x1, s3  }
0x7: {  	s4 =	sadd.s32 $0x3C00, s0;
	s3 =	stileid.u32;
	s7 =	ssub.s32 $0x2, s5  }
0x8: {  	_ =	strace $0x80000050;
	s6 =	sshll.u32 s5, $0x4;
	s8 =	sshrl.u32 s7, $0x1  }
0x9: {  	s5 =	sadd.s32 $0x34A00, s0;
	s9 =	sor.u32 s3, s6;
	s30 =	ssub.s32 s7, s8  }
0xa: {  	s31 =	smul.u32 $0x7, s9;
	p0 =	slt.u32 s9, $0x1A;
	s7 =	simm.s32 $0x8  }
0xb: {  	s6 =	sadd.s32 $0x36400, s0;
	s10 =	smin.u32 s9, $0x1A;
	s7 =	simm.s32 @!p0 $0x7  }
0xc: {  	s9 =	smax.u32 s30, $0x1;
	s8 =	sadd.s32 s10, s31;
	s10 =	simm.s32 $0x4B00  }
.LBB2_1:
0xd: {  	[tilespmem:s10], [sflag:$0x1] =	stream.linear.gather [hbm4b:s5+s2], $0xC800, $0x38;
	[tilespmem:$0x1DB00] =	vst v63  }
0xe: {  	_ = 	snop  }
0xf: {  	[tilespmem:s11], [sflag:$0x1] =	stream.linear.gather [hbm4b:s6+s2], $0xC800, $0x38;
	[tilespmem:$0x1DB00] =	vst v63  }
0x10: {  	_ =	swait.ge [sflag:s12], $0xC800  }
0x11: {  	[sflag:s12] =	ssyncset.done $0x0  }
0x12: {  	[sflag:s12] =	ssyncadd.s32 $0xFFFF3800  }
0x13: {  	_ =	swait.ge [sflag:s12], $0xC800  }
0x14: {  	[sflag:s12] =	ssyncset.done $0x0  }
0x15: {  	s19 =	simm.s32 $0x0;
	[sflag:s12] =	ssyncadd.s32 $0xFFFF3800  }
.LBB2_2:
0x16: {  	s0 =	sadd.s32 s19, s8  }
0x17: {  	s0 =	smul.u32 $0xC80, s0;
	_ =	sdelay $0x1  }
0x18: {  	s20 =	sshrl.u32 s0, $0x3  }
0x19: {  	s0 =	sadd.s32 s4, s20;
	s21 =	sadd.s32 $0x186A0, s20  }
0x1a: {  	[tilespmem:s2], [sflag:$0x1] =	stream.linear.gather [hbm4b:s0+s2], $0xC80, $0x38;
	[tilespmem:$0x1DB00] =	vst v63  }
0x1b: {  	s25 =	sadd.s32 s4, s21  }
0x1c: {  	[tilespmem:s13], [sflag:$0x1] =	stream.linear.gather [hbm4b:s25+s2], $0xC80, $0x38;
	[tilespmem:$0x1DB00] =	vst v63  }
0x1d: {  	_ =	swait.ge [sflag:s12], $0xC80  }
0x1e: {  	[sflag:s12] =	ssyncset.done $0x0  }
0x1f: {  	[sflag:s12] =	ssyncadd.s32 $0xFFFFF380  }
0x20: {  	_ =	swait.ge [sflag:s12], $0xC80  }
0x21: {  	[sflag:s12] =	ssyncset.done $0x0  }
0x22: {  	s26 =	simm.s32 $0xCC0;
	[sflag:s12] =	ssyncadd.s32 $0xFFFFF380  }
0x23: {  	s22 =	simm.s32 $0x40;
	v0 =	vld [tilespmem:s26+$0x10]  }
0x24: {  	v5 =	vld [tilespmem:s22+$0xFFFFFFD0]  }
0x25: {  	v6 =	vld [tilespmem:s22+$0xFFFFFFE0]  }
0x26: {  	v1 =	vld [tilespmem:s26+$0xFFFFFFC0]  }
0x27: {  	v7 =	vld [tilespmem:s22+$0xFFFFFFF0]  }
0x28: {  	v8 =	vld [tilespmem:s22+$0x0]  }
0x29: {  	v9 =	vld [tilespmem:s22+$0x20]  }
0x2a: {  	v3 =	vld [tilespmem:s26+$0x0]  }
0x2b: {  	v10 =	vld [tilespmem:s26+$0xFFFFFFF0]  }
0x2c: {  	v2 =	vld [tilespmem:s26+$0x30]  }
0x2d: {  	v11 =	vld [tilespmem:s22+$0x30]  }
0x2e: {  	v12 =	vld [tilespmem:s26+$0x20]  }
0x2f: {  	v15 =	vld [tilespmem:s22+$0x10]  }
0x30: {  	v60 =	vld [tilespmem:s22+$0xFFFFFFC0]  }
0x31: {  	v17 =	vld [tilespmem:s26+$0xFFFFFFE0]  }
0x32: {  	v4 =	vld.idx.msk [tilespmem:v7+s10+$0x0], $0xffff  }
0x33: {  	v13 =	vld.idx.msk [tilespmem:v6+s10+$0x0], $0xffff  }
0x34: {  	v14 =	vld.idx.msk [tilespmem:v9+s10+$0x0], $0xffff  }
0x35: {  	v16 =	vld.idx.msk [tilespmem:v5+s10+$0x0], $0xffff  }
0x36: {  	v61 =	vld.idx.msk [tilespmem:v11+s10+$0x0], $0xffff  }
0x37: {  	s23 =	simm.s32 $0x1940;
	v18 =	vld.idx.msk [tilespmem:v15+s10+$0x0], $0xffff  }
0x38: {  	v63 =	vld.idx.msk [tilespmem:v60+s10+$0x0], $0xffff;
	[tilespmem:s23+$0xFFFFFFF0] =	vst v4  }
0x39: {  	[tilespmem:s23+$0xFFFFFFE0] =	vst v13;
	v7 =	vld.idx.msk [tilespmem:v7+s11+$0x0], $0xffff  }
0x3a: {  	v6 =	vld.idx.msk [tilespmem:v6+s11+$0x0], $0xffff  }
0x3b: {  	v4 =	vld [tilespmem:s26+$0xFFFFFFD0];
	[tilespmem:s23+$0x20] =	vst v14  }
0x3c: {  	[tilespmem:s23+$0xFFFFFFD0] =	vst v16;
	v9 =	vld.idx.msk [tilespmem:v9+s11+$0x0], $0xffff  }
0x3d: {  	s24 =	simm.s32 $0x25C0;
	[tilespmem:s23+$0x30] =	vst v61;
	v5 =	vld.idx.msk [tilespmem:v5+s11+$0x0], $0xffff  }
0x3e: {  	[tilespmem:s24+$0xFFFFFFF0] =	vst v7;
	v7 =	vld.idx.msk [tilespmem:v8+s10+$0x0], $0xffff  }
0x3f: {  	[tilespmem:s24+$0xFFFFFFE0] =	vst v6;
	v6 =	vld.idx.msk [tilespmem:v10+s10+$0x0], $0xffff  }
0x40: {  	[tilespmem:s23+$0x10] =	vst v18;
	v62 =	vld.idx.msk [tilespmem:v17+s10+$0x0], $0xffff  }
0x41: {  	v15 =	vld.idx.msk [tilespmem:v15+s11+$0x0], $0xffff;
	[tilespmem:s24+$0x20] =	vst v9  }
0x42: {  	[tilespmem:s24+$0xFFFFFFD0] =	vst v5;
	v9 =	vld.idx.msk [tilespmem:v12+s10+$0x0], $0xffff  }
0x43: {  	s25 =	simm.s32 $0x3240;
	[tilespmem:s23+$0x0] =	vst v7;
	v7 =	vld.idx.msk [tilespmem:v4+s10+$0x0], $0xffff  }
0x44: {  	[tilespmem:s25+$0xFFFFFFF0] =	vst v6;
	v6 =	vld.idx.msk [tilespmem:v8+s11+$0x0], $0xffff  }
0x45: {  	[tilespmem:s25+$0xFFFFFFE0] =	vst v62;
	v10 =	vld.idx.msk [tilespmem:v10+s11+$0x0], $0xffff  }
0x46: {  	[tilespmem:s23+$0xFFFFFFC0] =	vst v63;
	v16 =	vld.idx.msk [tilespmem:v17+s11+$0x0], $0xffff  }
0x47: {  	[tilespmem:s24+$0x10] =	vst v15;
	v8 =	vld.idx.msk [tilespmem:v60+s11+$0x0], $0xffff  }
0x48: {  	[tilespmem:s25+$0x20] =	vst v9;
	v9 =	vld.idx.msk [tilespmem:v11+s11+$0x0], $0xffff  }
0x49: {  	s26 =	simm.s32 $0x3EC0;
	v5 =	vld.idx.msk [tilespmem:v12+s11+$0x0], $0xffff;
	[tilespmem:s24+$0x0] =	vst v6  }
0x4a: {  	s28 =	simm.s32 $0x0;
	s29 =	simm.s32 $0x3F40;
	v6 =	vld.idx.msk [tilespmem:v0+s10+$0x0], $0xffff;
	[tilespmem:s26+$0xFFFFFFF0] =	vst v10  }
0x4b: {  	s30 =	simm.s32 $0xD40;
	s31 =	simm.s32 $0x2640;
	s0 =	simm.s32 $0x32C0;
	[tilespmem:s26+$0xFFFFFFE0] =	vst v16;
	v10 =	vld.idx.msk [tilespmem:v3+s10+$0x0], $0xffff  }
.LBB2_3:
0x4c: {  	v11 =	vld [tilespmem:s30+$0x10];
	s28 =	sadd.s32 $0x8, s28;
	[tilespmem:s25+$0xFFFFFFD0] =	vst v7;
	s22 =	sadd.s32 $0x80, s22;
	s23 =	sadd.s32 $0x80, s23  }
0x4d: {  	p0 =	slt.u32 s28, $0xC0;
	[tilespmem:s24+$0xFFFFFFC0] =	vst v8;
	v4 =	vld.idx.msk [tilespmem:v4+s11+$0x0], $0xffff  }
0x4e: {  	v7 =	vld [tilespmem:s22+$0xFFFFFFD0];
	[tilespmem:s24+$0x30] =	vst v9;
	s24 =	smov.u32 s31  }
0x4f: {  	v8 =	vld [tilespmem:s22+$0xFFFFFFE0];
	[tilespmem:s25+$0x10] =	vst v6  }
0x50: {  	v6 =	vld [tilespmem:s30+$0xFFFFFFC0];
	[tilespmem:s26+$0x20] =	vst v5  }
0x51: {  	v5 =	vld [tilespmem:s22+$0xFFFFFFF0];
	[tilespmem:s25+$0x0] =	vst v10  }
0x52: {  	v9 =	vld [tilespmem:s22+$0x0]  }
0x53: {  	[tilespmem:s26+$0xFFFFFFD0] =	vst v4;
	v4 =	vld.idx.msk [tilespmem:v2+s10+$0x0], $0xffff  }
0x54: {  	v10 =	vld [tilespmem:s22+$0x20]  }
0x55: {  	v12 =	vld [tilespmem:s30+$0x0]  }
0x56: {  	v13 =	vld [tilespmem:s30+$0xFFFFFFF0]  }
0x57: {  	v14 =	vld [tilespmem:s30+$0x30]  }
0x58: {  	v15 =	vld [tilespmem:s22+$0x30]  }
0x59: {  	v16 =	vld.idx.msk [tilespmem:v3+s11+$0x0], $0xffff;
	[tilespmem:s25+$0x30] =	vst v4  }
0x5a: {  	v17 =	vld [tilespmem:s30+$0x20];
	v3 =	vmov v12  }
0x5b: {  	v4 =	vld.idx.msk [tilespmem:v2+s11+$0x0], $0xffff  }
0x5c: {  	v12 =	vld.idx.msk [tilespmem:v1+s10+$0x0], $0xffff;
	v2 =	vmov v14  }
0x5d: {  	v14 =	vld.idx.msk [tilespmem:v0+s11+$0x0], $0xffff;
	v0 =	vmov v11  }
0x5e: {  	v11 =	vld.idx.msk [tilespmem:v5+s10+$0x0], $0xffff  }
0x5f: {  	v18 =	vld.idx.msk [tilespmem:v8+s10+$0x0], $0xffff;
	[tilespmem:s26+$0x0] =	vst v16  }
0x60: {  	v16 =	vld.idx.msk [tilespmem:v10+s10+$0x0], $0xffff  }
0x61: {  	v19 =	vld [tilespmem:s22+$0x10];
	[tilespmem:s26+$0x30] =	vst v4  }
0x62: {  	v20 =	vld.idx.msk [tilespmem:v7+s10+$0x0], $0xffff;
	[tilespmem:s25+$0xFFFFFFC0] =	vst v12;
	s25 =	smov.u32 s0  }
0x63: {  	v12 =	vld.idx.msk [tilespmem:v1+s11+$0x0], $0xffff;
	[tilespmem:s26+$0x10] =	vst v14;
	v1 =	vmov v6  }
0x64: {  	v6 =	vld [tilespmem:s30+$0xFFFFFFE0];
	[tilespmem:s23+$0xFFFFFFF0] =	vst v11  }
0x65: {  	v4 =	vld [tilespmem:s30+$0xFFFFFFD0];
	[tilespmem:s23+$0xFFFFFFE0] =	vst v18  }
0x66: {  	v5 =	vld.idx.msk [tilespmem:v5+s11+$0x0], $0xffff;
	[tilespmem:s23+$0x20] =	vst v16  }
0x67: {  	v8 =	vld.idx.msk [tilespmem:v8+s11+$0x0], $0xffff  }
0x68: {  	v11 =	vld [tilespmem:s22+$0xFFFFFFC0]  }
0x69: {  	v14 =	vld.idx.msk [tilespmem:v15+s10+$0x0], $0xffff;
	[tilespmem:s26+$0xFFFFFFC0] =	vst v12;
	s26 =	smov.u32 s29  }
0x6a: {  	[tilespmem:s23+$0xFFFFFFD0] =	vst v20;
	v10 =	vld.idx.msk [tilespmem:v10+s11+$0x0], $0xffff  }
0x6b: {  	v12 =	vld.idx.msk [tilespmem:v19+s10+$0x0], $0xffff  }
0x6c: {  	[tilespmem:s31+$0xFFFFFFF0] =	vst v5;
	v5 =	vld.idx.msk [tilespmem:v9+s10+$0x0], $0xffff  }
0x6d: {  	[tilespmem:s31+$0xFFFFFFE0] =	vst v8;
	v8 =	vld.idx.msk [tilespmem:v13+s10+$0x0], $0xffff  }
0x6e: {  	v16 =	vld.idx.msk [tilespmem:v6+s10+$0x0], $0xffff  }
0x6f: {  	v7 =	vld.idx.msk [tilespmem:v7+s11+$0x0], $0xffff;
	[tilespmem:s23+$0x30] =	vst v14  }
0x70: {  	v14 =	vld.idx.msk [tilespmem:v11+s10+$0x0], $0xffff;
	[tilespmem:s31+$0x20] =	vst v10  }
0x71: {  	[tilespmem:s23+$0x10] =	vst v12;
	v10 =	vld.idx.msk [tilespmem:v17+s10+$0x0], $0xffff  }
0x72: {  	[tilespmem:s23+$0x0] =	vst v5;
	v5 =	vld.idx.msk [tilespmem:v19+s11+$0x0], $0xffff  }
0x73: {  	[tilespmem:s0+$0xFFFFFFF0] =	vst v8;
	v12 =	vld.idx.msk [tilespmem:v9+s11+$0x0], $0xffff  }
0x74: {  	[tilespmem:s0+$0xFFFFFFE0] =	vst v16;
	v13 =	vld.idx.msk [tilespmem:v13+s11+$0x0], $0xffff  }
0x75: {  	[tilespmem:s31+$0xFFFFFFD0] =	vst v7;
	v16 =	vld.idx.msk [tilespmem:v6+s11+$0x0], $0xffff  }
0x76: {  	[tilespmem:s23+$0xFFFFFFC0] =	vst v14;
	v7 =	vld.idx.msk [tilespmem:v4+s10+$0x0], $0xffff  }
.Ltmp0:
0x77: {  	v8 =	vld.idx.msk [tilespmem:v11+s11+$0x0], $0xffff;
	[tilespmem:s0+$0x20] =	vst v10;
	(pc) =	sbr.rel @p0 .LBB2_3-.Ltmp0, $4  }
0x78: {  	[tilespmem:s31+$0x10] =	vst v5;
	v9 =	vld.idx.msk [tilespmem:v15+s11+$0x0], $0xffff  }
0x79: {  	[tilespmem:s31+$0x0] =	vst v12;
	v6 =	vld.idx.msk [tilespmem:v0+s10+$0x0], $0xffff  }
0x7a: {  	s29 =	sadd.s32 $0x80, s29;
	[tilespmem:s26+$0xFFFFFFF0] =	vst v13;
	v5 =	vld.idx.msk [tilespmem:v17+s11+$0x0], $0xffff  }
0x7b: {  	s30 =	sadd.s32 $0x80, s30;
	s0 =	sadd.s32 $0x80, s0;
	s31 =	sadd.s32 $0x80, s31;
	[tilespmem:s26+$0xFFFFFFE0] =	vst v16;
	v10 =	vld.idx.msk [tilespmem:v3+s10+$0x0], $0xffff  }
0x7c: {  	_ =	sdelay $0x2  }
0x7d: {  	[tilespmem:s24+$0xFFFFFFC0] =	vst v8  }
0x7e: {  	[tilespmem:s24+$0x30] =	vst v9;
	v8 =	vld.idx.msk [tilespmem:v1+s10+$0x0], $0xffff  }
0x7f: {  	v9 =	vld.idx.msk [tilespmem:v2+s10+$0x0], $0xffff  }
0x80: {  	[tilespmem:s25+$0xFFFFFFD0] =	vst v7  }
0x81: {  	v4 =	vld.idx.msk [tilespmem:v4+s11+$0x0], $0xffff;
	[tilespmem:s25+$0x10] =	vst v6  }
0x82: {  	v0 =	vld.idx.msk [tilespmem:v0+s11+$0x0], $0xffff;
	[tilespmem:s25+$0x0] =	vst v10  }
0x83: {  	v3 =	vld.idx.msk [tilespmem:v3+s11+$0x0], $0xffff;
	[tilespmem:s25+$0xFFFFFFC0] =	vst v8  }
0x84: {  	[tilespmem:s25+$0x30] =	vst v9;
	v63 =	vld.idx.msk [tilespmem:v1+s11+$0x0], $0xffff  }
0x85: {  	[tilespmem:s26+$0x20] =	vst v5;
	v62 =	vld.idx.msk [tilespmem:v2+s11+$0x0], $0xffff  }
0x86: {  	[tilespmem:s26+$0xFFFFFFD0] =	vst v4  }
0x87: {  	[tilespmem:s26+$0x10] =	vst v0  }
0x88: {  	[tilespmem:s26+$0x0] =	vst v3  }
0x89: {  	[tilespmem:s26+$0xFFFFFFC0] =	vst v63  }
0x8a: {  	s0 =	sadd.s32 s1, s20;
	[tilespmem:s26+$0x30] =	vst v62  }
0x8b: {  	[hbm4b:s0+s2] =	stream.linear.scatter [tilespmem:s14], [sflag:$0x1], $0xC80, $0x38;
	[tilespmem:$0x1DB00] =	vst v63  }
0x8c: {  	s30 =	sadd.s32 s1, s21  }
0x8d: {  	[hbm4b:s30+s2] =	stream.linear.scatter [tilespmem:s15], [sflag:$0x1], $0xC80, $0x38;
	[tilespmem:$0x1DB00] =	vst v63  }
0x8e: {  	s31 =	sadd.s32 $0x30D40, s0  }
0x8f: {  	[hbm4b:s31+s2] =	stream.linear.scatter [tilespmem:s16], [sflag:$0x1], $0xC80, $0x38;
	[tilespmem:$0x1DB00] =	vst v63  }
0x90: {  	s0 =	sadd.s32 $0x493E0, s0  }
0x91: {  	[hbm4b:s0+s2] =	stream.linear.scatter [tilespmem:s17], [sflag:$0x1], $0xC80, $0x38;
	[tilespmem:$0x1DB00] =	vst v63  }
0x92: {  	_ =	swait.ge [sflag:s12], $0xC80  }
0x93: {  	[sflag:s12] =	ssyncset.done $0x0  }
0x94: {  	[sflag:s12] =	ssyncadd.s32 $0xFFFFF380  }
0x95: {  	_ =	swait.ge [sflag:s12], $0xC80  }
0x96: {  	[sflag:s12] =	ssyncset.done $0x0  }
0x97: {  	s19 =	sadd.s32 $0x1, s19;
	[sflag:s12] =	ssyncadd.s32 $0xFFFFF380  }
0x98: {  	p0 =	sne.s32 s19, s7;
	_ =	swait.ge [sflag:s12], $0xC80  }
.Ltmp1:
0x99: {  	[sflag:s12] =	ssyncset.done $0x0;
	(pc) =	sbr.rel @p0 .LBB2_2-.Ltmp1, $4  }
0x9a: {  	[sflag:s12] =	ssyncadd.s32 $0xFFFFF380  }
0x9b: {  	_ =	swait.ge [sflag:s12], $0xC80  }
0x9c: {  	[sflag:s12] =	ssyncset.done $0x0  }
0x9d: {  	[sflag:s12] =	ssyncadd.s32 $0xFFFFF380  }
0x9e: {  	s18 =	sadd.s32 $0x1, s18  }
0x9f: {  	p0 =	sne.s32 s18, s9  }
.Ltmp2:
0xa0: {  	_ = 	snop;
	(pc) =	sbr.rel @p0 .LBB2_1-.Ltmp2, $1  }
0xa1: {  	_ =	sdelay $0x3  }
0xa2: {  	_ =	sfence.sel $0x180000  }
0xa3: {  	[bflag:$0x0] =	sbarrier.arrive $0xFFFF  }
0xa4: {  	_ =	strace $0x90000050  }
0xa5: {  	[bflag:$0x2] =	sbarrier.arrive $0xFFFF  }
0xa6: {  	p0 =	sne.s32 s3, $0x0;
	s0 =	rddreg [dreg:$0x2]  }
0xa7: {  	s0 =	sadd.s32 @!p0 $0x100000, s0  }
0xa8: {  	[sflag:s0] =	ssyncadd.tile.s32 @!p0 $0x1;
	_ =	shalt  }
.Lfunc_end2:
_tile_overlayer_lowered:
.L_overlay_start_2:
0xa9: {  	(tag) =	ssettag $0x2  }
0xaa: {  	s0 =	rddreg [dreg:$0x0];
	s2 =	stileid.u32  }
0xab: {  	s1 =	rddreg [dreg:$0x1];
	p0 =	sne.s32 s2, $0x0  }
0xac: {  	s3 =	rddreg [dreg:$0x2];
	[bflag:$0x3] =	sbarrier.arrive $0xFFFF;
	s2 =	simm.s32 @!p0 $0x1C02  }
0xad: {  	[timem:s3], [sflag:s2] =	dma.local @!p0 [hbm:s0], s1  }
0xae: {  	s0 =	simm.s32 @!p0 $0x2  }
0xaf: {  	_ =	swait.ge @!p0 [sflag:s0], s1  }
0xb0: {  	s1 =	ssub.s32 @!p0 $0x0, s1;
	[sflag:s0] =	ssyncset.done @!p0 $0x0  }
0xb1: {  	[sflag:s0] =	ssyncadd.s32 @!p0 s1  }
0xb2: {  	[bflag:$0x3] =	sbarrier.arrive $0xFFFF  }
0xb3: {  	_ =	shalt  }

</sc_bundles>
